<compile_context>
chip_gen: v7x
topology: tpu7x:2x2x1
jax: 0.10.2.dev20260603
libtpu: 0.0.44.dev20260713+nightly
codegen_flags: <defaults>
</compile_context>

<pallas_src>
import jax
import jax.numpy as jnp
from jax import lax
from jax.experimental import pallas as pl
from jax.experimental.pallas import tpu as pltpu
from jax.experimental.pallas import tpu_sc as plsc

N = 10000
E = 320000
F = 128
NG = 64

NC = 2
NS = 16
NW = NC * NS
L = 16

E_PER_W = E // NW


def _deg_kernel_body(dst_hbm, deg_hbm, idx_v, ones_v, zeros_v, deg_sh):
    cid = lax.axis_index("c")
    sid = lax.axis_index("s")
    wid = cid * NS + sid
    base = wid * E_PER_W

    def fill(i, _):
        ones_v[pl.ds(i * L, L)] = jnp.full((L,), 1.0, jnp.float32)
        return ()
    lax.fori_loop(0, E_PER_W // L, fill, ())

    @pl.when(sid == 0)
    def _():
        def zfill(i, _):
            zeros_v[pl.ds(i * L, L)] = jnp.zeros((L,), jnp.float32)
            return ()
        lax.fori_loop(0, N // L, zfill, ())
        pltpu.sync_copy(zeros_v, deg_sh)

    plsc.subcore_barrier()

    pltpu.sync_copy(dst_hbm.at[pl.ds(base, E_PER_W)], idx_v)
    pltpu.sync_copy(ones_v, deg_sh.at[idx_v], add=True)

    plsc.subcore_barrier()

    @pl.when(sid == 0)
    def _():
        pltpu.sync_copy(deg_sh, deg_hbm.at[cid])


def _deg_partials(dst):
    mesh = plsc.VectorSubcoreMesh(core_axis_name="c", subcore_axis_name="s")
    return pl.kernel(
        _deg_kernel_body,
        out_type=jax.ShapeDtypeStruct((NC, N), jnp.float32),
        mesh=mesh,
        scratch_types=[
            pltpu.VMEM((E_PER_W,), jnp.int32),
            pltpu.VMEM((E_PER_W,), jnp.float32),
            pltpu.VMEM((N,), jnp.float32),
            pltpu.VMEM_SHARED((N,), jnp.float32),
        ],
    )(dst)


K = 40
NCHUNKS = E_PER_W // K
ROW_STRIDE = 624
ROW_SPAN = 640


NSLOT = 4


def _agg_body(y_hbm, srcw_hbm, dstw_hbm, zeros_hbm, acc_hbm,
              src_v, dst_v, b0, b1, b2, b3,
              g0, g1, g2, g3, s0, s1, s2, s3, acc_sh):
    bufs = (b0, b1, b2, b3)
    gsems = (g0, g1, g2, g3)
    ssems = (s0, s1, s2, s3)
    cid = lax.axis_index("c")
    sid = lax.axis_index("s")
    wid = cid * NS + sid

    rbase = sid * ROW_STRIDE
    pltpu.sync_copy(zeros_hbm.at[pl.ds(rbase, ROW_SPAN)],
                    acc_sh.at[pl.ds(rbase, ROW_SPAN)])

    ebase = wid * E_PER_W
    pltpu.sync_copy(srcw_hbm.at[pl.ds(ebase, E_PER_W)], src_v)
    pltpu.sync_copy(dstw_hbm.at[pl.ds(ebase, E_PER_W)], dst_v)

    plsc.subcore_barrier()

    def gather(j, s):
        pltpu.async_copy(y_hbm.at[src_v.at[pl.ds(j * K, K)]], bufs[s], gsems[s])

    def gwait(j, s):
        pltpu.make_async_copy(y_hbm.at[src_v.at[pl.ds(j * K, K)]], bufs[s],
                              gsems[s]).wait()

    def scat(j, s):
        pltpu.async_copy(bufs[s], acc_sh.at[dst_v.at[pl.ds(j * K, K)]],
                         ssems[s], add=True)

    def swait(j, s):
        pltpu.make_async_copy(bufs[s], acc_sh.at[dst_v.at[pl.ds(j * K, K)]],
                              ssems[s]).wait()

    for s in range(NSLOT):
        gather(s, s)

    def quad(i, _):
        j = i * NSLOT
        for s in range(NSLOT):
            gwait(j + s, s)
            scat(j + s, s)
            swait(j + s, s)

            @pl.when(j + s + NSLOT < NCHUNKS)
            def _():
                gather(j + s + NSLOT, s)
        return ()
    lax.fori_loop(0, NCHUNKS // NSLOT, quad, ())

    for t in range(NCHUNKS - (NCHUNKS // NSLOT) * NSLOT):
        j = (NCHUNKS // NSLOT) * NSLOT + t
        gwait(j, t)
        scat(j, t)
        swait(j, t)

    plsc.subcore_barrier()

    pltpu.sync_copy(acc_sh.at[pl.ds(rbase, ROW_SPAN)],
                    acc_hbm.at[cid, pl.ds(rbase, ROW_SPAN)])


def _agg_partials(y, src, dst):
    zeros = jnp.zeros((N, F), jnp.float32)
    mesh = plsc.VectorSubcoreMesh(core_axis_name="c", subcore_axis_name="s")
    return pl.kernel(
        _agg_body,
        out_type=jax.ShapeDtypeStruct((NC, N, F), jnp.float32),
        mesh=mesh,
        scratch_types=(
            [pltpu.VMEM((E_PER_W,), jnp.int32),
             pltpu.VMEM((E_PER_W,), jnp.int32)]
            + [pltpu.VMEM((K, F), jnp.float32)] * NSLOT
            + [pltpu.SemaphoreType.DMA] * (2 * NSLOT)
            + [pltpu.VMEM_SHARED((N, F), jnp.float32)]
        ),
    )(y, src, dst, zeros)


RC = 80
NRC = N // RC
NPC = (NRC + NW - 1) // NW


def _pool_body(acc0f, acc1f, yf, dinv_hbm, batch_hbm, bc_hbm,
               pmax_hbm, psum_hbm,
               a0_0, a0_1, a1_0, a1_1, y_0, y_1, dv_0, dv_1, bt_0, bt_1,
               sm_0, sm_1, bc_v, pm_v, ps_v):
    a0s, a1s, ys = (a0_0, a0_1), (a1_0, a1_1), (y_0, y_1)
    dvs, bts, sms = (dv_0, dv_1), (bt_0, bt_1), (sm_0, sm_1)
    cid = lax.axis_index("c")
    sid = lax.axis_index("s")
    wid = cid * NS + sid

    pltpu.sync_copy(bc_hbm, bc_v)

    def copies(i, s):
        base = (wid + NW * i) * RC
        return (
            (acc0f.at[pl.ds(base * F, RC * F)], a0s[s]),
            (acc1f.at[pl.ds(base * F, RC * F)], a1s[s]),
            (yf.at[pl.ds(base * F, RC * F)], ys[s]),
            (dinv_hbm.at[pl.ds(base, RC)], dvs[s].at[pl.ds(0, RC)]),
            (batch_hbm.at[pl.ds(base, RC)], bts[s].at[pl.ds(0, RC)]),
        )

    def load(i, s):
        @pl.when(wid + NW * i < NRC)
        def _():
            for src, dstb in copies(i, s):
                pltpu.async_copy(src, dstb, sms[s])

    def loadwait(i, s):
        @pl.when(wid + NW * i < NRC)
        def _():
            for src, dstb in copies(i, s):
                pltpu.make_async_copy(src, dstb, sms[s]).wait()

    def pinit(i, _):
        pm_v[pl.ds(i * L, L)] = jnp.full((L,), -jnp.inf, jnp.float32)
        ps_v[pl.ds(i * L, L)] = jnp.zeros((L,), jnp.float32)
        return ()

    load(0, 0)
    lax.fori_loop(0, (NG * F) // L, pinit, ())

    for i in range(NPC):
        s = i % 2
        if i + 1 < NPC:
            load(i + 1, (i + 1) % 2)
        loadwait(i, s)

        @pl.when(wid + NW * i < NRC)
        def _():
            a0_v, a1_v, y_v, dv_v, bt_v = a0s[s], a1s[s], ys[s], dvs[s], bts[s]
            bcs = [bc_v[pl.ds(g * L, L)] for g in range(F // L)]
            iot = lax.iota(jnp.int32, L)

            def row(r, _):
                dvr = jnp.full((L,), dv_v[pl.ds(r, L)][0], jnp.float32)
                ioff = bt_v[pl.ds(r, L)][0] * F + iot
                for g in range(F // L):
                    o = r * F + g * L
                    t = a0_v[pl.ds(o, L)] + a1_v[pl.ds(o, L)] + y_v[pl.ds(o, L)]
                    h = jnp.maximum(dvr * t + bcs[g], 0.0)
                    idx = ioff + g * L
                    cur = plsc.load_gather(pm_v, [idx])
                    plsc.store_scatter(pm_v, [idx], jnp.maximum(cur, h))
                    plsc.addupdate_scatter(ps_v, [idx], h)
                return ()
            lax.fori_loop(0, RC, row, ())

    pltpu.sync_copy(pm_v, pmax_hbm.at[wid])
    pltpu.sync_copy(ps_v, psum_hbm.at[wid])


def _pool_partials(acc, y, dinv, batch, bc):
    acc0f = acc[0].reshape(N * F)
    acc1f = acc[1].reshape(N * F)
    yf = y.reshape(N * F)
    mesh = plsc.VectorSubcoreMesh(core_axis_name="c", subcore_axis_name="s")
    return pl.kernel(
        _pool_body,
        out_type=(jax.ShapeDtypeStruct((NW, NG * F), jnp.float32),
                  jax.ShapeDtypeStruct((NW, NG * F), jnp.float32)),
        mesh=mesh,
        compiler_params=pltpu.CompilerParams(needs_layout_passes=False),
        scratch_types=(
            [pltpu.VMEM((RC * F,), jnp.float32)] * 6
            + [pltpu.VMEM((RC + L,), jnp.float32)] * 2
            + [pltpu.VMEM((RC + L,), jnp.int32)] * 2
            + [pltpu.SemaphoreType.DMA] * 2
            + [pltpu.VMEM((F,), jnp.float32),
               pltpu.VMEM((NG * F,), jnp.float32),
               pltpu.VMEM((NG * F,), jnp.float32)]
        ),
    )(acc0f, acc1f, yf, dinv, batch, bc)


def _scale_body(x_ref, wc_ref, degp_ref, y_ref, dinv_ref):
    deg = 1.0 + degp_ref[0, :] + degp_ref[1, :]
    dinv = lax.rsqrt(deg)
    xw = jnp.dot(x_ref[...], wc_ref[...], preferred_element_type=jnp.float32)
    y_ref[...] = xw * dinv[:, None]
    dinv_ref[...] = dinv


def _matmul_scale(x, Wc, degp):
    return pl.pallas_call(
        _scale_body,
        out_shape=(jax.ShapeDtypeStruct((N, F), jnp.float32),
                   jax.ShapeDtypeStruct((N,), jnp.float32)),
    )(x, Wc, degp)


def _head_body(pmax_ref, psum_ref, batch_ref, w1_ref, b1_ref, w2_ref, b2_ref,
               w3_ref, b3_ref, out_ref):
    gmax = jnp.max(pmax_ref[...], axis=0)
    gsum = jnp.sum(psum_ref[...], axis=0)
    onehot = (batch_ref[...][:, None] ==
              lax.broadcasted_iota(jnp.int32, (1, NG), 1)).astype(jnp.float32)
    cnt = jnp.sum(onehot, axis=0)
    gmean = gsum / jnp.maximum(cnt, 1.0)[:, None]
    out = jax.nn.relu(jnp.concatenate([gmax, gmean], axis=1))
    out = jax.nn.relu(
        jnp.dot(out, w1_ref[...], preferred_element_type=jnp.float32)
        + b1_ref[...])
    out = jax.nn.relu(
        jnp.dot(out, w2_ref[...], preferred_element_type=jnp.float32)
        + b2_ref[...])
    out = (jnp.dot(out, w3_ref[...], preferred_element_type=jnp.float32)
           + b3_ref[...])
    shifted = out - jnp.max(out, axis=-1, keepdims=True)
    lse = jnp.log(jnp.sum(jnp.exp(shifted), axis=-1, keepdims=True))
    out_ref[...] = shifted - lse


def _head(pmaxp, psump, batch, W1, b1, W2, b2, W3, b3):
    pmax3 = pmaxp.reshape(NW, NG, F)
    psum3 = psump.reshape(NW, NG, F)
    ncls = W3.shape[1]
    return pl.pallas_call(
        _head_body,
        out_shape=jax.ShapeDtypeStruct((NG, ncls), jnp.float32),
    )(pmax3, psum3, batch, W1, b1, W2, b2, W3, b3)


def kernel(x, edge_index, batch, Wc, bc, W1, b1, W2, b2, W3, b3):
    src = edge_index[0]
    dst = edge_index[1]

    degp = _deg_partials(dst)
    y, dinv = _matmul_scale(x, Wc, degp)
    accp = _agg_partials(y, src, dst)
    pmaxp, psump = _pool_partials(accp, y, dinv, batch, bc)
    return _head(pmaxp, psump, batch, W1, b1, W2, b2, W3, b3)

# --- scband reference (transcript-rebuilt; emitter-appended) ---
"""Pipeline reference for scband-model-66228395704952 (READ-ONLY COPY).

The authoritative reference and input builder live on the scoring server;
editing this copy changes nothing except your own understanding.
"""

import jax, jax.numpy as jnp
import numpy as np

N = 10000
E = 320000
F_IN = 128
NHID = 128
NCLS = 10
NG = 64


def setup_inputs(seed: int = 0) -> dict:
    key = jax.random.key(seed)
    ks = jax.random.split(key, 16)
    x = jax.random.normal(ks[0], (N, F_IN), dtype=jnp.float32)
    edge_index = jax.random.randint(ks[1], (2, E), 0, N, dtype=jnp.int32)
    batch = jnp.sort(jax.random.randint(ks[2], (N,), 0, NG, dtype=jnp.int32))

    def glorot(k, shape):
        lim = np.sqrt(6.0 / (shape[0] + shape[1]))
        return jax.random.uniform(k, shape, dtype=jnp.float32, minval=-lim, maxval=lim)

    Wc = glorot(ks[3], (F_IN, NHID))
    bc = jnp.zeros((NHID,), dtype=jnp.float32)
    W1 = glorot(ks[4], (2 * NHID, NHID))
    b1 = jnp.zeros((NHID,), dtype=jnp.float32)
    W2 = glorot(ks[5], (NHID, NHID // 2))
    b2 = jnp.zeros((NHID // 2,), dtype=jnp.float32)
    W3 = glorot(ks[6], (NHID // 2, NCLS))
    b3 = jnp.zeros((NCLS,), dtype=jnp.float32)
    return {"x": x, "edge_index": edge_index, "batch": batch, "Wc": Wc, "bc": bc,
            "W1": W1, "b1": b1, "W2": W2, "b2": b2, "W3": W3, "b3": b3}


def _gcn_conv(x, edge_index, W, b):
    # torch_geometric GCNConv: add self-loops, sym-normalized aggregation
    n = x.shape[0]
    loop = jnp.arange(n, dtype=edge_index.dtype)
    src = jnp.concatenate([edge_index[0], loop])
    dst = jnp.concatenate([edge_index[1], loop])
    deg = jnp.zeros((n,), dtype=x.dtype).at[dst].add(1.0)
    dinv = jnp.where(deg > 0, jax.lax.rsqrt(jnp.maximum(deg, 1e-12)), 0.0)
    norm = dinv[src] * dinv[dst]
    xw = x @ W
    msg = xw[src] * norm[:, None]
    out = jax.ops.segment_sum(msg, dst, num_segments=n)
    return out + b


def _gmp(x, batch, num_graphs):
    return jax.ops.segment_max(x, batch, num_segments=num_graphs)


def _gap(x, batch, num_graphs):
    s = jax.ops.segment_sum(x, batch, num_segments=num_graphs)
    cnt = jax.ops.segment_sum(jnp.ones((x.shape[0],), dtype=x.dtype), batch, num_segments=num_graphs)
    return s / jnp.maximum(cnt, 1.0)[:, None]


def reference(x, edge_index, batch, Wc, bc, W1, b1, W2, b2, W3, b3):
    # num_layers=1 => only conv1, then readout and MLP head (pool loop empty)
    h = jax.nn.relu(_gcn_conv(x, edge_index, Wc, bc))
    xc = jnp.concatenate([_gmp(h, batch, NG), _gap(h, batch, NG)], axis=1)
    out = jax.nn.relu(xc)
    out = jax.nn.relu(out @ W1 + b1)
    # dropout inactive in eval mode
    out = jax.nn.relu(out @ W2 + b2)
    out = out @ W3 + b3
    return jax.nn.log_softmax(out, axis=-1)

if __name__ == "__main__":
    import jax
    _d = setup_inputs()
    print(jax.jit(kernel)(*tuple(_d.values())))

</pallas_src>

<mosaic_0001>
#map = affine_map<(d0, d1) -> (0, 0)>
#map1 = affine_map<(d0, d1) -> (0)>
#map2 = affine_map<(d0, d1) -> (0, 0, 0)>
module attributes {stable_mosaic.version = 14 : i64} {
  func.func @_agg_body(%arg0: i32, %arg1: i32, %arg2: memref<10000x128xf32, #tpu.memory_space<hbm>>, %arg3: memref<320000xi32, #tpu.memory_space<hbm>>, %arg4: memref<320000xi32, #tpu.memory_space<hbm>>, %arg5: memref<10000x128xf32, #tpu.memory_space<hbm>>, %arg6: memref<2x10000x128xf32, #tpu.memory_space<hbm>>, %arg7: memref<10000xi32, #tpu.memory_space<vmem>>, %arg8: memref<10000xi32, #tpu.memory_space<vmem>>, %arg9: memref<40x128xf32, #tpu.memory_space<vmem>>, %arg10: memref<40x128xf32, #tpu.memory_space<vmem>>, %arg11: memref<40x128xf32, #tpu.memory_space<vmem>>, %arg12: memref<40x128xf32, #tpu.memory_space<vmem>>, %arg13: memref<!tpu.dma_semaphore, #tpu.memory_space<semaphore_mem>>, %arg14: memref<!tpu.dma_semaphore, #tpu.memory_space<semaphore_mem>>, %arg15: memref<!tpu.dma_semaphore, #tpu.memory_space<semaphore_mem>>, %arg16: memref<!tpu.dma_semaphore, #tpu.memory_space<semaphore_mem>>, %arg17: memref<!tpu.dma_semaphore, #tpu.memory_space<semaphore_mem>>, %arg18: memref<!tpu.dma_semaphore, #tpu.memory_space<semaphore_mem>>, %arg19: memref<!tpu.dma_semaphore, #tpu.memory_space<semaphore_mem>>, %arg20: memref<!tpu.dma_semaphore, #tpu.memory_space<semaphore_mem>>, %arg21: memref<10000x128xf32, #tpu.memory_space<vmem_shared>>) attributes {dimension_semantics = [#tpu.dimension_semantics<core_parallel>, #tpu.dimension_semantics<subcore_parallel>], iteration_bounds = array<i64: 2, 16>, scalar_prefetch = 0 : i64, scratch_operands = 15 : i64, tpu.core_type = #tpu.core_type<sc_vector_subcore>, window_params = [{transform_indices = #map}, {transform_indices = #map1}, {transform_indices = #map1}, {transform_indices = #map}, {transform_indices = #map2}]} {
    %mul3A = arith.constant 16 : i32
    %mul3A_0 = arith.muli %arg0, %mul3A : i32
    %add3A = arith.addi %mul3A_0, %arg1 : i32
    %mul3A_1 = arith.constant 624 : i32
    %mul3A_2 = arith.muli %arg1, %mul3A_1 : i32
    "tpu.region"() ({
      %run_scoped3A = tpu.sem_alloc : memref<!tpu.dma_semaphore, #tpu.memory_space<semaphore_mem>>
      %dma_start3A_58 = arith.constant 0 : i32
      %dma_start3A_59 = tpu.memref_slice %arg21[%mul3A_2, %dma_start3A_58] : memref<10000x128xf32, #tpu.memory_space<vmem_shared>> -> memref<640x128xf32, #tpu.memory_space<vmem_shared>>
      %dma_start3A_60 = arith.constant 0 : i32
      %dma_start3A_61 = tpu.memref_slice %arg5[%mul3A_2, %dma_start3A_60] : memref<10000x128xf32, #tpu.memory_space<hbm>> -> memref<640x128xf32, #tpu.memory_space<hbm>>
      tpu.enqueue_dma source(%dma_start3A_61 : memref<640x128xf32, #tpu.memory_space<hbm>>) target(%dma_start3A_59 : memref<640x128xf32, #tpu.memory_space<vmem_shared>>) target_semaphore(%run_scoped3A : memref<!tpu.dma_semaphore, #tpu.memory_space<semaphore_mem>>)
      %dma_wait3A_62 = arith.constant 0 : i32
      %dma_wait3A_63 = tpu.memref_slice %arg21[%mul3A_2, %dma_wait3A_62] : memref<10000x128xf32, #tpu.memory_space<vmem_shared>> -> memref<640x128xf32, #tpu.memory_space<vmem_shared>>
      %dma_wait3A_64 = arith.constant 0 : i32
      %dma_wait3A_65 = tpu.memref_slice %arg5[%mul3A_2, %dma_wait3A_64] : memref<10000x128xf32, #tpu.memory_space<hbm>> -> memref<640x128xf32, #tpu.memory_space<hbm>>
      tpu.wait_dma2 semaphore(%run_scoped3A : memref<!tpu.dma_semaphore, #tpu.memory_space<semaphore_mem>>) src(%dma_wait3A_65 : memref<640x128xf32, #tpu.memory_space<hbm>>) dst(%dma_wait3A_63 : memref<640x128xf32, #tpu.memory_space<vmem_shared>>)
      tpu.yield
    }) : () -> ()
    %mul3A_3 = arith.constant 10000 : i32
    %mul3A_4 = arith.muli %add3A, %mul3A_3 : i32
    "tpu.region"() ({
      %run_scoped3A = tpu.sem_alloc : memref<!tpu.dma_semaphore, #tpu.memory_space<semaphore_mem>>
      %dma_start3A_58 = tpu.memref_slice %arg3[%mul3A_4] : memref<320000xi32, #tpu.memory_space<hbm>> -> memref<10000xi32, #tpu.memory_space<hbm>>
      %dma_start3A_59 = tpu.memref_slice %arg3[%mul3A_4] : memref<320000xi32, #tpu.memory_space<hbm>> -> memref<10000xi32, #tpu.memory_space<hbm>>
      tpu.enqueue_dma source(%dma_start3A_59 : memref<10000xi32, #tpu.memory_space<hbm>>) target(%arg7 : memref<10000xi32, #tpu.memory_space<vmem>>) target_semaphore(%run_scoped3A : memref<!tpu.dma_semaphore, #tpu.memory_space<semaphore_mem>>)
      %dma_wait3A_60 = tpu.memref_slice %arg3[%mul3A_4] : memref<320000xi32, #tpu.memory_space<hbm>> -> memref<10000xi32, #tpu.memory_space<hbm>>
      %dma_wait3A_61 = tpu.memref_slice %arg3[%mul3A_4] : memref<320000xi32, #tpu.memory_space<hbm>> -> memref<10000xi32, #tpu.memory_space<hbm>>
      tpu.wait_dma2 semaphore(%run_scoped3A : memref<!tpu.dma_semaphore, #tpu.memory_space<semaphore_mem>>) src(%dma_wait3A_61 : memref<10000xi32, #tpu.memory_space<hbm>>) dst(%arg7 : memref<10000xi32, #tpu.memory_space<vmem>>)
      tpu.yield
    }) : () -> ()
    "tpu.region"() ({
      %run_scoped3A = tpu.sem_alloc : memref<!tpu.dma_semaphore, #tpu.memory_space<semaphore_mem>>
      %dma_start3A_58 = tpu.memref_slice %arg4[%mul3A_4] : memref<320000xi32, #tpu.memory_space<hbm>> -> memref<10000xi32, #tpu.memory_space<hbm>>
      %dma_start3A_59 = tpu.memref_slice %arg4[%mul3A_4] : memref<320000xi32, #tpu.memory_space<hbm>> -> memref<10000xi32, #tpu.memory_space<hbm>>
      tpu.enqueue_dma source(%dma_start3A_59 : memref<10000xi32, #tpu.memory_space<hbm>>) target(%arg8 : memref<10000xi32, #tpu.memory_space<vmem>>) target_semaphore(%run_scoped3A : memref<!tpu.dma_semaphore, #tpu.memory_space<semaphore_mem>>)
      %dma_wait3A_60 = tpu.memref_slice %arg4[%mul3A_4] : memref<320000xi32, #tpu.memory_space<hbm>> -> memref<10000xi32, #tpu.memory_space<hbm>>
      %dma_wait3A_61 = tpu.memref_slice %arg4[%mul3A_4] : memref<320000xi32, #tpu.memory_space<hbm>> -> memref<10000xi32, #tpu.memory_space<hbm>>
      tpu.wait_dma2 semaphore(%run_scoped3A : memref<!tpu.dma_semaphore, #tpu.memory_space<semaphore_mem>>) src(%dma_wait3A_61 : memref<10000xi32, #tpu.memory_space<hbm>>) dst(%arg8 : memref<10000xi32, #tpu.memory_space<vmem>>)
      tpu.yield
    }) : () -> ()
    %barrier3A = arith.constant 0 : index
    tpu.barrier barrier_id(%barrier3A)
    %dma_start3A = arith.constant 0 : i32
    %dma_start3A_5 = tpu.memref_slice %arg7[%dma_start3A] : memref<10000xi32, #tpu.memory_space<vmem>> -> memref<40xi32, #tpu.memory_space<vmem>>
    %dma_start3A_6 = arith.constant 0 : i32
    %dma_start3A_7 = arith.constant 0 : i32
    %dma_start3A_8 = tpu.memref_slice %arg2[%dma_start3A_6, %dma_start3A_7] : memref<10000x128xf32, #tpu.memory_space<hbm>> -> memref<10000x128xf32, #tpu.memory_space<hbm>>
    tpu.enqueue_indirect_dma source(%dma_start3A_8 : memref<10000x128xf32, #tpu.memory_space<hbm>>) target(%arg9 : memref<40x128xf32, #tpu.memory_space<vmem>>) offsets(%dma_start3A_5 : memref<40xi32, #tpu.memory_space<vmem>>) semaphore(%arg13 : memref<!tpu.dma_semaphore, #tpu.memory_space<semaphore_mem>>)
    %dma_start3A_9 = arith.constant 40 : i32
    %dma_start3A_10 = tpu.memref_slice %arg7[%dma_start3A_9] : memref<10000xi32, #tpu.memory_space<vmem>> -> memref<40xi32, #tpu.memory_space<vmem>>
    %dma_start3A_11 = arith.constant 0 : i32
    %dma_start3A_12 = arith.constant 0 : i32
    %dma_start3A_13 = tpu.memref_slice %arg2[%dma_start3A_11, %dma_start3A_12] : memref<10000x128xf32, #tpu.memory_space<hbm>> -> memref<10000x128xf32, #tpu.memory_space<hbm>>
    tpu.enqueue_indirect_dma source(%dma_start3A_13 : memref<10000x128xf32, #tpu.memory_space<hbm>>) target(%arg10 : memref<40x128xf32, #tpu.memory_space<vmem>>) offsets(%dma_start3A_10 : memref<40xi32, #tpu.memory_space<vmem>>) semaphore(%arg14 : memref<!tpu.dma_semaphore, #tpu.memory_space<semaphore_mem>>)
    %dma_start3A_14 = arith.constant 80 : i32
    %dma_start3A_15 = tpu.memref_slice %arg7[%dma_start3A_14] : memref<10000xi32, #tpu.memory_space<vmem>> -> memref<40xi32, #tpu.memory_space<vmem>>
    %dma_start3A_16 = arith.constant 0 : i32
    %dma_start3A_17 = arith.constant 0 : i32
    %dma_start3A_18 = tpu.memref_slice %arg2[%dma_start3A_16, %dma_start3A_17] : memref<10000x128xf32, #tpu.memory_space<hbm>> -> memref<10000x128xf32, #tpu.memory_space<hbm>>
    tpu.enqueue_indirect_dma source(%dma_start3A_18 : memref<10000x128xf32, #tpu.memory_space<hbm>>) target(%arg11 : memref<40x128xf32, #tpu.memory_space<vmem>>) offsets(%dma_start3A_15 : memref<40xi32, #tpu.memory_space<vmem>>) semaphore(%arg15 : memref<!tpu.dma_semaphore, #tpu.memory_space<semaphore_mem>>)
    %dma_start3A_19 = arith.constant 120 : i32
    %dma_start3A_20 = tpu.memref_slice %arg7[%dma_start3A_19] : memref<10000xi32, #tpu.memory_space<vmem>> -> memref<40xi32, #tpu.memory_space<vmem>>
    %dma_start3A_21 = arith.constant 0 : i32
    %dma_start3A_22 = arith.constant 0 : i32
    %dma_start3A_23 = tpu.memref_slice %arg2[%dma_start3A_21, %dma_start3A_22] : memref<10000x128xf32, #tpu.memory_space<hbm>> -> memref<10000x128xf32, #tpu.memory_space<hbm>>
    tpu.enqueue_indirect_dma source(%dma_start3A_23 : memref<10000x128xf32, #tpu.memory_space<hbm>>) target(%arg12 : memref<40x128xf32, #tpu.memory_space<vmem>>) offsets(%dma_start3A_20 : memref<40xi32, #tpu.memory_space<vmem>>) semaphore(%arg16 : memref<!tpu.dma_semaphore, #tpu.memory_space<semaphore_mem>>)
    %scan3A = arith.constant 0 : i32
    %scan3A_24 = arith.constant 62 : i32
    %scan3A_25 = arith.addi %scan3A, %scan3A_24 : i32
    %scan3A_26 = arith.constant 1 : i32
    scf.for %scan3A_58 = %scan3A to %scan3A_25 step %scan3A_26  : i32 {
      %mul3A_59 = arith.constant 4 : i32
      %mul3A_60 = arith.muli %scan3A_58, %mul3A_59 : i32
      %add3A_61 = arith.constant 0 : i32
      %add3A_62 = arith.addi %mul3A_60, %add3A_61 : i32
      %mul3A_63 = arith.constant 40 : i32
      %mul3A_64 = arith.muli %add3A_62, %mul3A_63 : i32
      %dma_wait3A_65 = tpu.memref_slice %arg7[%mul3A_64] : memref<10000xi32, #tpu.memory_space<vmem>> -> memref<40xi32, #tpu.memory_space<vmem>>
      %dma_wait3A_66 = arith.constant 0 : i32
      %dma_wait3A_67 = arith.constant 0 : i32
      %dma_wait3A_68 = tpu.memref_slice %arg2[%dma_wait3A_66, %dma_wait3A_67] : memref<10000x128xf32, #tpu.memory_space<hbm>> -> memref<10000x128xf32, #tpu.memory_space<hbm>>
      tpu.wait_indirect_dma semaphore(%arg13 : memref<!tpu.dma_semaphore, #tpu.memory_space<semaphore_mem>>) src(%dma_wait3A_68 : memref<10000x128xf32, #tpu.memory_space<hbm>>) dst(%arg9 : memref<40x128xf32, #tpu.memory_space<vmem>>)
      %add3A_69 = arith.constant 0 : i32
      %add3A_70 = arith.addi %mul3A_60, %add3A_69 : i32
      %mul3A_71 = arith.constant 40 : i32
      %mul3A_72 = arith.muli %add3A_70, %mul3A_71 : i32
      %dma_start3A_73 = tpu.memref_slice %arg8[%mul3A_72] : memref<10000xi32, #tpu.memory_space<vmem>> -> memref<40xi32, #tpu.memory_space<vmem>>
      %dma_start3A_74 = arith.constant 0 : i32
      %dma_start3A_75 = arith.constant 0 : i32
      %dma_start3A_76 = tpu.memref_slice %arg21[%dma_start3A_74, %dma_start3A_75] : memref<10000x128xf32, #tpu.memory_space<vmem_shared>> -> memref<10000x128xf32, #tpu.memory_space<vmem_shared>>
      tpu.enqueue_indirect_dma source(%arg9 : memref<40x128xf32, #tpu.memory_space<vmem>>) target(%dma_start3A_76 : memref<10000x128xf32, #tpu.memory_space<vmem_shared>>) offsets(%dma_start3A_73 : memref<40xi32, #tpu.memory_space<vmem>>) semaphore(%arg17 : memref<!tpu.dma_semaphore, #tpu.memory_space<semaphore_mem>>) {add = true}
      %add3A_77 = arith.constant 0 : i32
      %add3A_78 = arith.addi %mul3A_60, %add3A_77 : i32
      %mul3A_79 = arith.constant 40 : i32
      %mul3A_80 = arith.muli %add3A_78, %mul3A_79 : i32
      %dma_wait3A_81 = tpu.memref_slice %arg8[%mul3A_80] : memref<10000xi32, #tpu.memory_space<vmem>> -> memref<40xi32, #tpu.memory_space<vmem>>
      %dma_wait3A_82 = arith.constant 0 : i32
      %dma_wait3A_83 = arith.constant 0 : i32
      %dma_wait3A_84 = tpu.memref_slice %arg21[%dma_wait3A_82, %dma_wait3A_83] : memref<10000x128xf32, #tpu.memory_space<vmem_shared>> -> memref<10000x128xf32, #tpu.memory_space<vmem_shared>>
      tpu.wait_indirect_dma semaphore(%arg17 : memref<!tpu.dma_semaphore, #tpu.memory_space<semaphore_mem>>) src(%arg9 : memref<40x128xf32, #tpu.memory_space<vmem>>) dst(%dma_wait3A_84 : memref<10000x128xf32, #tpu.memory_space<vmem_shared>>)
      %add3A_85 = arith.constant 0 : i32
      %add3A_86 = arith.addi %mul3A_60, %add3A_85 : i32
      %add3A_87 = arith.constant 4 : i32
      %add3A_88 = arith.addi %add3A_86, %add3A_87 : i32
      %lt3A = arith.constant 250 : i32
      %lt3A_89 = arith.cmpi slt, %add3A_88, %lt3A : i32
      %convert_element_type3A = arith.extui %lt3A_89 : i1 to i32
      %cond3A = arith.constant 0 : i32
      %cond3A_90 = arith.cmpi ne, %convert_element_type3A, %cond3A : i32
      scf.if %cond3A_90 {
        %add3A_190 = arith.constant 0 : i32
        %add3A_191 = arith.addi %mul3A_60, %add3A_190 : i32
        %add3A_192 = arith.constant 4 : i32
        %add3A_193 = arith.addi %add3A_191, %add3A_192 : i32
        %mul3A_194 = arith.constant 40 : i32
        %mul3A_195 = arith.muli %add3A_193, %mul3A_194 : i32
        %dma_start3A_196 = tpu.memref_slice %arg7[%mul3A_195] : memref<10000xi32, #tpu.memory_space<vmem>> -> memref<40xi32, #tpu.memory_space<vmem>>
        %dma_start3A_197 = arith.constant 0 : i32
        %dma_start3A_198 = arith.constant 0 : i32
        %dma_start3A_199 = tpu.memref_slice %arg2[%dma_start3A_197, %dma_start3A_198] : memref<10000x128xf32, #tpu.memory_space<hbm>> -> memref<10000x128xf32, #tpu.memory_space<hbm>>
        tpu.enqueue_indirect_dma source(%dma_start3A_199 : memref<10000x128xf32, #tpu.memory_space<hbm>>) target(%arg9 : memref<40x128xf32, #tpu.memory_space<vmem>>) offsets(%dma_start3A_196 : memref<40xi32, #tpu.memory_space<vmem>>) semaphore(%arg13 : memref<!tpu.dma_semaphore, #tpu.memory_space<semaphore_mem>>)
      } else {
      }
      %add3A_91 = arith.constant 1 : i32
      %add3A_92 = arith.addi %mul3A_60, %add3A_91 : i32
      %mul3A_93 = arith.constant 40 : i32
      %mul3A_94 = arith.muli %add3A_92, %mul3A_93 : i32
      %dma_wait3A_95 = tpu.memref_slice %arg7[%mul3A_94] : memref<10000xi32, #tpu.memory_space<vmem>> -> memref<40xi32, #tpu.memory_space<vmem>>
      %dma_wait3A_96 = arith.constant 0 : i32
      %dma_wait3A_97 = arith.constant 0 : i32
      %dma_wait3A_98 = tpu.memref_slice %arg2[%dma_wait3A_96, %dma_wait3A_97] : memref<10000x128xf32, #tpu.memory_space<hbm>> -> memref<10000x128xf32, #tpu.memory_space<hbm>>
      tpu.wait_indirect_dma semaphore(%arg14 : memref<!tpu.dma_semaphore, #tpu.memory_space<semaphore_mem>>) src(%dma_wait3A_98 : memref<10000x128xf32, #tpu.memory_space<hbm>>) dst(%arg10 : memref<40x128xf32, #tpu.memory_space<vmem>>)
      %add3A_99 = arith.constant 1 : i32
      %add3A_100 = arith.addi %mul3A_60, %add3A_99 : i32
      %mul3A_101 = arith.constant 40 : i32
      %mul3A_102 = arith.muli %add3A_100, %mul3A_101 : i32
      %dma_start3A_103 = tpu.memref_slice %arg8[%mul3A_102] : memref<10000xi32, #tpu.memory_space<vmem>> -> memref<40xi32, #tpu.memory_space<vmem>>
      %dma_start3A_104 = arith.constant 0 : i32
      %dma_start3A_105 = arith.constant 0 : i32
      %dma_start3A_106 = tpu.memref_slice %arg21[%dma_start3A_104, %dma_start3A_105] : memref<10000x128xf32, #tpu.memory_space<vmem_shared>> -> memref<10000x128xf32, #tpu.memory_space<vmem_shared>>
      tpu.enqueue_indirect_dma source(%arg10 : memref<40x128xf32, #tpu.memory_space<vmem>>) target(%dma_start3A_106 : memref<10000x128xf32, #tpu.memory_space<vmem_shared>>) offsets(%dma_start3A_103 : memref<40xi32, #tpu.memory_space<vmem>>) semaphore(%arg18 : memref<!tpu.dma_semaphore, #tpu.memory_space<semaphore_mem>>) {add = true}
      %add3A_107 = arith.constant 1 : i32
      %add3A_108 = arith.addi %mul3A_60, %add3A_107 : i32
      %mul3A_109 = arith.constant 40 : i32
      %mul3A_110 = arith.muli %add3A_108, %mul3A_109 : i32
      %dma_wait3A_111 = tpu.memref_slice %arg8[%mul3A_110] : memref<10000xi32, #tpu.memory_space<vmem>> -> memref<40xi32, #tpu.memory_space<vmem>>
      %dma_wait3A_112 = arith.constant 0 : i32
      %dma_wait3A_113 = arith.constant 0 : i32
      %dma_wait3A_114 = tpu.memref_slice %arg21[%dma_wait3A_112, %dma_wait3A_113] : memref<10000x128xf32, #tpu.memory_space<vmem_shared>> -> memref<10000x128xf32, #tpu.memory_space<vmem_shared>>
      tpu.wait_indirect_dma semaphore(%arg18 : memref<!tpu.dma_semaphore, #tpu.memory_space<semaphore_mem>>) src(%arg10 : memref<40x128xf32, #tpu.memory_space<vmem>>) dst(%dma_wait3A_114 : memref<10000x128xf32, #tpu.memory_space<vmem_shared>>)
      %add3A_115 = arith.constant 1 : i32
      %add3A_116 = arith.addi %mul3A_60, %add3A_115 : i32
      %add3A_117 = arith.constant 4 : i32
      %add3A_118 = arith.addi %add3A_116, %add3A_117 : i32
      %lt3A_119 = arith.constant 250 : i32
      %lt3A_120 = arith.cmpi slt, %add3A_118, %lt3A_119 : i32
      %convert_element_type3A_121 = arith.extui %lt3A_120 : i1 to i32
      %cond3A_122 = arith.constant 0 : i32
      %cond3A_123 = arith.cmpi ne, %convert_element_type3A_121, %cond3A_122 : i32
      scf.if %cond3A_123 {
        %add3A_190 = arith.constant 1 : i32
        %add3A_191 = arith.addi %mul3A_60, %add3A_190 : i32
        %add3A_192 = arith.constant 4 : i32
        %add3A_193 = arith.addi %add3A_191, %add3A_192 : i32
        %mul3A_194 = arith.constant 40 : i32
        %mul3A_195 = arith.muli %add3A_193, %mul3A_194 : i32
        %dma_start3A_196 = tpu.memref_slice %arg7[%mul3A_195] : memref<10000xi32, #tpu.memory_space<vmem>> -> memref<40xi32, #tpu.memory_space<vmem>>
        %dma_start3A_197 = arith.constant 0 : i32
        %dma_start3A_198 = arith.constant 0 : i32
        %dma_start3A_199 = tpu.memref_slice %arg2[%dma_start3A_197, %dma_start3A_198] : memref<10000x128xf32, #tpu.memory_space<hbm>> -> memref<10000x128xf32, #tpu.memory_space<hbm>>
        tpu.enqueue_indirect_dma source(%dma_start3A_199 : memref<10000x128xf32, #tpu.memory_space<hbm>>) target(%arg10 : memref<40x128xf32, #tpu.memory_space<vmem>>) offsets(%dma_start3A_196 : memref<40xi32, #tpu.memory_space<vmem>>) semaphore(%arg14 : memref<!tpu.dma_semaphore, #tpu.memory_space<semaphore_mem>>)
      } else {
      }
      %add3A_124 = arith.constant 2 : i32
      %add3A_125 = arith.addi %mul3A_60, %add3A_124 : i32
      %mul3A_126 = arith.constant 40 : i32
      %mul3A_127 = arith.muli %add3A_125, %mul3A_126 : i32
      %dma_wait3A_128 = tpu.memref_slice %arg7[%mul3A_127] : memref<10000xi32, #tpu.memory_space<vmem>> -> memref<40xi32, #tpu.memory_space<vmem>>
      %dma_wait3A_129 = arith.constant 0 : i32
      %dma_wait3A_130 = arith.constant 0 : i32
      %dma_wait3A_131 = tpu.memref_slice %arg2[%dma_wait3A_129, %dma_wait3A_130] : memref<10000x128xf32, #tpu.memory_space<hbm>> -> memref<10000x128xf32, #tpu.memory_space<hbm>>
      tpu.wait_indirect_dma semaphore(%arg15 : memref<!tpu.dma_semaphore, #tpu.memory_space<semaphore_mem>>) src(%dma_wait3A_131 : memref<10000x128xf32, #tpu.memory_space<hbm>>) dst(%arg11 : memref<40x128xf32, #tpu.memory_space<vmem>>)
      %add3A_132 = arith.constant 2 : i32
      %add3A_133 = arith.addi %mul3A_60, %add3A_132 : i32
      %mul3A_134 = arith.constant 40 : i32
      %mul3A_135 = arith.muli %add3A_133, %mul3A_134 : i32
      %dma_start3A_136 = tpu.memref_slice %arg8[%mul3A_135] : memref<10000xi32, #tpu.memory_space<vmem>> -> memref<40xi32, #tpu.memory_space<vmem>>
      %dma_start3A_137 = arith.constant 0 : i32
      %dma_start3A_138 = arith.constant 0 : i32
      %dma_start3A_139 = tpu.memref_slice %arg21[%dma_start3A_137, %dma_start3A_138] : memref<10000x128xf32, #tpu.memory_space<vmem_shared>> -> memref<10000x128xf32, #tpu.memory_space<vmem_shared>>
      tpu.enqueue_indirect_dma source(%arg11 : memref<40x128xf32, #tpu.memory_space<vmem>>) target(%dma_start3A_139 : memref<10000x128xf32, #tpu.memory_space<vmem_shared>>) offsets(%dma_start3A_136 : memref<40xi32, #tpu.memory_space<vmem>>) semaphore(%arg19 : memref<!tpu.dma_semaphore, #tpu.memory_space<semaphore_mem>>) {add = true}
      %add3A_140 = arith.constant 2 : i32
      %add3A_141 = arith.addi %mul3A_60, %add3A_140 : i32
      %mul3A_142 = arith.constant 40 : i32
      %mul3A_143 = arith.muli %add3A_141, %mul3A_142 : i32
      %dma_wait3A_144 = tpu.memref_slice %arg8[%mul3A_143] : memref<10000xi32, #tpu.memory_space<vmem>> -> memref<40xi32, #tpu.memory_space<vmem>>
      %dma_wait3A_145 = arith.constant 0 : i32
      %dma_wait3A_146 = arith.constant 0 : i32
      %dma_wait3A_147 = tpu.memref_slice %arg21[%dma_wait3A_145, %dma_wait3A_146] : memref<10000x128xf32, #tpu.memory_space<vmem_shared>> -> memref<10000x128xf32, #tpu.memory_space<vmem_shared>>
      tpu.wait_indirect_dma semaphore(%arg19 : memref<!tpu.dma_semaphore, #tpu.memory_space<semaphore_mem>>) src(%arg11 : memref<40x128xf32, #tpu.memory_space<vmem>>) dst(%dma_wait3A_147 : memref<10000x128xf32, #tpu.memory_space<vmem_shared>>)
      %add3A_148 = arith.constant 2 : i32
      %add3A_149 = arith.addi %mul3A_60, %add3A_148 : i32
      %add3A_150 = arith.constant 4 : i32
      %add3A_151 = arith.addi %add3A_149, %add3A_150 : i32
      %lt3A_152 = arith.constant 250 : i32
      %lt3A_153 = arith.cmpi slt, %add3A_151, %lt3A_152 : i32
      %convert_element_type3A_154 = arith.extui %lt3A_153 : i1 to i32
      %cond3A_155 = arith.constant 0 : i32
      %cond3A_156 = arith.cmpi ne, %convert_element_type3A_154, %cond3A_155 : i32
      scf.if %cond3A_156 {
        %add3A_190 = arith.constant 2 : i32
        %add3A_191 = arith.addi %mul3A_60, %add3A_190 : i32
        %add3A_192 = arith.constant 4 : i32
        %add3A_193 = arith.addi %add3A_191, %add3A_192 : i32
        %mul3A_194 = arith.constant 40 : i32
        %mul3A_195 = arith.muli %add3A_193, %mul3A_194 : i32
        %dma_start3A_196 = tpu.memref_slice %arg7[%mul3A_195] : memref<10000xi32, #tpu.memory_space<vmem>> -> memref<40xi32, #tpu.memory_space<vmem>>
        %dma_start3A_197 = arith.constant 0 : i32
        %dma_start3A_198 = arith.constant 0 : i32
        %dma_start3A_199 = tpu.memref_slice %arg2[%dma_start3A_197, %dma_start3A_198] : memref<10000x128xf32, #tpu.memory_space<hbm>> -> memref<10000x128xf32, #tpu.memory_space<hbm>>
        tpu.enqueue_indirect_dma source(%dma_start3A_199 : memref<10000x128xf32, #tpu.memory_space<hbm>>) target(%arg11 : memref<40x128xf32, #tpu.memory_space<vmem>>) offsets(%dma_start3A_196 : memref<40xi32, #tpu.memory_space<vmem>>) semaphore(%arg15 : memref<!tpu.dma_semaphore, #tpu.memory_space<semaphore_mem>>)
      } else {
      }
      %add3A_157 = arith.constant 3 : i32
      %add3A_158 = arith.addi %mul3A_60, %add3A_157 : i32
      %mul3A_159 = arith.constant 40 : i32
      %mul3A_160 = arith.muli %add3A_158, %mul3A_159 : i32
      %dma_wait3A_161 = tpu.memref_slice %arg7[%mul3A_160] : memref<10000xi32, #tpu.memory_space<vmem>> -> memref<40xi32, #tpu.memory_space<vmem>>
      %dma_wait3A_162 = arith.constant 0 : i32
      %dma_wait3A_163 = arith.constant 0 : i32
      %dma_wait3A_164 = tpu.memref_slice %arg2[%dma_wait3A_162, %dma_wait3A_163] : memref<10000x128xf32, #tpu.memory_space<hbm>> -> memref<10000x128xf32, #tpu.memory_space<hbm>>
      tpu.wait_indirect_dma semaphore(%arg16 : memref<!tpu.dma_semaphore, #tpu.memory_space<semaphore_mem>>) src(%dma_wait3A_164 : memref<10000x128xf32, #tpu.memory_space<hbm>>) dst(%arg12 : memref<40x128xf32, #tpu.memory_space<vmem>>)
      %add3A_165 = arith.constant 3 : i32
      %add3A_166 = arith.addi %mul3A_60, %add3A_165 : i32
      %mul3A_167 = arith.constant 40 : i32
      %mul3A_168 = arith.muli %add3A_166, %mul3A_167 : i32
      %dma_start3A_169 = tpu.memref_slice %arg8[%mul3A_168] : memref<10000xi32, #tpu.memory_space<vmem>> -> memref<40xi32, #tpu.memory_space<vmem>>
      %dma_start3A_170 = arith.constant 0 : i32
      %dma_start3A_171 = arith.constant 0 : i32
      %dma_start3A_172 = tpu.memref_slice %arg21[%dma_start3A_170, %dma_start3A_171] : memref<10000x128xf32, #tpu.memory_space<vmem_shared>> -> memref<10000x128xf32, #tpu.memory_space<vmem_shared>>
      tpu.enqueue_indirect_dma source(%arg12 : memref<40x128xf32, #tpu.memory_space<vmem>>) target(%dma_start3A_172 : memref<10000x128xf32, #tpu.memory_space<vmem_shared>>) offsets(%dma_start3A_169 : memref<40xi32, #tpu.memory_space<vmem>>) semaphore(%arg20 : memref<!tpu.dma_semaphore, #tpu.memory_space<semaphore_mem>>) {add = true}
      %add3A_173 = arith.constant 3 : i32
      %add3A_174 = arith.addi %mul3A_60, %add3A_173 : i32
      %mul3A_175 = arith.constant 40 : i32
      %mul3A_176 = arith.muli %add3A_174, %mul3A_175 : i32
      %dma_wait3A_177 = tpu.memref_slice %arg8[%mul3A_176] : memref<10000xi32, #tpu.memory_space<vmem>> -> memref<40xi32, #tpu.memory_space<vmem>>
      %dma_wait3A_178 = arith.constant 0 : i32
      %dma_wait3A_179 = arith.constant 0 : i32
      %dma_wait3A_180 = tpu.memref_slice %arg21[%dma_wait3A_178, %dma_wait3A_179] : memref<10000x128xf32, #tpu.memory_space<vmem_shared>> -> memref<10000x128xf32, #tpu.memory_space<vmem_shared>>
      tpu.wait_indirect_dma semaphore(%arg20 : memref<!tpu.dma_semaphore, #tpu.memory_space<semaphore_mem>>) src(%arg12 : memref<40x128xf32, #tpu.memory_space<vmem>>) dst(%dma_wait3A_180 : memref<10000x128xf32, #tpu.memory_space<vmem_shared>>)
      %add3A_181 = arith.constant 3 : i32
      %add3A_182 = arith.addi %mul3A_60, %add3A_181 : i32
      %add3A_183 = arith.constant 4 : i32
      %add3A_184 = arith.addi %add3A_182, %add3A_183 : i32
      %lt3A_185 = arith.constant 250 : i32
      %lt3A_186 = arith.cmpi slt, %add3A_184, %lt3A_185 : i32
      %convert_element_type3A_187 = arith.extui %lt3A_186 : i1 to i32
      %cond3A_188 = arith.constant 0 : i32
      %cond3A_189 = arith.cmpi ne, %convert_element_type3A_187, %cond3A_188 : i32
      scf.if %cond3A_189 {
        %add3A_190 = arith.constant 3 : i32
        %add3A_191 = arith.addi %mul3A_60, %add3A_190 : i32
        %add3A_192 = arith.constant 4 : i32
        %add3A_193 = arith.addi %add3A_191, %add3A_192 : i32
        %mul3A_194 = arith.constant 40 : i32
        %mul3A_195 = arith.muli %add3A_193, %mul3A_194 : i32
        %dma_start3A_196 = tpu.memref_slice %arg7[%mul3A_195] : memref<10000xi32, #tpu.memory_space<vmem>> -> memref<40xi32, #tpu.memory_space<vmem>>
        %dma_start3A_197 = arith.constant 0 : i32
        %dma_start3A_198 = arith.constant 0 : i32
        %dma_start3A_199 = tpu.memref_slice %arg2[%dma_start3A_197, %dma_start3A_198] : memref<10000x128xf32, #tpu.memory_space<hbm>> -> memref<10000x128xf32, #tpu.memory_space<hbm>>
        tpu.enqueue_indirect_dma source(%dma_start3A_199 : memref<10000x128xf32, #tpu.memory_space<hbm>>) target(%arg12 : memref<40x128xf32, #tpu.memory_space<vmem>>) offsets(%dma_start3A_196 : memref<40xi32, #tpu.memory_space<vmem>>) semaphore(%arg16 : memref<!tpu.dma_semaphore, #tpu.memory_space<semaphore_mem>>)
      } else {
      }
    }
    %scan3A_27 = arith.constant 62 : i32
    %dma_wait3A = arith.constant 9920 : i32
    %dma_wait3A_28 = tpu.memref_slice %arg7[%dma_wait3A] : memref<10000xi32, #tpu.memory_space<vmem>> -> memref<40xi32, #tpu.memory_space<vmem>>
    %dma_wait3A_29 = arith.constant 0 : i32
    %dma_wait3A_30 = arith.constant 0 : i32
    %dma_wait3A_31 = tpu.memref_slice %arg2[%dma_wait3A_29, %dma_wait3A_30] : memref<10000x128xf32, #tpu.memory_space<hbm>> -> memref<10000x128xf32, #tpu.memory_space<hbm>>
    tpu.wait_indirect_dma semaphore(%arg13 : memref<!tpu.dma_semaphore, #tpu.memory_space<semaphore_mem>>) src(%dma_wait3A_31 : memref<10000x128xf32, #tpu.memory_space<hbm>>) dst(%arg9 : memref<40x128xf32, #tpu.memory_space<vmem>>)
    %dma_start3A_32 = arith.constant 9920 : i32
    %dma_start3A_33 = tpu.memref_slice %arg8[%dma_start3A_32] : memref<10000xi32, #tpu.memory_space<vmem>> -> memref<40xi32, #tpu.memory_space<vmem>>
    %dma_start3A_34 = arith.constant 0 : i32
    %dma_start3A_35 = arith.constant 0 : i32
    %dma_start3A_36 = tpu.memref_slice %arg21[%dma_start3A_34, %dma_start3A_35] : memref<10000x128xf32, #tpu.memory_space<vmem_shared>> -> memref<10000x128xf32, #tpu.memory_space<vmem_shared>>
    tpu.enqueue_indirect_dma source(%arg9 : memref<40x128xf32, #tpu.memory_space<vmem>>) target(%dma_start3A_36 : memref<10000x128xf32, #tpu.memory_space<vmem_shared>>) offsets(%dma_start3A_33 : memref<40xi32, #tpu.memory_space<vmem>>) semaphore(%arg17 : memref<!tpu.dma_semaphore, #tpu.memory_space<semaphore_mem>>) {add = true}
    %dma_wait3A_37 = arith.constant 9920 : i32
    %dma_wait3A_38 = tpu.memref_slice %arg8[%dma_wait3A_37] : memref<10000xi32, #tpu.memory_space<vmem>> -> memref<40xi32, #tpu.memory_space<vmem>>
    %dma_wait3A_39 = arith.constant 0 : i32
    %dma_wait3A_40 = arith.constant 0 : i32
    %dma_wait3A_41 = tpu.memref_slice %arg21[%dma_wait3A_39, %dma_wait3A_40] : memref<10000x128xf32, #tpu.memory_space<vmem_shared>> -> memref<10000x128xf32, #tpu.memory_space<vmem_shared>>
    tpu.wait_indirect_dma semaphore(%arg17 : memref<!tpu.dma_semaphore, #tpu.memory_space<semaphore_mem>>) src(%arg9 : memref<40x128xf32, #tpu.memory_space<vmem>>) dst(%dma_wait3A_41 : memref<10000x128xf32, #tpu.memory_space<vmem_shared>>)
    %dma_wait3A_42 = arith.constant 9960 : i32
    %dma_wait3A_43 = tpu.memref_slice %arg7[%dma_wait3A_42] : memref<10000xi32, #tpu.memory_space<vmem>> -> memref<40xi32, #tpu.memory_space<vmem>>
    %dma_wait3A_44 = arith.constant 0 : i32
    %dma_wait3A_45 = arith.constant 0 : i32
    %dma_wait3A_46 = tpu.memref_slice %arg2[%dma_wait3A_44, %dma_wait3A_45] : memref<10000x128xf32, #tpu.memory_space<hbm>> -> memref<10000x128xf32, #tpu.memory_space<hbm>>
    tpu.wait_indirect_dma semaphore(%arg14 : memref<!tpu.dma_semaphore, #tpu.memory_space<semaphore_mem>>) src(%dma_wait3A_46 : memref<10000x128xf32, #tpu.memory_space<hbm>>) dst(%arg10 : memref<40x128xf32, #tpu.memory_space<vmem>>)
    %dma_start3A_47 = arith.constant 9960 : i32
    %dma_start3A_48 = tpu.memref_slice %arg8[%dma_start3A_47] : memref<10000xi32, #tpu.memory_space<vmem>> -> memref<40xi32, #tpu.memory_space<vmem>>
    %dma_start3A_49 = arith.constant 0 : i32
    %dma_start3A_50 = arith.constant 0 : i32
    %dma_start3A_51 = tpu.memref_slice %arg21[%dma_start3A_49, %dma_start3A_50] : memref<10000x128xf32, #tpu.memory_space<vmem_shared>> -> memref<10000x128xf32, #tpu.memory_space<vmem_shared>>
    tpu.enqueue_indirect_dma source(%arg10 : memref<40x128xf32, #tpu.memory_space<vmem>>) target(%dma_start3A_51 : memref<10000x128xf32, #tpu.memory_space<vmem_shared>>) offsets(%dma_start3A_48 : memref<40xi32, #tpu.memory_space<vmem>>) semaphore(%arg18 : memref<!tpu.dma_semaphore, #tpu.memory_space<semaphore_mem>>) {add = true}
    %dma_wait3A_52 = arith.constant 9960 : i32
    %dma_wait3A_53 = tpu.memref_slice %arg8[%dma_wait3A_52] : memref<10000xi32, #tpu.memory_space<vmem>> -> memref<40xi32, #tpu.memory_space<vmem>>
    %dma_wait3A_54 = arith.constant 0 : i32
    %dma_wait3A_55 = arith.constant 0 : i32
    %dma_wait3A_56 = tpu.memref_slice %arg21[%dma_wait3A_54, %dma_wait3A_55] : memref<10000x128xf32, #tpu.memory_space<vmem_shared>> -> memref<10000x128xf32, #tpu.memory_space<vmem_shared>>
    tpu.wait_indirect_dma semaphore(%arg18 : memref<!tpu.dma_semaphore, #tpu.memory_space<semaphore_mem>>) src(%arg10 : memref<40x128xf32, #tpu.memory_space<vmem>>) dst(%dma_wait3A_56 : memref<10000x128xf32, #tpu.memory_space<vmem_shared>>)
    %barrier3A_57 = arith.constant 0 : index
    tpu.barrier barrier_id(%barrier3A_57)
    "tpu.region"() ({
      %run_scoped3A = tpu.sem_alloc : memref<!tpu.dma_semaphore, #tpu.memory_space<semaphore_mem>>
      %dma_start3A_58 = arith.constant 0 : i32
      %dma_start3A_59 = tpu.memref_slice %arg6[%arg0, %mul3A_2, %dma_start3A_58] : memref<2x10000x128xf32, #tpu.memory_space<hbm>> -> memref<1x640x128xf32, #tpu.memory_space<hbm>>
      %dma_start3A_60 = tpu.memref_squeeze %dma_start3A_59 : memref<1x640x128xf32, #tpu.memory_space<hbm>> -> memref<640x128xf32, #tpu.memory_space<hbm>>
      %dma_start3A_61 = arith.constant 0 : i32
      %dma_start3A_62 = tpu.memref_slice %arg21[%mul3A_2, %dma_start3A_61] : memref<10000x128xf32, #tpu.memory_space<vmem_shared>> -> memref<640x128xf32, #tpu.memory_space<vmem_shared>>
      tpu.enqueue_dma source(%dma_start3A_62 : memref<640x128xf32, #tpu.memory_space<vmem_shared>>) target(%dma_start3A_60 : memref<640x128xf32, #tpu.memory_space<hbm>>) target_semaphore(%run_scoped3A : memref<!tpu.dma_semaphore, #tpu.memory_space<semaphore_mem>>)
      %dma_wait3A_63 = arith.constant 0 : i32
      %dma_wait3A_64 = tpu.memref_slice %arg6[%arg0, %mul3A_2, %dma_wait3A_63] : memref<2x10000x128xf32, #tpu.memory_space<hbm>> -> memref<1x640x128xf32, #tpu.memory_space<hbm>>
      %dma_wait3A_65 = tpu.memref_squeeze %dma_wait3A_64 : memref<1x640x128xf32, #tpu.memory_space<hbm>> -> memref<640x128xf32, #tpu.memory_space<hbm>>
      %dma_wait3A_66 = arith.constant 0 : i32
      %dma_wait3A_67 = tpu.memref_slice %arg21[%mul3A_2, %dma_wait3A_66] : memref<10000x128xf32, #tpu.memory_space<vmem_shared>> -> memref<640x128xf32, #tpu.memory_space<vmem_shared>>
      tpu.wait_dma2 semaphore(%run_scoped3A : memref<!tpu.dma_semaphore, #tpu.memory_space<semaphore_mem>>) src(%dma_wait3A_67 : memref<640x128xf32, #tpu.memory_space<vmem_shared>>) dst(%dma_wait3A_65 : memref<640x128xf32, #tpu.memory_space<hbm>>)
      tpu.yield
    }) : () -> ()
    return
  }
}

#map = affine_map<(d0, d1) -> (0)>
#map1 = affine_map<(d0, d1) -> (0, 0)>
module attributes {stable_mosaic.version = 14 : i64} {
  func.func @_deg_kernel_body(%arg0: i32, %arg1: i32, %arg2: memref<320000xi32, #tpu.memory_space<hbm>>, %arg3: memref<2x10000xf32, #tpu.memory_space<hbm>>, %arg4: memref<10000xi32, #tpu.memory_space<vmem>>, %arg5: memref<10000xf32, #tpu.memory_space<vmem>>, %arg6: memref<10000xf32, #tpu.memory_space<vmem>>, %arg7: memref<10000xf32, #tpu.memory_space<vmem_shared>>) attributes {dimension_semantics = [#tpu.dimension_semantics<core_parallel>, #tpu.dimension_semantics<subcore_parallel>], iteration_bounds = array<i64: 2, 16>, scalar_prefetch = 0 : i64, scratch_operands = 4 : i64, tpu.core_type = #tpu.core_type<sc_vector_subcore>, window_params = [{transform_indices = #map}, {transform_indices = #map1}]} {
    %mul3A = arith.constant 16 : i32
    %mul3A_0 = arith.muli %arg0, %mul3A : i32
    %add3A = arith.addi %mul3A_0, %arg1 : i32
    %mul3A_1 = arith.constant 10000 : i32
    %mul3A_2 = arith.muli %add3A, %mul3A_1 : i32
    %scan3A = arith.constant 0 : i32
    %scan3A_3 = arith.constant 625 : i32
    %scan3A_4 = arith.addi %scan3A, %scan3A_3 : i32
    %scan3A_5 = arith.constant 1 : i32
    scf.for %scan3A_15 = %scan3A to %scan3A_4 step %scan3A_5  : i32 {
      %broadcast_in_dim3A = arith.constant 1.000000e+00 : f32
      %broadcast_in_dim3A_16 = vector.broadcast %broadcast_in_dim3A : f32 to vector<16xf32>
      %mul3A_17 = arith.constant 16 : i32
      %mul3A_18 = arith.muli %scan3A_15, %mul3A_17 : i32
      %swap3A = arith.index_cast %mul3A_18 : i32 to index
      %swap3A_19 = tpu.vector_load %arg5[%swap3A] {strides = array<i32>} : memref<10000xf32, #tpu.memory_space<vmem>>, vector<16xf32>,
      %swap3A_20 = vector.shape_cast %swap3A_19 : vector<16xf32> to vector<16xf32>
      %swap3A_21 = vector.shape_cast %broadcast_in_dim3A_16 : vector<16xf32> to vector<16xf32>
      tpu.vector_store %arg5[%swap3A], %swap3A_21 {strides = array<i32>} : memref<10000xf32, #tpu.memory_space<vmem>>, vector<16xf32>,
    }
    %scan3A_6 = arith.constant 625 : i32
    %eq3A = arith.constant 0 : i32
    %eq3A_7 = arith.cmpi eq, %arg1, %eq3A : i32
    %convert_element_type3A = arith.extui %eq3A_7 : i1 to i32
    %cond3A = arith.constant 0 : i32
    %cond3A_8 = arith.cmpi ne, %convert_element_type3A, %cond3A : i32
    scf.if %cond3A_8 {
      %scan3A_15 = arith.constant 0 : i32
      %scan3A_16 = arith.constant 625 : i32
      %scan3A_17 = arith.addi %scan3A_15, %scan3A_16 : i32
      %scan3A_18 = arith.constant 1 : i32
      scf.for %scan3A_20 = %scan3A_15 to %scan3A_17 step %scan3A_18  : i32 {
        %broadcast_in_dim3A = arith.constant 0.000000e+00 : f32
        %broadcast_in_dim3A_21 = vector.broadcast %broadcast_in_dim3A : f32 to vector<16xf32>
        %mul3A_22 = arith.constant 16 : i32
        %mul3A_23 = arith.muli %scan3A_20, %mul3A_22 : i32
        %swap3A = arith.index_cast %mul3A_23 : i32 to index
        %swap3A_24 = tpu.vector_load %arg6[%swap3A] {strides = array<i32>} : memref<10000xf32, #tpu.memory_space<vmem>>, vector<16xf32>,
        %swap3A_25 = vector.shape_cast %swap3A_24 : vector<16xf32> to vector<16xf32>
        %swap3A_26 = vector.shape_cast %broadcast_in_dim3A_21 : vector<16xf32> to vector<16xf32>
        tpu.vector_store %arg6[%swap3A], %swap3A_26 {strides = array<i32>} : memref<10000xf32, #tpu.memory_space<vmem>>, vector<16xf32>,
      }
      %scan3A_19 = arith.constant 625 : i32
      "tpu.region"() ({
        %run_scoped3A = tpu.sem_alloc : memref<!tpu.dma_semaphore, #tpu.memory_space<semaphore_mem>>
        tpu.enqueue_dma source(%arg6 : memref<10000xf32, #tpu.memory_space<vmem>>) target(%arg7 : memref<10000xf32, #tpu.memory_space<vmem_shared>>) target_semaphore(%run_scoped3A : memref<!tpu.dma_semaphore, #tpu.memory_space<semaphore_mem>>)
        tpu.wait_dma2 semaphore(%run_scoped3A : memref<!tpu.dma_semaphore, #tpu.memory_space<semaphore_mem>>) src(%arg6 : memref<10000xf32, #tpu.memory_space<vmem>>) dst(%arg7 : memref<10000xf32, #tpu.memory_space<vmem_shared>>)
        tpu.yield
      }) : () -> ()
    } else {
    }
    %barrier3A = arith.constant 0 : index
    tpu.barrier barrier_id(%barrier3A)
    "tpu.region"() ({
      %run_scoped3A = tpu.sem_alloc : memref<!tpu.dma_semaphore, #tpu.memory_space<semaphore_mem>>
      %dma_start3A = tpu.memref_slice %arg2[%mul3A_2] : memref<320000xi32, #tpu.memory_space<hbm>> -> memref<10000xi32, #tpu.memory_space<hbm>>
      %dma_start3A_15 = tpu.memref_slice %arg2[%mul3A_2] : memref<320000xi32, #tpu.memory_space<hbm>> -> memref<10000xi32, #tpu.memory_space<hbm>>
      tpu.enqueue_dma source(%dma_start3A_15 : memref<10000xi32, #tpu.memory_space<hbm>>) target(%arg4 : memref<10000xi32, #tpu.memory_space<vmem>>) target_semaphore(%run_scoped3A : memref<!tpu.dma_semaphore, #tpu.memory_space<semaphore_mem>>)
      %dma_wait3A = tpu.memref_slice %arg2[%mul3A_2] : memref<320000xi32, #tpu.memory_space<hbm>> -> memref<10000xi32, #tpu.memory_space<hbm>>
      %dma_wait3A_16 = tpu.memref_slice %arg2[%mul3A_2] : memref<320000xi32, #tpu.memory_space<hbm>> -> memref<10000xi32, #tpu.memory_space<hbm>>
      tpu.wait_dma2 semaphore(%run_scoped3A : memref<!tpu.dma_semaphore, #tpu.memory_space<semaphore_mem>>) src(%dma_wait3A_16 : memref<10000xi32, #tpu.memory_space<hbm>>) dst(%arg4 : memref<10000xi32, #tpu.memory_space<vmem>>)
      tpu.yield
    }) : () -> ()
    "tpu.region"() ({
      %run_scoped3A = tpu.sem_alloc : memref<!tpu.dma_semaphore, #tpu.memory_space<semaphore_mem>>
      %dma_start3A = arith.constant 0 : i32
      %dma_start3A_15 = tpu.memref_slice %arg7[%dma_start3A] : memref<10000xf32, #tpu.memory_space<vmem_shared>> -> memref<10000xf32, #tpu.memory_space<vmem_shared>>
      tpu.enqueue_indirect_dma source(%arg5 : memref<10000xf32, #tpu.memory_space<vmem>>) target(%dma_start3A_15 : memref<10000xf32, #tpu.memory_space<vmem_shared>>) offsets(%arg4 : memref<10000xi32, #tpu.memory_space<vmem>>) semaphore(%run_scoped3A : memref<!tpu.dma_semaphore, #tpu.memory_space<semaphore_mem>>) {add = true}
      %dma_wait3A = arith.constant 0 : i32
      %dma_wait3A_16 = tpu.memref_slice %arg7[%dma_wait3A] : memref<10000xf32, #tpu.memory_space<vmem_shared>> -> memref<10000xf32, #tpu.memory_space<vmem_shared>>
      tpu.wait_indirect_dma semaphore(%run_scoped3A : memref<!tpu.dma_semaphore, #tpu.memory_space<semaphore_mem>>) src(%arg5 : memref<10000xf32, #tpu.memory_space<vmem>>) dst(%dma_wait3A_16 : memref<10000xf32, #tpu.memory_space<vmem_shared>>)
      tpu.yield
    }) : () -> ()
    %barrier3A_9 = arith.constant 0 : index
    tpu.barrier barrier_id(%barrier3A_9)
    %eq3A_10 = arith.constant 0 : i32
    %eq3A_11 = arith.cmpi eq, %arg1, %eq3A_10 : i32
    %convert_element_type3A_12 = arith.extui %eq3A_11 : i1 to i32
    %cond3A_13 = arith.constant 0 : i32
    %cond3A_14 = arith.cmpi ne, %convert_element_type3A_12, %cond3A_13 : i32
    scf.if %cond3A_14 {
      "tpu.region"() ({
        %run_scoped3A = tpu.sem_alloc : memref<!tpu.dma_semaphore, #tpu.memory_space<semaphore_mem>>
        %dma_start3A = arith.constant 0 : i32
        %dma_start3A_15 = tpu.memref_slice %arg3[%arg0, %dma_start3A] : memref<2x10000xf32, #tpu.memory_space<hbm>> -> memref<1x10000xf32, #tpu.memory_space<hbm>>
        %dma_start3A_16 = tpu.memref_squeeze %dma_start3A_15 : memref<1x10000xf32, #tpu.memory_space<hbm>> -> memref<10000xf32, #tpu.memory_space<hbm>>
        tpu.enqueue_dma source(%arg7 : memref<10000xf32, #tpu.memory_space<vmem_shared>>) target(%dma_start3A_16 : memref<10000xf32, #tpu.memory_space<hbm>>) target_semaphore(%run_scoped3A : memref<!tpu.dma_semaphore, #tpu.memory_space<semaphore_mem>>)
        %dma_wait3A = arith.constant 0 : i32
        %dma_wait3A_17 = tpu.memref_slice %arg3[%arg0, %dma_wait3A] : memref<2x10000xf32, #tpu.memory_space<hbm>> -> memref<1x10000xf32, #tpu.memory_space<hbm>>
        %dma_wait3A_18 = tpu.memref_squeeze %dma_wait3A_17 : memref<1x10000xf32, #tpu.memory_space<hbm>> -> memref<10000xf32, #tpu.memory_space<hbm>>
        tpu.wait_dma2 semaphore(%run_scoped3A : memref<!tpu.dma_semaphore, #tpu.memory_space<semaphore_mem>>) src(%arg7 : memref<10000xf32, #tpu.memory_space<vmem_shared>>) dst(%dma_wait3A_18 : memref<10000xf32, #tpu.memory_space<hbm>>)
        tpu.yield
      }) : () -> ()
    } else {
    }
    return
  }
}

#map = affine_map<(d0, d1) -> (0)>
#map1 = affine_map<(d0, d1) -> (0, 0)>
module attributes {stable_mosaic.version = 14 : i64} {
  func.func @_pool_body(%arg0: i32, %arg1: i32, %arg2: memref<1280000xf32, #tpu.memory_space<hbm>>, %arg3: memref<1280000xf32, #tpu.memory_space<hbm>>, %arg4: memref<1280000xf32, #tpu.memory_space<hbm>>, %arg5: memref<10000xf32, #tpu.memory_space<hbm>>, %arg6: memref<10000xi32, #tpu.memory_space<hbm>>, %arg7: memref<128xf32, #tpu.memory_space<hbm>>, %arg8: memref<32x8192xf32, #tpu.memory_space<hbm>>, %arg9: memref<32x8192xf32, #tpu.memory_space<hbm>>, %arg10: memref<10240xf32, #tpu.memory_space<vmem>>, %arg11: memref<10240xf32, #tpu.memory_space<vmem>>, %arg12: memref<10240xf32, #tpu.memory_space<vmem>>, %arg13: memref<10240xf32, #tpu.memory_space<vmem>>, %arg14: memref<10240xf32, #tpu.memory_space<vmem>>, %arg15: memref<10240xf32, #tpu.memory_space<vmem>>, %arg16: memref<96xf32, #tpu.memory_space<vmem>>, %arg17: memref<96xf32, #tpu.memory_space<vmem>>, %arg18: memref<96xi32, #tpu.memory_space<vmem>>, %arg19: memref<96xi32, #tpu.memory_space<vmem>>, %arg20: memref<!tpu.dma_semaphore, #tpu.memory_space<semaphore_mem>>, %arg21: memref<!tpu.dma_semaphore, #tpu.memory_space<semaphore_mem>>, %arg22: memref<128xf32, #tpu.memory_space<vmem>>, %arg23: memref<8192xf32, #tpu.memory_space<vmem>>, %arg24: memref<8192xf32, #tpu.memory_space<vmem>>) attributes {dimension_semantics = [#tpu.dimension_semantics<core_parallel>, #tpu.dimension_semantics<subcore_parallel>], iteration_bounds = array<i64: 2, 16>, scalar_prefetch = 0 : i64, scratch_operands = 15 : i64, tpu.core_type = #tpu.core_type<sc_vector_subcore>, window_params = [{transform_indices = #map}, {transform_indices = #map}, {transform_indices = #map}, {transform_indices = #map}, {transform_indices = #map}, {transform_indices = #map}, {transform_indices = #map1}, {transform_indices = #map1}]} {
    %mul3A = arith.constant 16 : i32
    %mul3A_0 = arith.muli %arg0, %mul3A : i32
    %add3A = arith.addi %mul3A_0, %arg1 : i32
    "tpu.region"() ({
      %run_scoped3A = tpu.sem_alloc : memref<!tpu.dma_semaphore, #tpu.memory_space<semaphore_mem>>
      tpu.enqueue_dma source(%arg7 : memref<128xf32, #tpu.memory_space<hbm>>) target(%arg22 : memref<128xf32, #tpu.memory_space<vmem>>) target_semaphore(%run_scoped3A : memref<!tpu.dma_semaphore, #tpu.memory_space<semaphore_mem>>)
      tpu.wait_dma2 semaphore(%run_scoped3A : memref<!tpu.dma_semaphore, #tpu.memory_space<semaphore_mem>>) src(%arg7 : memref<128xf32, #tpu.memory_space<hbm>>) dst(%arg22 : memref<128xf32, #tpu.memory_space<vmem>>)
      tpu.yield
    }) : () -> ()
    %add3A_1 = arith.constant 0 : i32
    %add3A_2 = arith.addi %add3A, %add3A_1 : i32
    %lt3A = arith.constant 125 : i32
    %lt3A_3 = arith.cmpi slt, %add3A_2, %lt3A : i32
    %convert_element_type3A = arith.extui %lt3A_3 : i1 to i32
    %cond3A = arith.constant 0 : i32
    %cond3A_4 = arith.cmpi ne, %convert_element_type3A, %cond3A : i32
    scf.if %cond3A_4 {
      %add3A_86 = arith.constant 0 : i32
      %add3A_87 = arith.addi %add3A, %add3A_86 : i32
      %mul3A_88 = arith.constant 80 : i32
      %mul3A_89 = arith.muli %add3A_87, %mul3A_88 : i32
      %mul3A_90 = arith.constant 128 : i32
      %mul3A_91 = arith.muli %mul3A_89, %mul3A_90 : i32
      %mul3A_92 = arith.constant 128 : i32
      %mul3A_93 = arith.muli %mul3A_89, %mul3A_92 : i32
      %mul3A_94 = arith.constant 128 : i32
      %mul3A_95 = arith.muli %mul3A_89, %mul3A_94 : i32
      %dma_start3A = tpu.memref_slice %arg2[%mul3A_91] : memref<1280000xf32, #tpu.memory_space<hbm>> -> memref<10240xf32, #tpu.memory_space<hbm>>
      %dma_start3A_96 = tpu.memref_slice %arg2[%mul3A_91] : memref<1280000xf32, #tpu.memory_space<hbm>> -> memref<10240xf32, #tpu.memory_space<hbm>>
      tpu.enqueue_dma source(%dma_start3A_96 : memref<10240xf32, #tpu.memory_space<hbm>>) target(%arg10 : memref<10240xf32, #tpu.memory_space<vmem>>) target_semaphore(%arg20 : memref<!tpu.dma_semaphore, #tpu.memory_space<semaphore_mem>>)
      %dma_start3A_97 = tpu.memref_slice %arg3[%mul3A_93] : memref<1280000xf32, #tpu.memory_space<hbm>> -> memref<10240xf32, #tpu.memory_space<hbm>>
      %dma_start3A_98 = tpu.memref_slice %arg3[%mul3A_93] : memref<1280000xf32, #tpu.memory_space<hbm>> -> memref<10240xf32, #tpu.memory_space<hbm>>
      tpu.enqueue_dma source(%dma_start3A_98 : memref<10240xf32, #tpu.memory_space<hbm>>) target(%arg12 : memref<10240xf32, #tpu.memory_space<vmem>>) target_semaphore(%arg20 : memref<!tpu.dma_semaphore, #tpu.memory_space<semaphore_mem>>)
      %dma_start3A_99 = tpu.memref_slice %arg4[%mul3A_95] : memref<1280000xf32, #tpu.memory_space<hbm>> -> memref<10240xf32, #tpu.memory_space<hbm>>
      %dma_start3A_100 = tpu.memref_slice %arg4[%mul3A_95] : memref<1280000xf32, #tpu.memory_space<hbm>> -> memref<10240xf32, #tpu.memory_space<hbm>>
      tpu.enqueue_dma source(%dma_start3A_100 : memref<10240xf32, #tpu.memory_space<hbm>>) target(%arg14 : memref<10240xf32, #tpu.memory_space<vmem>>) target_semaphore(%arg20 : memref<!tpu.dma_semaphore, #tpu.memory_space<semaphore_mem>>)
      %dma_start3A_101 = arith.constant 0 : i32
      %dma_start3A_102 = tpu.memref_slice %arg16[%dma_start3A_101] : memref<96xf32, #tpu.memory_space<vmem>> -> memref<80xf32, #tpu.memory_space<vmem>>
      %dma_start3A_103 = tpu.memref_slice %arg5[%mul3A_89] : memref<10000xf32, #tpu.memory_space<hbm>> -> memref<80xf32, #tpu.memory_space<hbm>>
      %dma_start3A_104 = arith.constant 0 : i32
      %dma_start3A_105 = tpu.memref_slice %arg16[%dma_start3A_104] : memref<96xf32, #tpu.memory_space<vmem>> -> memref<80xf32, #tpu.memory_space<vmem>>
      %dma_start3A_106 = tpu.memref_slice %arg5[%mul3A_89] : memref<10000xf32, #tpu.memory_space<hbm>> -> memref<80xf32, #tpu.memory_space<hbm>>
      tpu.enqueue_dma source(%dma_start3A_106 : memref<80xf32, #tpu.memory_space<hbm>>) target(%dma_start3A_105 : memref<80xf32, #tpu.memory_space<vmem>>) target_semaphore(%arg20 : memref<!tpu.dma_semaphore, #tpu.memory_space<semaphore_mem>>)
      %dma_start3A_107 = arith.constant 0 : i32
      %dma_start3A_108 = tpu.memref_slice %arg18[%dma_start3A_107] : memref<96xi32, #tpu.memory_space<vmem>> -> memref<80xi32, #tpu.memory_space<vmem>>
      %dma_start3A_109 = tpu.memref_slice %arg6[%mul3A_89] : memref<10000xi32, #tpu.memory_space<hbm>> -> memref<80xi32, #tpu.memory_space<hbm>>
      %dma_start3A_110 = arith.constant 0 : i32
      %dma_start3A_111 = tpu.memref_slice %arg18[%dma_start3A_110] : memref<96xi32, #tpu.memory_space<vmem>> -> memref<80xi32, #tpu.memory_space<vmem>>
      %dma_start3A_112 = tpu.memref_slice %arg6[%mul3A_89] : memref<10000xi32, #tpu.memory_space<hbm>> -> memref<80xi32, #tpu.memory_space<hbm>>
      tpu.enqueue_dma source(%dma_start3A_112 : memref<80xi32, #tpu.memory_space<hbm>>) target(%dma_start3A_111 : memref<80xi32, #tpu.memory_space<vmem>>) target_semaphore(%arg20 : memref<!tpu.dma_semaphore, #tpu.memory_space<semaphore_mem>>)
    } else {
    }
    %scan3A = arith.constant 0 : i32
    %scan3A_5 = arith.constant 512 : i32
    %scan3A_6 = arith.addi %scan3A, %scan3A_5 : i32
    %scan3A_7 = arith.constant 1 : i32
    scf.for %scan3A_86 = %scan3A to %scan3A_6 step %scan3A_7  : i32 {
      %broadcast_in_dim3A = arith.constant 0xFF800000 : f32
      %broadcast_in_dim3A_87 = vector.broadcast %broadcast_in_dim3A : f32 to vector<16xf32>
      %mul3A_88 = arith.constant 16 : i32
      %mul3A_89 = arith.muli %scan3A_86, %mul3A_88 : i32
      %swap3A = arith.index_cast %mul3A_89 : i32 to index
      %swap3A_90 = tpu.vector_load %arg23[%swap3A] {strides = array<i32>} : memref<8192xf32, #tpu.memory_space<vmem>>, vector<16xf32>,
      tpu.vector_store %arg23[%swap3A], %broadcast_in_dim3A_87 {strides = array<i32>} : memref<8192xf32, #tpu.memory_space<vmem>>, vector<16xf32>,
      %broadcast_in_dim3A_91 = arith.constant 0.000000e+00 : f32
      %broadcast_in_dim3A_92 = vector.broadcast %broadcast_in_dim3A_91 : f32 to vector<16xf32>
      %mul3A_93 = arith.constant 16 : i32
      %mul3A_94 = arith.muli %scan3A_86, %mul3A_93 : i32
      %swap3A_95 = arith.index_cast %mul3A_94 : i32 to index
      %swap3A_96 = tpu.vector_load %arg24[%swap3A_95] {strides = array<i32>} : memref<8192xf32, #tpu.memory_space<vmem>>, vector<16xf32>,
      tpu.vector_store %arg24[%swap3A_95], %broadcast_in_dim3A_92 {strides = array<i32>} : memref<8192xf32, #tpu.memory_space<vmem>>, vector<16xf32>,
    }
    %scan3A_8 = arith.constant 512 : i32
    %add3A_9 = arith.constant 32 : i32
    %add3A_10 = arith.addi %add3A, %add3A_9 : i32
    %lt3A_11 = arith.constant 125 : i32
    %lt3A_12 = arith.cmpi slt, %add3A_10, %lt3A_11 : i32
    %convert_element_type3A_13 = arith.extui %lt3A_12 : i1 to i32
    %cond3A_14 = arith.constant 0 : i32
    %cond3A_15 = arith.cmpi ne, %convert_element_type3A_13, %cond3A_14 : i32
    scf.if %cond3A_15 {
      %add3A_86 = arith.constant 32 : i32
      %add3A_87 = arith.addi %add3A, %add3A_86 : i32
      %mul3A_88 = arith.constant 80 : i32
      %mul3A_89 = arith.muli %add3A_87, %mul3A_88 : i32
      %mul3A_90 = arith.constant 128 : i32
      %mul3A_91 = arith.muli %mul3A_89, %mul3A_90 : i32
      %mul3A_92 = arith.constant 128 : i32
      %mul3A_93 = arith.muli %mul3A_89, %mul3A_92 : i32
      %mul3A_94 = arith.constant 128 : i32
      %mul3A_95 = arith.muli %mul3A_89, %mul3A_94 : i32
      %dma_start3A = tpu.memref_slice %arg2[%mul3A_91] : memref<1280000xf32, #tpu.memory_space<hbm>> -> memref<10240xf32, #tpu.memory_space<hbm>>
      %dma_start3A_96 = tpu.memref_slice %arg2[%mul3A_91] : memref<1280000xf32, #tpu.memory_space<hbm>> -> memref<10240xf32, #tpu.memory_space<hbm>>
      tpu.enqueue_dma source(%dma_start3A_96 : memref<10240xf32, #tpu.memory_space<hbm>>) target(%arg11 : memref<10240xf32, #tpu.memory_space<vmem>>) target_semaphore(%arg21 : memref<!tpu.dma_semaphore, #tpu.memory_space<semaphore_mem>>)
      %dma_start3A_97 = tpu.memref_slice %arg3[%mul3A_93] : memref<1280000xf32, #tpu.memory_space<hbm>> -> memref<10240xf32, #tpu.memory_space<hbm>>
      %dma_start3A_98 = tpu.memref_slice %arg3[%mul3A_93] : memref<1280000xf32, #tpu.memory_space<hbm>> -> memref<10240xf32, #tpu.memory_space<hbm>>
      tpu.enqueue_dma source(%dma_start3A_98 : memref<10240xf32, #tpu.memory_space<hbm>>) target(%arg13 : memref<10240xf32, #tpu.memory_space<vmem>>) target_semaphore(%arg21 : memref<!tpu.dma_semaphore, #tpu.memory_space<semaphore_mem>>)
      %dma_start3A_99 = tpu.memref_slice %arg4[%mul3A_95] : memref<1280000xf32, #tpu.memory_space<hbm>> -> memref<10240xf32, #tpu.memory_space<hbm>>
      %dma_start3A_100 = tpu.memref_slice %arg4[%mul3A_95] : memref<1280000xf32, #tpu.memory_space<hbm>> -> memref<10240xf32, #tpu.memory_space<hbm>>
      tpu.enqueue_dma source(%dma_start3A_100 : memref<10240xf32, #tpu.memory_space<hbm>>) target(%arg15 : memref<10240xf32, #tpu.memory_space<vmem>>) target_semaphore(%arg21 : memref<!tpu.dma_semaphore, #tpu.memory_space<semaphore_mem>>)
      %dma_start3A_101 = arith.constant 0 : i32
      %dma_start3A_102 = tpu.memref_slice %arg17[%dma_start3A_101] : memref<96xf32, #tpu.memory_space<vmem>> -> memref<80xf32, #tpu.memory_space<vmem>>
      %dma_start3A_103 = tpu.memref_slice %arg5[%mul3A_89] : memref<10000xf32, #tpu.memory_space<hbm>> -> memref<80xf32, #tpu.memory_space<hbm>>
      %dma_start3A_104 = arith.constant 0 : i32
      %dma_start3A_105 = tpu.memref_slice %arg17[%dma_start3A_104] : memref<96xf32, #tpu.memory_space<vmem>> -> memref<80xf32, #tpu.memory_space<vmem>>
      %dma_start3A_106 = tpu.memref_slice %arg5[%mul3A_89] : memref<10000xf32, #tpu.memory_space<hbm>> -> memref<80xf32, #tpu.memory_space<hbm>>
      tpu.enqueue_dma source(%dma_start3A_106 : memref<80xf32, #tpu.memory_space<hbm>>) target(%dma_start3A_105 : memref<80xf32, #tpu.memory_space<vmem>>) target_semaphore(%arg21 : memref<!tpu.dma_semaphore, #tpu.memory_space<semaphore_mem>>)
      %dma_start3A_107 = arith.constant 0 : i32
      %dma_start3A_108 = tpu.memref_slice %arg19[%dma_start3A_107] : memref<96xi32, #tpu.memory_space<vmem>> -> memref<80xi32, #tpu.memory_space<vmem>>
      %dma_start3A_109 = tpu.memref_slice %arg6[%mul3A_89] : memref<10000xi32, #tpu.memory_space<hbm>> -> memref<80xi32, #tpu.memory_space<hbm>>
      %dma_start3A_110 = arith.constant 0 : i32
      %dma_start3A_111 = tpu.memref_slice %arg19[%dma_start3A_110] : memref<96xi32, #tpu.memory_space<vmem>> -> memref<80xi32, #tpu.memory_space<vmem>>
      %dma_start3A_112 = tpu.memref_slice %arg6[%mul3A_89] : memref<10000xi32, #tpu.memory_space<hbm>> -> memref<80xi32, #tpu.memory_space<hbm>>
      tpu.enqueue_dma source(%dma_start3A_112 : memref<80xi32, #tpu.memory_space<hbm>>) target(%dma_start3A_111 : memref<80xi32, #tpu.memory_space<vmem>>) target_semaphore(%arg21 : memref<!tpu.dma_semaphore, #tpu.memory_space<semaphore_mem>>)
    } else {
    }
    %add3A_16 = arith.constant 0 : i32
    %add3A_17 = arith.addi %add3A, %add3A_16 : i32
    %lt3A_18 = arith.constant 125 : i32
    %lt3A_19 = arith.cmpi slt, %add3A_17, %lt3A_18 : i32
    %convert_element_type3A_20 = arith.extui %lt3A_19 : i1 to i32
    %cond3A_21 = arith.constant 0 : i32
    %cond3A_22 = arith.cmpi ne, %convert_element_type3A_20, %cond3A_21 : i32
    scf.if %cond3A_22 {
      %add3A_86 = arith.constant 0 : i32
      %add3A_87 = arith.addi %add3A, %add3A_86 : i32
      %mul3A_88 = arith.constant 80 : i32
      %mul3A_89 = arith.muli %add3A_87, %mul3A_88 : i32
      %mul3A_90 = arith.constant 128 : i32
      %mul3A_91 = arith.muli %mul3A_89, %mul3A_90 : i32
      %mul3A_92 = arith.constant 128 : i32
      %mul3A_93 = arith.muli %mul3A_89, %mul3A_92 : i32
      %mul3A_94 = arith.constant 128 : i32
      %mul3A_95 = arith.muli %mul3A_89, %mul3A_94 : i32
      %dma_wait3A = tpu.memref_slice %arg2[%mul3A_91] : memref<1280000xf32, #tpu.memory_space<hbm>> -> memref<10240xf32, #tpu.memory_space<hbm>>
      %dma_wait3A_96 = tpu.memref_slice %arg2[%mul3A_91] : memref<1280000xf32, #tpu.memory_space<hbm>> -> memref<10240xf32, #tpu.memory_space<hbm>>
      tpu.wait_dma2 semaphore(%arg20 : memref<!tpu.dma_semaphore, #tpu.memory_space<semaphore_mem>>) src(%dma_wait3A_96 : memref<10240xf32, #tpu.memory_space<hbm>>) dst(%arg10 : memref<10240xf32, #tpu.memory_space<vmem>>)
      %dma_wait3A_97 = tpu.memref_slice %arg3[%mul3A_93] : memref<1280000xf32, #tpu.memory_space<hbm>> -> memref<10240xf32, #tpu.memory_space<hbm>>
      %dma_wait3A_98 = tpu.memref_slice %arg3[%mul3A_93] : memref<1280000xf32, #tpu.memory_space<hbm>> -> memref<10240xf32, #tpu.memory_space<hbm>>
      tpu.wait_dma2 semaphore(%arg20 : memref<!tpu.dma_semaphore, #tpu.memory_space<semaphore_mem>>) src(%dma_wait3A_98 : memref<10240xf32, #tpu.memory_space<hbm>>) dst(%arg12 : memref<10240xf32, #tpu.memory_space<vmem>>)
      %dma_wait3A_99 = tpu.memref_slice %arg4[%mul3A_95] : memref<1280000xf32, #tpu.memory_space<hbm>> -> memref<10240xf32, #tpu.memory_space<hbm>>
      %dma_wait3A_100 = tpu.memref_slice %arg4[%mul3A_95] : memref<1280000xf32, #tpu.memory_space<hbm>> -> memref<10240xf32, #tpu.memory_space<hbm>>
      tpu.wait_dma2 semaphore(%arg20 : memref<!tpu.dma_semaphore, #tpu.memory_space<semaphore_mem>>) src(%dma_wait3A_100 : memref<10240xf32, #tpu.memory_space<hbm>>) dst(%arg14 : memref<10240xf32, #tpu.memory_space<vmem>>)
      %dma_wait3A_101 = arith.constant 0 : i32
      %dma_wait3A_102 = tpu.memref_slice %arg16[%dma_wait3A_101] : memref<96xf32, #tpu.memory_space<vmem>> -> memref<80xf32, #tpu.memory_space<vmem>>
      %dma_wait3A_103 = tpu.memref_slice %arg5[%mul3A_89] : memref<10000xf32, #tpu.memory_space<hbm>> -> memref<80xf32, #tpu.memory_space<hbm>>
      %dma_wait3A_104 = arith.constant 0 : i32
      %dma_wait3A_105 = tpu.memref_slice %arg16[%dma_wait3A_104] : memref<96xf32, #tpu.memory_space<vmem>> -> memref<80xf32, #tpu.memory_space<vmem>>
      %dma_wait3A_106 = tpu.memref_slice %arg5[%mul3A_89] : memref<10000xf32, #tpu.memory_space<hbm>> -> memref<80xf32, #tpu.memory_space<hbm>>
      tpu.wait_dma2 semaphore(%arg20 : memref<!tpu.dma_semaphore, #tpu.memory_space<semaphore_mem>>) src(%dma_wait3A_106 : memref<80xf32, #tpu.memory_space<hbm>>) dst(%dma_wait3A_105 : memref<80xf32, #tpu.memory_space<vmem>>)
      %dma_wait3A_107 = arith.constant 0 : i32
      %dma_wait3A_108 = tpu.memref_slice %arg18[%dma_wait3A_107] : memref<96xi32, #tpu.memory_space<vmem>> -> memref<80xi32, #tpu.memory_space<vmem>>
      %dma_wait3A_109 = tpu.memref_slice %arg6[%mul3A_89] : memref<10000xi32, #tpu.memory_space<hbm>> -> memref<80xi32, #tpu.memory_space<hbm>>
      %dma_wait3A_110 = arith.constant 0 : i32
      %dma_wait3A_111 = tpu.memref_slice %arg18[%dma_wait3A_110] : memref<96xi32, #tpu.memory_space<vmem>> -> memref<80xi32, #tpu.memory_space<vmem>>
      %dma_wait3A_112 = tpu.memref_slice %arg6[%mul3A_89] : memref<10000xi32, #tpu.memory_space<hbm>> -> memref<80xi32, #tpu.memory_space<hbm>>
      tpu.wait_dma2 semaphore(%arg20 : memref<!tpu.dma_semaphore, #tpu.memory_space<semaphore_mem>>) src(%dma_wait3A_112 : memref<80xi32, #tpu.memory_space<hbm>>) dst(%dma_wait3A_111 : memref<80xi32, #tpu.memory_space<vmem>>)
    } else {
    }
    %add3A_23 = arith.constant 0 : i32
    %add3A_24 = arith.addi %add3A, %add3A_23 : i32
    %lt3A_25 = arith.constant 125 : i32
    %lt3A_26 = arith.cmpi slt, %add3A_24, %lt3A_25 : i32
    %convert_element_type3A_27 = arith.extui %lt3A_26 : i1 to i32
    %cond3A_28 = arith.constant 0 : i32
    %cond3A_29 = arith.cmpi ne, %convert_element_type3A_27, %cond3A_28 : i32
    scf.if %cond3A_29 {
      %get3A = arith.constant 0 : index
      %get3A_86 = tpu.vector_load %arg22[%get3A] {strides = array<i32>} : memref<128xf32, #tpu.memory_space<vmem>>, vector<16xf32>,
      %get3A_87 = arith.constant 16 : index
      %get3A_88 = tpu.vector_load %arg22[%get3A_87] {strides = array<i32>} : memref<128xf32, #tpu.memory_space<vmem>>, vector<16xf32>,
      %get3A_89 = arith.constant 32 : index
      %get3A_90 = tpu.vector_load %arg22[%get3A_89] {strides = array<i32>} : memref<128xf32, #tpu.memory_space<vmem>>, vector<16xf32>,
      %get3A_91 = arith.constant 48 : index
      %get3A_92 = tpu.vector_load %arg22[%get3A_91] {strides = array<i32>} : memref<128xf32, #tpu.memory_space<vmem>>, vector<16xf32>,
      %get3A_93 = arith.constant 64 : index
      %get3A_94 = tpu.vector_load %arg22[%get3A_93] {strides = array<i32>} : memref<128xf32, #tpu.memory_space<vmem>>, vector<16xf32>,
      %get3A_95 = arith.constant 80 : index
      %get3A_96 = tpu.vector_load %arg22[%get3A_95] {strides = array<i32>} : memref<128xf32, #tpu.memory_space<vmem>>, vector<16xf32>,
      %get3A_97 = arith.constant 96 : index
      %get3A_98 = tpu.vector_load %arg22[%get3A_97] {strides = array<i32>} : memref<128xf32, #tpu.memory_space<vmem>>, vector<16xf32>,
      %get3A_99 = arith.constant 112 : index
      %get3A_100 = tpu.vector_load %arg22[%get3A_99] {strides = array<i32>} : memref<128xf32, #tpu.memory_space<vmem>>, vector<16xf32>,
      %iota3A = tpu.iota {dimensions = array<i32: 0>} : vector<16xi32>
      %scan3A_101 = arith.constant 0 : i32
      %scan3A_102 = arith.constant 80 : i32
      %scan3A_103 = arith.addi %scan3A_101, %scan3A_102 : i32
      %scan3A_104 = arith.constant 1 : i32
      scf.for %scan3A_106 = %scan3A_101 to %scan3A_103 step %scan3A_104  : i32 {
        %get3A_107 = arith.index_cast %scan3A_106 : i32 to index
        %get3A_108 = tpu.vector_load %arg16[%get3A_107] {strides = array<i32>} : memref<96xf32, #tpu.memory_space<vmem>>, vector<16xf32>,
        %slice3A = vector.extract_strided_slice %get3A_108 {offsets = [0], sizes = [1], strides = [1]} : vector<16xf32> to vector<1xf32>
        %squeeze3A = vector.extract %slice3A[0] : f32 from vector<1xf32>
        %broadcast_in_dim3A = vector.broadcast %squeeze3A : f32 to vector<16xf32>
        %get3A_109 = arith.index_cast %scan3A_106 : i32 to index
        %get3A_110 = tpu.vector_load %arg18[%get3A_109] {strides = array<i32>} : memref<96xi32, #tpu.memory_space<vmem>>, vector<16xi32>,
        %slice3A_111 = vector.extract_strided_slice %get3A_110 {offsets = [0], sizes = [1], strides = [1]} : vector<16xi32> to vector<1xi32>
        %squeeze3A_112 = vector.extract %slice3A_111[0] : i32 from vector<1xi32>
        %mul3A_113 = arith.constant 128 : i32
        %mul3A_114 = arith.muli %squeeze3A_112, %mul3A_113 : i32
        %add3A_115 = vector.broadcast %mul3A_114 : i32 to vector<16xi32>
        %add3A_116 = arith.addi %add3A_115, %iota3A : vector<16xi32>
        %mul3A_117 = arith.constant 128 : i32
        %mul3A_118 = arith.muli %scan3A_106, %mul3A_117 : i32
        %add3A_119 = arith.constant 0 : i32
        %add3A_120 = arith.addi %mul3A_118, %add3A_119 : i32
        %get3A_121 = arith.index_cast %add3A_120 : i32 to index
        %get3A_122 = tpu.vector_load %arg10[%get3A_121] {strides = array<i32>} : memref<10240xf32, #tpu.memory_space<vmem>>, vector<16xf32>,
        %get3A_123 = arith.index_cast %add3A_120 : i32 to index
        %get3A_124 = tpu.vector_load %arg12[%get3A_123] {strides = array<i32>} : memref<10240xf32, #tpu.memory_space<vmem>>, vector<16xf32>,
        %add3A_125 = arith.addf %get3A_122, %get3A_124 : vector<16xf32>
        %get3A_126 = arith.index_cast %add3A_120 : i32 to index
        %get3A_127 = tpu.vector_load %arg14[%get3A_126] {strides = array<i32>} : memref<10240xf32, #tpu.memory_space<vmem>>, vector<16xf32>,
        %add3A_128 = arith.addf %add3A_125, %get3A_127 : vector<16xf32>
        %mul3A_129 = arith.mulf %broadcast_in_dim3A, %add3A_128 : vector<16xf32>
        %add3A_130 = arith.addf %mul3A_129, %get3A_86 : vector<16xf32>
        %max3A = arith.constant 0.000000e+00 : f32
        %max3A_131 = vector.broadcast %max3A : f32 to vector<16xf32>
        %max3A_132 = arith.maximumf %add3A_130, %max3A_131 : vector<16xf32>
        %add3A_133 = arith.constant 0 : i32
        %add3A_134 = vector.broadcast %add3A_133 : i32 to vector<16xi32>
        %add3A_135 = arith.addi %add3A_116, %add3A_134 : vector<16xi32>
        %gather3A = tpu.vector_load_idx %arg23[%add3A_135] : memref<8192xf32, #tpu.memory_space<vmem>>[vector<16xi32>], vector<16xf32>,
        %max3A_136 = arith.maximumf %gather3A, %max3A_132 : vector<16xf32>
        tpu.vector_store_idx %arg23[%add3A_135], %max3A_136 : memref<8192xf32, #tpu.memory_space<vmem>>[vector<16xi32>], vector<16xf32>,
        tpu.vector_store_idx %arg24[%add3A_135], %max3A_132 {add = true} : memref<8192xf32, #tpu.memory_space<vmem>>[vector<16xi32>], vector<16xf32>,
        %mul3A_137 = arith.constant 128 : i32
        %mul3A_138 = arith.muli %scan3A_106, %mul3A_137 : i32
        %add3A_139 = arith.constant 16 : i32
        %add3A_140 = arith.addi %mul3A_138, %add3A_139 : i32
        %get3A_141 = arith.index_cast %add3A_140 : i32 to index
        %get3A_142 = tpu.vector_load %arg10[%get3A_141] {strides = array<i32>} : memref<10240xf32, #tpu.memory_space<vmem>>, vector<16xf32>,
        %get3A_143 = arith.index_cast %add3A_140 : i32 to index
        %get3A_144 = tpu.vector_load %arg12[%get3A_143] {strides = array<i32>} : memref<10240xf32, #tpu.memory_space<vmem>>, vector<16xf32>,
        %add3A_145 = arith.addf %get3A_142, %get3A_144 : vector<16xf32>
        %get3A_146 = arith.index_cast %add3A_140 : i32 to index
        %get3A_147 = tpu.vector_load %arg14[%get3A_146] {strides = array<i32>} : memref<10240xf32, #tpu.memory_space<vmem>>, vector<16xf32>,
        %add3A_148 = arith.addf %add3A_145, %get3A_147 : vector<16xf32>
        %mul3A_149 = arith.mulf %broadcast_in_dim3A, %add3A_148 : vector<16xf32>
        %add3A_150 = arith.addf %mul3A_149, %get3A_88 : vector<16xf32>
        %max3A_151 = arith.constant 0.000000e+00 : f32
        %max3A_152 = vector.broadcast %max3A_151 : f32 to vector<16xf32>
        %max3A_153 = arith.maximumf %add3A_150, %max3A_152 : vector<16xf32>
        %add3A_154 = arith.constant 16 : i32
        %add3A_155 = vector.broadcast %add3A_154 : i32 to vector<16xi32>
        %add3A_156 = arith.addi %add3A_116, %add3A_155 : vector<16xi32>
        %gather3A_157 = tpu.vector_load_idx %arg23[%add3A_156] : memref<8192xf32, #tpu.memory_space<vmem>>[vector<16xi32>], vector<16xf32>,
        %max3A_158 = arith.maximumf %gather3A_157, %max3A_153 : vector<16xf32>
        tpu.vector_store_idx %arg23[%add3A_156], %max3A_158 : memref<8192xf32, #tpu.memory_space<vmem>>[vector<16xi32>], vector<16xf32>,
        tpu.vector_store_idx %arg24[%add3A_156], %max3A_153 {add = true} : memref<8192xf32, #tpu.memory_space<vmem>>[vector<16xi32>], vector<16xf32>,
        %mul3A_159 = arith.constant 128 : i32
        %mul3A_160 = arith.muli %scan3A_106, %mul3A_159 : i32
        %add3A_161 = arith.constant 32 : i32
        %add3A_162 = arith.addi %mul3A_160, %add3A_161 : i32
        %get3A_163 = arith.index_cast %add3A_162 : i32 to index
        %get3A_164 = tpu.vector_load %arg10[%get3A_163] {strides = array<i32>} : memref<10240xf32, #tpu.memory_space<vmem>>, vector<16xf32>,
        %get3A_165 = arith.index_cast %add3A_162 : i32 to index
        %get3A_166 = tpu.vector_load %arg12[%get3A_165] {strides = array<i32>} : memref<10240xf32, #tpu.memory_space<vmem>>, vector<16xf32>,
        %add3A_167 = arith.addf %get3A_164, %get3A_166 : vector<16xf32>
        %get3A_168 = arith.index_cast %add3A_162 : i32 to index
        %get3A_169 = tpu.vector_load %arg14[%get3A_168] {strides = array<i32>} : memref<10240xf32, #tpu.memory_space<vmem>>, vector<16xf32>,
        %add3A_170 = arith.addf %add3A_167, %get3A_169 : vector<16xf32>
        %mul3A_171 = arith.mulf %broadcast_in_dim3A, %add3A_170 : vector<16xf32>
        %add3A_172 = arith.addf %mul3A_171, %get3A_90 : vector<16xf32>
        %max3A_173 = arith.constant 0.000000e+00 : f32
        %max3A_174 = vector.broadcast %max3A_173 : f32 to vector<16xf32>
        %max3A_175 = arith.maximumf %add3A_172, %max3A_174 : vector<16xf32>
        %add3A_176 = arith.constant 32 : i32
        %add3A_177 = vector.broadcast %add3A_176 : i32 to vector<16xi32>
        %add3A_178 = arith.addi %add3A_116, %add3A_177 : vector<16xi32>
        %gather3A_179 = tpu.vector_load_idx %arg23[%add3A_178] : memref<8192xf32, #tpu.memory_space<vmem>>[vector<16xi32>], vector<16xf32>,
        %max3A_180 = arith.maximumf %gather3A_179, %max3A_175 : vector<16xf32>
        tpu.vector_store_idx %arg23[%add3A_178], %max3A_180 : memref<8192xf32, #tpu.memory_space<vmem>>[vector<16xi32>], vector<16xf32>,
        tpu.vector_store_idx %arg24[%add3A_178], %max3A_175 {add = true} : memref<8192xf32, #tpu.memory_space<vmem>>[vector<16xi32>], vector<16xf32>,
        %mul3A_181 = arith.constant 128 : i32
        %mul3A_182 = arith.muli %scan3A_106, %mul3A_181 : i32
        %add3A_183 = arith.constant 48 : i32
        %add3A_184 = arith.addi %mul3A_182, %add3A_183 : i32
        %get3A_185 = arith.index_cast %add3A_184 : i32 to index
        %get3A_186 = tpu.vector_load %arg10[%get3A_185] {strides = array<i32>} : memref<10240xf32, #tpu.memory_space<vmem>>, vector<16xf32>,
        %get3A_187 = arith.index_cast %add3A_184 : i32 to index
        %get3A_188 = tpu.vector_load %arg12[%get3A_187] {strides = array<i32>} : memref<10240xf32, #tpu.memory_space<vmem>>, vector<16xf32>,
        %add3A_189 = arith.addf %get3A_186, %get3A_188 : vector<16xf32>
        %get3A_190 = arith.index_cast %add3A_184 : i32 to index
        %get3A_191 = tpu.vector_load %arg14[%get3A_190] {strides = array<i32>} : memref<10240xf32, #tpu.memory_space<vmem>>, vector<16xf32>,
        %add3A_192 = arith.addf %add3A_189, %get3A_191 : vector<16xf32>
        %mul3A_193 = arith.mulf %broadcast_in_dim3A, %add3A_192 : vector<16xf32>
        %add3A_194 = arith.addf %mul3A_193, %get3A_92 : vector<16xf32>
        %max3A_195 = arith.constant 0.000000e+00 : f32
        %max3A_196 = vector.broadcast %max3A_195 : f32 to vector<16xf32>
        %max3A_197 = arith.maximumf %add3A_194, %max3A_196 : vector<16xf32>
        %add3A_198 = arith.constant 48 : i32
        %add3A_199 = vector.broadcast %add3A_198 : i32 to vector<16xi32>
        %add3A_200 = arith.addi %add3A_116, %add3A_199 : vector<16xi32>
        %gather3A_201 = tpu.vector_load_idx %arg23[%add3A_200] : memref<8192xf32, #tpu.memory_space<vmem>>[vector<16xi32>], vector<16xf32>,
        %max3A_202 = arith.maximumf %gather3A_201, %max3A_197 : vector<16xf32>
        tpu.vector_store_idx %arg23[%add3A_200], %max3A_202 : memref<8192xf32, #tpu.memory_space<vmem>>[vector<16xi32>], vector<16xf32>,
        tpu.vector_store_idx %arg24[%add3A_200], %max3A_197 {add = true} : memref<8192xf32, #tpu.memory_space<vmem>>[vector<16xi32>], vector<16xf32>,
        %mul3A_203 = arith.constant 128 : i32
        %mul3A_204 = arith.muli %scan3A_106, %mul3A_203 : i32
        %add3A_205 = arith.constant 64 : i32
        %add3A_206 = arith.addi %mul3A_204, %add3A_205 : i32
        %get3A_207 = arith.index_cast %add3A_206 : i32 to index
        %get3A_208 = tpu.vector_load %arg10[%get3A_207] {strides = array<i32>} : memref<10240xf32, #tpu.memory_space<vmem>>, vector<16xf32>,
        %get3A_209 = arith.index_cast %add3A_206 : i32 to index
        %get3A_210 = tpu.vector_load %arg12[%get3A_209] {strides = array<i32>} : memref<10240xf32, #tpu.memory_space<vmem>>, vector<16xf32>,
        %add3A_211 = arith.addf %get3A_208, %get3A_210 : vector<16xf32>
        %get3A_212 = arith.index_cast %add3A_206 : i32 to index
        %get3A_213 = tpu.vector_load %arg14[%get3A_212] {strides = array<i32>} : memref<10240xf32, #tpu.memory_space<vmem>>, vector<16xf32>,
        %add3A_214 = arith.addf %add3A_211, %get3A_213 : vector<16xf32>
        %mul3A_215 = arith.mulf %broadcast_in_dim3A, %add3A_214 : vector<16xf32>
        %add3A_216 = arith.addf %mul3A_215, %get3A_94 : vector<16xf32>
        %max3A_217 = arith.constant 0.000000e+00 : f32
        %max3A_218 = vector.broadcast %max3A_217 : f32 to vector<16xf32>
        %max3A_219 = arith.maximumf %add3A_216, %max3A_218 : vector<16xf32>
        %add3A_220 = arith.constant 64 : i32
        %add3A_221 = vector.broadcast %add3A_220 : i32 to vector<16xi32>
        %add3A_222 = arith.addi %add3A_116, %add3A_221 : vector<16xi32>
        %gather3A_223 = tpu.vector_load_idx %arg23[%add3A_222] : memref<8192xf32, #tpu.memory_space<vmem>>[vector<16xi32>], vector<16xf32>,
        %max3A_224 = arith.maximumf %gather3A_223, %max3A_219 : vector<16xf32>
        tpu.vector_store_idx %arg23[%add3A_222], %max3A_224 : memref<8192xf32, #tpu.memory_space<vmem>>[vector<16xi32>], vector<16xf32>,
        tpu.vector_store_idx %arg24[%add3A_222], %max3A_219 {add = true} : memref<8192xf32, #tpu.memory_space<vmem>>[vector<16xi32>], vector<16xf32>,
        %mul3A_225 = arith.constant 128 : i32
        %mul3A_226 = arith.muli %scan3A_106, %mul3A_225 : i32
        %add3A_227 = arith.constant 80 : i32
        %add3A_228 = arith.addi %mul3A_226, %add3A_227 : i32
        %get3A_229 = arith.index_cast %add3A_228 : i32 to index
        %get3A_230 = tpu.vector_load %arg10[%get3A_229] {strides = array<i32>} : memref<10240xf32, #tpu.memory_space<vmem>>, vector<16xf32>,
        %get3A_231 = arith.index_cast %add3A_228 : i32 to index
        %get3A_232 = tpu.vector_load %arg12[%get3A_231] {strides = array<i32>} : memref<10240xf32, #tpu.memory_space<vmem>>, vector<16xf32>,
        %add3A_233 = arith.addf %get3A_230, %get3A_232 : vector<16xf32>
        %get3A_234 = arith.index_cast %add3A_228 : i32 to index
        %get3A_235 = tpu.vector_load %arg14[%get3A_234] {strides = array<i32>} : memref<10240xf32, #tpu.memory_space<vmem>>, vector<16xf32>,
        %add3A_236 = arith.addf %add3A_233, %get3A_235 : vector<16xf32>
        %mul3A_237 = arith.mulf %broadcast_in_dim3A, %add3A_236 : vector<16xf32>
        %add3A_238 = arith.addf %mul3A_237, %get3A_96 : vector<16xf32>
        %max3A_239 = arith.constant 0.000000e+00 : f32
        %max3A_240 = vector.broadcast %max3A_239 : f32 to vector<16xf32>
        %max3A_241 = arith.maximumf %add3A_238, %max3A_240 : vector<16xf32>
        %add3A_242 = arith.constant 80 : i32
        %add3A_243 = vector.broadcast %add3A_242 : i32 to vector<16xi32>
        %add3A_244 = arith.addi %add3A_116, %add3A_243 : vector<16xi32>
        %gather3A_245 = tpu.vector_load_idx %arg23[%add3A_244] : memref<8192xf32, #tpu.memory_space<vmem>>[vector<16xi32>], vector<16xf32>,
        %max3A_246 = arith.maximumf %gather3A_245, %max3A_241 : vector<16xf32>
        tpu.vector_store_idx %arg23[%add3A_244], %max3A_246 : memref<8192xf32, #tpu.memory_space<vmem>>[vector<16xi32>], vector<16xf32>,
        tpu.vector_store_idx %arg24[%add3A_244], %max3A_241 {add = true} : memref<8192xf32, #tpu.memory_space<vmem>>[vector<16xi32>], vector<16xf32>,
        %mul3A_247 = arith.constant 128 : i32
        %mul3A_248 = arith.muli %scan3A_106, %mul3A_247 : i32
        %add3A_249 = arith.constant 96 : i32
        %add3A_250 = arith.addi %mul3A_248, %add3A_249 : i32
        %get3A_251 = arith.index_cast %add3A_250 : i32 to index
        %get3A_252 = tpu.vector_load %arg10[%get3A_251] {strides = array<i32>} : memref<10240xf32, #tpu.memory_space<vmem>>, vector<16xf32>,
        %get3A_253 = arith.index_cast %add3A_250 : i32 to index
        %get3A_254 = tpu.vector_load %arg12[%get3A_253] {strides = array<i32>} : memref<10240xf32, #tpu.memory_space<vmem>>, vector<16xf32>,
        %add3A_255 = arith.addf %get3A_252, %get3A_254 : vector<16xf32>
        %get3A_256 = arith.index_cast %add3A_250 : i32 to index
        %get3A_257 = tpu.vector_load %arg14[%get3A_256] {strides = array<i32>} : memref<10240xf32, #tpu.memory_space<vmem>>, vector<16xf32>,
        %add3A_258 = arith.addf %add3A_255, %get3A_257 : vector<16xf32>
        %mul3A_259 = arith.mulf %broadcast_in_dim3A, %add3A_258 : vector<16xf32>
        %add3A_260 = arith.addf %mul3A_259, %get3A_98 : vector<16xf32>
        %max3A_261 = arith.constant 0.000000e+00 : f32
        %max3A_262 = vector.broadcast %max3A_261 : f32 to vector<16xf32>
        %max3A_263 = arith.maximumf %add3A_260, %max3A_262 : vector<16xf32>
        %add3A_264 = arith.constant 96 : i32
        %add3A_265 = vector.broadcast %add3A_264 : i32 to vector<16xi32>
        %add3A_266 = arith.addi %add3A_116, %add3A_265 : vector<16xi32>
        %gather3A_267 = tpu.vector_load_idx %arg23[%add3A_266] : memref<8192xf32, #tpu.memory_space<vmem>>[vector<16xi32>], vector<16xf32>,
        %max3A_268 = arith.maximumf %gather3A_267, %max3A_263 : vector<16xf32>
        tpu.vector_store_idx %arg23[%add3A_266], %max3A_268 : memref<8192xf32, #tpu.memory_space<vmem>>[vector<16xi32>], vector<16xf32>,
        tpu.vector_store_idx %arg24[%add3A_266], %max3A_263 {add = true} : memref<8192xf32, #tpu.memory_space<vmem>>[vector<16xi32>], vector<16xf32>,
        %mul3A_269 = arith.constant 128 : i32
        %mul3A_270 = arith.muli %scan3A_106, %mul3A_269 : i32
        %add3A_271 = arith.constant 112 : i32
        %add3A_272 = arith.addi %mul3A_270, %add3A_271 : i32
        %get3A_273 = arith.index_cast %add3A_272 : i32 to index
        %get3A_274 = tpu.vector_load %arg10[%get3A_273] {strides = array<i32>} : memref<10240xf32, #tpu.memory_space<vmem>>, vector<16xf32>,
        %get3A_275 = arith.index_cast %add3A_272 : i32 to index
        %get3A_276 = tpu.vector_load %arg12[%get3A_275] {strides = array<i32>} : memref<10240xf32, #tpu.memory_space<vmem>>, vector<16xf32>,
        %add3A_277 = arith.addf %get3A_274, %get3A_276 : vector<16xf32>
        %get3A_278 = arith.index_cast %add3A_272 : i32 to index
        %get3A_279 = tpu.vector_load %arg14[%get3A_278] {strides = array<i32>} : memref<10240xf32, #tpu.memory_space<vmem>>, vector<16xf32>,
        %add3A_280 = arith.addf %add3A_277, %get3A_279 : vector<16xf32>
        %mul3A_281 = arith.mulf %broadcast_in_dim3A, %add3A_280 : vector<16xf32>
        %add3A_282 = arith.addf %mul3A_281, %get3A_100 : vector<16xf32>
        %max3A_283 = arith.constant 0.000000e+00 : f32
        %max3A_284 = vector.broadcast %max3A_283 : f32 to vector<16xf32>
        %max3A_285 = arith.maximumf %add3A_282, %max3A_284 : vector<16xf32>
        %add3A_286 = arith.constant 112 : i32
        %add3A_287 = vector.broadcast %add3A_286 : i32 to vector<16xi32>
        %add3A_288 = arith.addi %add3A_116, %add3A_287 : vector<16xi32>
        %gather3A_289 = tpu.vector_load_idx %arg23[%add3A_288] : memref<8192xf32, #tpu.memory_space<vmem>>[vector<16xi32>], vector<16xf32>,
        %max3A_290 = arith.maximumf %gather3A_289, %max3A_285 : vector<16xf32>
        tpu.vector_store_idx %arg23[%add3A_288], %max3A_290 : memref<8192xf32, #tpu.memory_space<vmem>>[vector<16xi32>], vector<16xf32>,
        tpu.vector_store_idx %arg24[%add3A_288], %max3A_285 {add = true} : memref<8192xf32, #tpu.memory_space<vmem>>[vector<16xi32>], vector<16xf32>,
      }
      %scan3A_105 = arith.constant 80 : i32
    } else {
    }
    %add3A_30 = arith.constant 64 : i32
    %add3A_31 = arith.addi %add3A, %add3A_30 : i32
    %lt3A_32 = arith.constant 125 : i32
    %lt3A_33 = arith.cmpi slt, %add3A_31, %lt3A_32 : i32
    %convert_element_type3A_34 = arith.extui %lt3A_33 : i1 to i32
    %cond3A_35 = arith.constant 0 : i32
    %cond3A_36 = arith.cmpi ne, %convert_element_type3A_34, %cond3A_35 : i32
    scf.if %cond3A_36 {
      %add3A_86 = arith.constant 64 : i32
      %add3A_87 = arith.addi %add3A, %add3A_86 : i32
      %mul3A_88 = arith.constant 80 : i32
      %mul3A_89 = arith.muli %add3A_87, %mul3A_88 : i32
      %mul3A_90 = arith.constant 128 : i32
      %mul3A_91 = arith.muli %mul3A_89, %mul3A_90 : i32
      %mul3A_92 = arith.constant 128 : i32
      %mul3A_93 = arith.muli %mul3A_89, %mul3A_92 : i32
      %mul3A_94 = arith.constant 128 : i32
      %mul3A_95 = arith.muli %mul3A_89, %mul3A_94 : i32
      %dma_start3A = tpu.memref_slice %arg2[%mul3A_91] : memref<1280000xf32, #tpu.memory_space<hbm>> -> memref<10240xf32, #tpu.memory_space<hbm>>
      %dma_start3A_96 = tpu.memref_slice %arg2[%mul3A_91] : memref<1280000xf32, #tpu.memory_space<hbm>> -> memref<10240xf32, #tpu.memory_space<hbm>>
      tpu.enqueue_dma source(%dma_start3A_96 : memref<10240xf32, #tpu.memory_space<hbm>>) target(%arg10 : memref<10240xf32, #tpu.memory_space<vmem>>) target_semaphore(%arg20 : memref<!tpu.dma_semaphore, #tpu.memory_space<semaphore_mem>>)
      %dma_start3A_97 = tpu.memref_slice %arg3[%mul3A_93] : memref<1280000xf32, #tpu.memory_space<hbm>> -> memref<10240xf32, #tpu.memory_space<hbm>>
      %dma_start3A_98 = tpu.memref_slice %arg3[%mul3A_93] : memref<1280000xf32, #tpu.memory_space<hbm>> -> memref<10240xf32, #tpu.memory_space<hbm>>
      tpu.enqueue_dma source(%dma_start3A_98 : memref<10240xf32, #tpu.memory_space<hbm>>) target(%arg12 : memref<10240xf32, #tpu.memory_space<vmem>>) target_semaphore(%arg20 : memref<!tpu.dma_semaphore, #tpu.memory_space<semaphore_mem>>)
      %dma_start3A_99 = tpu.memref_slice %arg4[%mul3A_95] : memref<1280000xf32, #tpu.memory_space<hbm>> -> memref<10240xf32, #tpu.memory_space<hbm>>
      %dma_start3A_100 = tpu.memref_slice %arg4[%mul3A_95] : memref<1280000xf32, #tpu.memory_space<hbm>> -> memref<10240xf32, #tpu.memory_space<hbm>>
      tpu.enqueue_dma source(%dma_start3A_100 : memref<10240xf32, #tpu.memory_space<hbm>>) target(%arg14 : memref<10240xf32, #tpu.memory_space<vmem>>) target_semaphore(%arg20 : memref<!tpu.dma_semaphore, #tpu.memory_space<semaphore_mem>>)
      %dma_start3A_101 = arith.constant 0 : i32
      %dma_start3A_102 = tpu.memref_slice %arg16[%dma_start3A_101] : memref<96xf32, #tpu.memory_space<vmem>> -> memref<80xf32, #tpu.memory_space<vmem>>
      %dma_start3A_103 = tpu.memref_slice %arg5[%mul3A_89] : memref<10000xf32, #tpu.memory_space<hbm>> -> memref<80xf32, #tpu.memory_space<hbm>>
      %dma_start3A_104 = arith.constant 0 : i32
      %dma_start3A_105 = tpu.memref_slice %arg16[%dma_start3A_104] : memref<96xf32, #tpu.memory_space<vmem>> -> memref<80xf32, #tpu.memory_space<vmem>>
      %dma_start3A_106 = tpu.memref_slice %arg5[%mul3A_89] : memref<10000xf32, #tpu.memory_space<hbm>> -> memref<80xf32, #tpu.memory_space<hbm>>
      tpu.enqueue_dma source(%dma_start3A_106 : memref<80xf32, #tpu.memory_space<hbm>>) target(%dma_start3A_105 : memref<80xf32, #tpu.memory_space<vmem>>) target_semaphore(%arg20 : memref<!tpu.dma_semaphore, #tpu.memory_space<semaphore_mem>>)
      %dma_start3A_107 = arith.constant 0 : i32
      %dma_start3A_108 = tpu.memref_slice %arg18[%dma_start3A_107] : memref<96xi32, #tpu.memory_space<vmem>> -> memref<80xi32, #tpu.memory_space<vmem>>
      %dma_start3A_109 = tpu.memref_slice %arg6[%mul3A_89] : memref<10000xi32, #tpu.memory_space<hbm>> -> memref<80xi32, #tpu.memory_space<hbm>>
      %dma_start3A_110 = arith.constant 0 : i32
      %dma_start3A_111 = tpu.memref_slice %arg18[%dma_start3A_110] : memref<96xi32, #tpu.memory_space<vmem>> -> memref<80xi32, #tpu.memory_space<vmem>>
      %dma_start3A_112 = tpu.memref_slice %arg6[%mul3A_89] : memref<10000xi32, #tpu.memory_space<hbm>> -> memref<80xi32, #tpu.memory_space<hbm>>
      tpu.enqueue_dma source(%dma_start3A_112 : memref<80xi32, #tpu.memory_space<hbm>>) target(%dma_start3A_111 : memref<80xi32, #tpu.memory_space<vmem>>) target_semaphore(%arg20 : memref<!tpu.dma_semaphore, #tpu.memory_space<semaphore_mem>>)
    } else {
    }
    %add3A_37 = arith.constant 32 : i32
    %add3A_38 = arith.addi %add3A, %add3A_37 : i32
    %lt3A_39 = arith.constant 125 : i32
    %lt3A_40 = arith.cmpi slt, %add3A_38, %lt3A_39 : i32
    %convert_element_type3A_41 = arith.extui %lt3A_40 : i1 to i32
    %cond3A_42 = arith.constant 0 : i32
    %cond3A_43 = arith.cmpi ne, %convert_element_type3A_41, %cond3A_42 : i32
    scf.if %cond3A_43 {
      %add3A_86 = arith.constant 32 : i32
      %add3A_87 = arith.addi %add3A, %add3A_86 : i32
      %mul3A_88 = arith.constant 80 : i32
      %mul3A_89 = arith.muli %add3A_87, %mul3A_88 : i32
      %mul3A_90 = arith.constant 128 : i32
      %mul3A_91 = arith.muli %mul3A_89, %mul3A_90 : i32
      %mul3A_92 = arith.constant 128 : i32
      %mul3A_93 = arith.muli %mul3A_89, %mul3A_92 : i32
      %mul3A_94 = arith.constant 128 : i32
      %mul3A_95 = arith.muli %mul3A_89, %mul3A_94 : i32
      %dma_wait3A = tpu.memref_slice %arg2[%mul3A_91] : memref<1280000xf32, #tpu.memory_space<hbm>> -> memref<10240xf32, #tpu.memory_space<hbm>>
      %dma_wait3A_96 = tpu.memref_slice %arg2[%mul3A_91] : memref<1280000xf32, #tpu.memory_space<hbm>> -> memref<10240xf32, #tpu.memory_space<hbm>>
      tpu.wait_dma2 semaphore(%arg21 : memref<!tpu.dma_semaphore, #tpu.memory_space<semaphore_mem>>) src(%dma_wait3A_96 : memref<10240xf32, #tpu.memory_space<hbm>>) dst(%arg11 : memref<10240xf32, #tpu.memory_space<vmem>>)
      %dma_wait3A_97 = tpu.memref_slice %arg3[%mul3A_93] : memref<1280000xf32, #tpu.memory_space<hbm>> -> memref<10240xf32, #tpu.memory_space<hbm>>
      %dma_wait3A_98 = tpu.memref_slice %arg3[%mul3A_93] : memref<1280000xf32, #tpu.memory_space<hbm>> -> memref<10240xf32, #tpu.memory_space<hbm>>
      tpu.wait_dma2 semaphore(%arg21 : memref<!tpu.dma_semaphore, #tpu.memory_space<semaphore_mem>>) src(%dma_wait3A_98 : memref<10240xf32, #tpu.memory_space<hbm>>) dst(%arg13 : memref<10240xf32, #tpu.memory_space<vmem>>)
      %dma_wait3A_99 = tpu.memref_slice %arg4[%mul3A_95] : memref<1280000xf32, #tpu.memory_space<hbm>> -> memref<10240xf32, #tpu.memory_space<hbm>>
      %dma_wait3A_100 = tpu.memref_slice %arg4[%mul3A_95] : memref<1280000xf32, #tpu.memory_space<hbm>> -> memref<10240xf32, #tpu.memory_space<hbm>>
      tpu.wait_dma2 semaphore(%arg21 : memref<!tpu.dma_semaphore, #tpu.memory_space<semaphore_mem>>) src(%dma_wait3A_100 : memref<10240xf32, #tpu.memory_space<hbm>>) dst(%arg15 : memref<10240xf32, #tpu.memory_space<vmem>>)
      %dma_wait3A_101 = arith.constant 0 : i32
      %dma_wait3A_102 = tpu.memref_slice %arg17[%dma_wait3A_101] : memref<96xf32, #tpu.memory_space<vmem>> -> memref<80xf32, #tpu.memory_space<vmem>>
      %dma_wait3A_103 = tpu.memref_slice %arg5[%mul3A_89] : memref<10000xf32, #tpu.memory_space<hbm>> -> memref<80xf32, #tpu.memory_space<hbm>>
      %dma_wait3A_104 = arith.constant 0 : i32
      %dma_wait3A_105 = tpu.memref_slice %arg17[%dma_wait3A_104] : memref<96xf32, #tpu.memory_space<vmem>> -> memref<80xf32, #tpu.memory_space<vmem>>
      %dma_wait3A_106 = tpu.memref_slice %arg5[%mul3A_89] : memref<10000xf32, #tpu.memory_space<hbm>> -> memref<80xf32, #tpu.memory_space<hbm>>
      tpu.wait_dma2 semaphore(%arg21 : memref<!tpu.dma_semaphore, #tpu.memory_space<semaphore_mem>>) src(%dma_wait3A_106 : memref<80xf32, #tpu.memory_space<hbm>>) dst(%dma_wait3A_105 : memref<80xf32, #tpu.memory_space<vmem>>)
      %dma_wait3A_107 = arith.constant 0 : i32
      %dma_wait3A_108 = tpu.memref_slice %arg19[%dma_wait3A_107] : memref<96xi32, #tpu.memory_space<vmem>> -> memref<80xi32, #tpu.memory_space<vmem>>
      %dma_wait3A_109 = tpu.memref_slice %arg6[%mul3A_89] : memref<10000xi32, #tpu.memory_space<hbm>> -> memref<80xi32, #tpu.memory_space<hbm>>
      %dma_wait3A_110 = arith.constant 0 : i32
      %dma_wait3A_111 = tpu.memref_slice %arg19[%dma_wait3A_110] : memref<96xi32, #tpu.memory_space<vmem>> -> memref<80xi32, #tpu.memory_space<vmem>>
      %dma_wait3A_112 = tpu.memref_slice %arg6[%mul3A_89] : memref<10000xi32, #tpu.memory_space<hbm>> -> memref<80xi32, #tpu.memory_space<hbm>>
      tpu.wait_dma2 semaphore(%arg21 : memref<!tpu.dma_semaphore, #tpu.memory_space<semaphore_mem>>) src(%dma_wait3A_112 : memref<80xi32, #tpu.memory_space<hbm>>) dst(%dma_wait3A_111 : memref<80xi32, #tpu.memory_space<vmem>>)
    } else {
    }
    %add3A_44 = arith.constant 32 : i32
    %add3A_45 = arith.addi %add3A, %add3A_44 : i32
    %lt3A_46 = arith.constant 125 : i32
    %lt3A_47 = arith.cmpi slt, %add3A_45, %lt3A_46 : i32
    %convert_element_type3A_48 = arith.extui %lt3A_47 : i1 to i32
    %cond3A_49 = arith.constant 0 : i32
    %cond3A_50 = arith.cmpi ne, %convert_element_type3A_48, %cond3A_49 : i32
    scf.if %cond3A_50 {
      %get3A = arith.constant 0 : index
      %get3A_86 = tpu.vector_load %arg22[%get3A] {strides = array<i32>} : memref<128xf32, #tpu.memory_space<vmem>>, vector<16xf32>,
      %get3A_87 = arith.constant 16 : index
      %get3A_88 = tpu.vector_load %arg22[%get3A_87] {strides = array<i32>} : memref<128xf32, #tpu.memory_space<vmem>>, vector<16xf32>,
      %get3A_89 = arith.constant 32 : index
      %get3A_90 = tpu.vector_load %arg22[%get3A_89] {strides = array<i32>} : memref<128xf32, #tpu.memory_space<vmem>>, vector<16xf32>,
      %get3A_91 = arith.constant 48 : index
      %get3A_92 = tpu.vector_load %arg22[%get3A_91] {strides = array<i32>} : memref<128xf32, #tpu.memory_space<vmem>>, vector<16xf32>,
      %get3A_93 = arith.constant 64 : index
      %get3A_94 = tpu.vector_load %arg22[%get3A_93] {strides = array<i32>} : memref<128xf32, #tpu.memory_space<vmem>>, vector<16xf32>,
      %get3A_95 = arith.constant 80 : index
      %get3A_96 = tpu.vector_load %arg22[%get3A_95] {strides = array<i32>} : memref<128xf32, #tpu.memory_space<vmem>>, vector<16xf32>,
      %get3A_97 = arith.constant 96 : index
      %get3A_98 = tpu.vector_load %arg22[%get3A_97] {strides = array<i32>} : memref<128xf32, #tpu.memory_space<vmem>>, vector<16xf32>,
      %get3A_99 = arith.constant 112 : index
      %get3A_100 = tpu.vector_load %arg22[%get3A_99] {strides = array<i32>} : memref<128xf32, #tpu.memory_space<vmem>>, vector<16xf32>,
      %iota3A = tpu.iota {dimensions = array<i32: 0>} : vector<16xi32>
      %scan3A_101 = arith.constant 0 : i32
      %scan3A_102 = arith.constant 80 : i32
      %scan3A_103 = arith.addi %scan3A_101, %scan3A_102 : i32
      %scan3A_104 = arith.constant 1 : i32
      scf.for %scan3A_106 = %scan3A_101 to %scan3A_103 step %scan3A_104  : i32 {
        %get3A_107 = arith.index_cast %scan3A_106 : i32 to index
        %get3A_108 = tpu.vector_load %arg17[%get3A_107] {strides = array<i32>} : memref<96xf32, #tpu.memory_space<vmem>>, vector<16xf32>,
        %slice3A = vector.extract_strided_slice %get3A_108 {offsets = [0], sizes = [1], strides = [1]} : vector<16xf32> to vector<1xf32>
        %squeeze3A = vector.extract %slice3A[0] : f32 from vector<1xf32>
        %broadcast_in_dim3A = vector.broadcast %squeeze3A : f32 to vector<16xf32>
        %get3A_109 = arith.index_cast %scan3A_106 : i32 to index
        %get3A_110 = tpu.vector_load %arg19[%get3A_109] {strides = array<i32>} : memref<96xi32, #tpu.memory_space<vmem>>, vector<16xi32>,
        %slice3A_111 = vector.extract_strided_slice %get3A_110 {offsets = [0], sizes = [1], strides = [1]} : vector<16xi32> to vector<1xi32>
        %squeeze3A_112 = vector.extract %slice3A_111[0] : i32 from vector<1xi32>
        %mul3A_113 = arith.constant 128 : i32
        %mul3A_114 = arith.muli %squeeze3A_112, %mul3A_113 : i32
        %add3A_115 = vector.broadcast %mul3A_114 : i32 to vector<16xi32>
        %add3A_116 = arith.addi %add3A_115, %iota3A : vector<16xi32>
        %mul3A_117 = arith.constant 128 : i32
        %mul3A_118 = arith.muli %scan3A_106, %mul3A_117 : i32
        %add3A_119 = arith.constant 0 : i32
        %add3A_120 = arith.addi %mul3A_118, %add3A_119 : i32
        %get3A_121 = arith.index_cast %add3A_120 : i32 to index
        %get3A_122 = tpu.vector_load %arg11[%get3A_121] {strides = array<i32>} : memref<10240xf32, #tpu.memory_space<vmem>>, vector<16xf32>,
        %get3A_123 = arith.index_cast %add3A_120 : i32 to index
        %get3A_124 = tpu.vector_load %arg13[%get3A_123] {strides = array<i32>} : memref<10240xf32, #tpu.memory_space<vmem>>, vector<16xf32>,
        %add3A_125 = arith.addf %get3A_122, %get3A_124 : vector<16xf32>
        %get3A_126 = arith.index_cast %add3A_120 : i32 to index
        %get3A_127 = tpu.vector_load %arg15[%get3A_126] {strides = array<i32>} : memref<10240xf32, #tpu.memory_space<vmem>>, vector<16xf32>,
        %add3A_128 = arith.addf %add3A_125, %get3A_127 : vector<16xf32>
        %mul3A_129 = arith.mulf %broadcast_in_dim3A, %add3A_128 : vector<16xf32>
        %add3A_130 = arith.addf %mul3A_129, %get3A_86 : vector<16xf32>
        %max3A = arith.constant 0.000000e+00 : f32
        %max3A_131 = vector.broadcast %max3A : f32 to vector<16xf32>
        %max3A_132 = arith.maximumf %add3A_130, %max3A_131 : vector<16xf32>
        %add3A_133 = arith.constant 0 : i32
        %add3A_134 = vector.broadcast %add3A_133 : i32 to vector<16xi32>
        %add3A_135 = arith.addi %add3A_116, %add3A_134 : vector<16xi32>
        %gather3A = tpu.vector_load_idx %arg23[%add3A_135] : memref<8192xf32, #tpu.memory_space<vmem>>[vector<16xi32>], vector<16xf32>,
        %max3A_136 = arith.maximumf %gather3A, %max3A_132 : vector<16xf32>
        tpu.vector_store_idx %arg23[%add3A_135], %max3A_136 : memref<8192xf32, #tpu.memory_space<vmem>>[vector<16xi32>], vector<16xf32>,
        tpu.vector_store_idx %arg24[%add3A_135], %max3A_132 {add = true} : memref<8192xf32, #tpu.memory_space<vmem>>[vector<16xi32>], vector<16xf32>,
        %mul3A_137 = arith.constant 128 : i32
        %mul3A_138 = arith.muli %scan3A_106, %mul3A_137 : i32
        %add3A_139 = arith.constant 16 : i32
        %add3A_140 = arith.addi %mul3A_138, %add3A_139 : i32
        %get3A_141 = arith.index_cast %add3A_140 : i32 to index
        %get3A_142 = tpu.vector_load %arg11[%get3A_141] {strides = array<i32>} : memref<10240xf32, #tpu.memory_space<vmem>>, vector<16xf32>,
        %get3A_143 = arith.index_cast %add3A_140 : i32 to index
        %get3A_144 = tpu.vector_load %arg13[%get3A_143] {strides = array<i32>} : memref<10240xf32, #tpu.memory_space<vmem>>, vector<16xf32>,
        %add3A_145 = arith.addf %get3A_142, %get3A_144 : vector<16xf32>
        %get3A_146 = arith.index_cast %add3A_140 : i32 to index
        %get3A_147 = tpu.vector_load %arg15[%get3A_146] {strides = array<i32>} : memref<10240xf32, #tpu.memory_space<vmem>>, vector<16xf32>,
        %add3A_148 = arith.addf %add3A_145, %get3A_147 : vector<16xf32>
        %mul3A_149 = arith.mulf %broadcast_in_dim3A, %add3A_148 : vector<16xf32>
        %add3A_150 = arith.addf %mul3A_149, %get3A_88 : vector<16xf32>
        %max3A_151 = arith.constant 0.000000e+00 : f32
        %max3A_152 = vector.broadcast %max3A_151 : f32 to vector<16xf32>
        %max3A_153 = arith.maximumf %add3A_150, %max3A_152 : vector<16xf32>
        %add3A_154 = arith.constant 16 : i32
        %add3A_155 = vector.broadcast %add3A_154 : i32 to vector<16xi32>
        %add3A_156 = arith.addi %add3A_116, %add3A_155 : vector<16xi32>
        %gather3A_157 = tpu.vector_load_idx %arg23[%add3A_156] : memref<8192xf32, #tpu.memory_space<vmem>>[vector<16xi32>], vector<16xf32>,
        %max3A_158 = arith.maximumf %gather3A_157, %max3A_153 : vector<16xf32>
        tpu.vector_store_idx %arg23[%add3A_156], %max3A_158 : memref<8192xf32, #tpu.memory_space<vmem>>[vector<16xi32>], vector<16xf32>,
        tpu.vector_store_idx %arg24[%add3A_156], %max3A_153 {add = true} : memref<8192xf32, #tpu.memory_space<vmem>>[vector<16xi32>], vector<16xf32>,
        %mul3A_159 = arith.constant 128 : i32
        %mul3A_160 = arith.muli %scan3A_106, %mul3A_159 : i32
        %add3A_161 = arith.constant 32 : i32
        %add3A_162 = arith.addi %mul3A_160, %add3A_161 : i32
        %get3A_163 = arith.index_cast %add3A_162 : i32 to index
        %get3A_164 = tpu.vector_load %arg11[%get3A_163] {strides = array<i32>} : memref<10240xf32, #tpu.memory_space<vmem>>, vector<16xf32>,
        %get3A_165 = arith.index_cast %add3A_162 : i32 to index
        %get3A_166 = tpu.vector_load %arg13[%get3A_165] {strides = array<i32>} : memref<10240xf32, #tpu.memory_space<vmem>>, vector<16xf32>,
        %add3A_167 = arith.addf %get3A_164, %get3A_166 : vector<16xf32>
        %get3A_168 = arith.index_cast %add3A_162 : i32 to index
        %get3A_169 = tpu.vector_load %arg15[%get3A_168] {strides = array<i32>} : memref<10240xf32, #tpu.memory_space<vmem>>, vector<16xf32>,
        %add3A_170 = arith.addf %add3A_167, %get3A_169 : vector<16xf32>
        %mul3A_171 = arith.mulf %broadcast_in_dim3A, %add3A_170 : vector<16xf32>
        %add3A_172 = arith.addf %mul3A_171, %get3A_90 : vector<16xf32>
        %max3A_173 = arith.constant 0.000000e+00 : f32
        %max3A_174 = vector.broadcast %max3A_173 : f32 to vector<16xf32>
        %max3A_175 = arith.maximumf %add3A_172, %max3A_174 : vector<16xf32>
        %add3A_176 = arith.constant 32 : i32
        %add3A_177 = vector.broadcast %add3A_176 : i32 to vector<16xi32>
        %add3A_178 = arith.addi %add3A_116, %add3A_177 : vector<16xi32>
        %gather3A_179 = tpu.vector_load_idx %arg23[%add3A_178] : memref<8192xf32, #tpu.memory_space<vmem>>[vector<16xi32>], vector<16xf32>,
        %max3A_180 = arith.maximumf %gather3A_179, %max3A_175 : vector<16xf32>
        tpu.vector_store_idx %arg23[%add3A_178], %max3A_180 : memref<8192xf32, #tpu.memory_space<vmem>>[vector<16xi32>], vector<16xf32>,
        tpu.vector_store_idx %arg24[%add3A_178], %max3A_175 {add = true} : memref<8192xf32, #tpu.memory_space<vmem>>[vector<16xi32>], vector<16xf32>,
        %mul3A_181 = arith.constant 128 : i32
        %mul3A_182 = arith.muli %scan3A_106, %mul3A_181 : i32
        %add3A_183 = arith.constant 48 : i32
        %add3A_184 = arith.addi %mul3A_182, %add3A_183 : i32
        %get3A_185 = arith.index_cast %add3A_184 : i32 to index
        %get3A_186 = tpu.vector_load %arg11[%get3A_185] {strides = array<i32>} : memref<10240xf32, #tpu.memory_space<vmem>>, vector<16xf32>,
        %get3A_187 = arith.index_cast %add3A_184 : i32 to index
        %get3A_188 = tpu.vector_load %arg13[%get3A_187] {strides = array<i32>} : memref<10240xf32, #tpu.memory_space<vmem>>, vector<16xf32>,
        %add3A_189 = arith.addf %get3A_186, %get3A_188 : vector<16xf32>
        %get3A_190 = arith.index_cast %add3A_184 : i32 to index
        %get3A_191 = tpu.vector_load %arg15[%get3A_190] {strides = array<i32>} : memref<10240xf32, #tpu.memory_space<vmem>>, vector<16xf32>,
        %add3A_192 = arith.addf %add3A_189, %get3A_191 : vector<16xf32>
        %mul3A_193 = arith.mulf %broadcast_in_dim3A, %add3A_192 : vector<16xf32>
        %add3A_194 = arith.addf %mul3A_193, %get3A_92 : vector<16xf32>
        %max3A_195 = arith.constant 0.000000e+00 : f32
        %max3A_196 = vector.broadcast %max3A_195 : f32 to vector<16xf32>
        %max3A_197 = arith.maximumf %add3A_194, %max3A_196 : vector<16xf32>
        %add3A_198 = arith.constant 48 : i32
        %add3A_199 = vector.broadcast %add3A_198 : i32 to vector<16xi32>
        %add3A_200 = arith.addi %add3A_116, %add3A_199 : vector<16xi32>
        %gather3A_201 = tpu.vector_load_idx %arg23[%add3A_200] : memref<8192xf32, #tpu.memory_space<vmem>>[vector<16xi32>], vector<16xf32>,
        %max3A_202 = arith.maximumf %gather3A_201, %max3A_197 : vector<16xf32>
        tpu.vector_store_idx %arg23[%add3A_200], %max3A_202 : memref<8192xf32, #tpu.memory_space<vmem>>[vector<16xi32>], vector<16xf32>,
        tpu.vector_store_idx %arg24[%add3A_200], %max3A_197 {add = true} : memref<8192xf32, #tpu.memory_space<vmem>>[vector<16xi32>], vector<16xf32>,
        %mul3A_203 = arith.constant 128 : i32
        %mul3A_204 = arith.muli %scan3A_106, %mul3A_203 : i32
        %add3A_205 = arith.constant 64 : i32
        %add3A_206 = arith.addi %mul3A_204, %add3A_205 : i32
        %get3A_207 = arith.index_cast %add3A_206 : i32 to index
        %get3A_208 = tpu.vector_load %arg11[%get3A_207] {strides = array<i32>} : memref<10240xf32, #tpu.memory_space<vmem>>, vector<16xf32>,
        %get3A_209 = arith.index_cast %add3A_206 : i32 to index
        %get3A_210 = tpu.vector_load %arg13[%get3A_209] {strides = array<i32>} : memref<10240xf32, #tpu.memory_space<vmem>>, vector<16xf32>,
        %add3A_211 = arith.addf %get3A_208, %get3A_210 : vector<16xf32>
        %get3A_212 = arith.index_cast %add3A_206 : i32 to index
        %get3A_213 = tpu.vector_load %arg15[%get3A_212] {strides = array<i32>} : memref<10240xf32, #tpu.memory_space<vmem>>, vector<16xf32>,
        %add3A_214 = arith.addf %add3A_211, %get3A_213 : vector<16xf32>
        %mul3A_215 = arith.mulf %broadcast_in_dim3A, %add3A_214 : vector<16xf32>
        %add3A_216 = arith.addf %mul3A_215, %get3A_94 : vector<16xf32>
        %max3A_217 = arith.constant 0.000000e+00 : f32
        %max3A_218 = vector.broadcast %max3A_217 : f32 to vector<16xf32>
        %max3A_219 = arith.maximumf %add3A_216, %max3A_218 : vector<16xf32>
        %add3A_220 = arith.constant 64 : i32
        %add3A_221 = vector.broadcast %add3A_220 : i32 to vector<16xi32>
        %add3A_222 = arith.addi %add3A_116, %add3A_221 : vector<16xi32>
        %gather3A_223 = tpu.vector_load_idx %arg23[%add3A_222] : memref<8192xf32, #tpu.memory_space<vmem>>[vector<16xi32>], vector<16xf32>,
        %max3A_224 = arith.maximumf %gather3A_223, %max3A_219 : vector<16xf32>
        tpu.vector_store_idx %arg23[%add3A_222], %max3A_224 : memref<8192xf32, #tpu.memory_space<vmem>>[vector<16xi32>], vector<16xf32>,
        tpu.vector_store_idx %arg24[%add3A_222], %max3A_219 {add = true} : memref<8192xf32, #tpu.memory_space<vmem>>[vector<16xi32>], vector<16xf32>,
        %mul3A_225 = arith.constant 128 : i32
        %mul3A_226 = arith.muli %scan3A_106, %mul3A_225 : i32
        %add3A_227 = arith.constant 80 : i32
        %add3A_228 = arith.addi %mul3A_226, %add3A_227 : i32
        %get3A_229 = arith.index_cast %add3A_228 : i32 to index
        %get3A_230 = tpu.vector_load %arg11[%get3A_229] {strides = array<i32>} : memref<10240xf32, #tpu.memory_space<vmem>>, vector<16xf32>,
        %get3A_231 = arith.index_cast %add3A_228 : i32 to index
        %get3A_232 = tpu.vector_load %arg13[%get3A_231] {strides = array<i32>} : memref<10240xf32, #tpu.memory_space<vmem>>, vector<16xf32>,
        %add3A_233 = arith.addf %get3A_230, %get3A_232 : vector<16xf32>
        %get3A_234 = arith.index_cast %add3A_228 : i32 to index
        %get3A_235 = tpu.vector_load %arg15[%get3A_234] {strides = array<i32>} : memref<10240xf32, #tpu.memory_space<vmem>>, vector<16xf32>,
        %add3A_236 = arith.addf %add3A_233, %get3A_235 : vector<16xf32>
        %mul3A_237 = arith.mulf %broadcast_in_dim3A, %add3A_236 : vector<16xf32>
        %add3A_238 = arith.addf %mul3A_237, %get3A_96 : vector<16xf32>
        %max3A_239 = arith.constant 0.000000e+00 : f32
        %max3A_240 = vector.broadcast %max3A_239 : f32 to vector<16xf32>
        %max3A_241 = arith.maximumf %add3A_238, %max3A_240 : vector<16xf32>
        %add3A_242 = arith.constant 80 : i32
        %add3A_243 = vector.broadcast %add3A_242 : i32 to vector<16xi32>
        %add3A_244 = arith.addi %add3A_116, %add3A_243 : vector<16xi32>
        %gather3A_245 = tpu.vector_load_idx %arg23[%add3A_244] : memref<8192xf32, #tpu.memory_space<vmem>>[vector<16xi32>], vector<16xf32>,
        %max3A_246 = arith.maximumf %gather3A_245, %max3A_241 : vector<16xf32>
        tpu.vector_store_idx %arg23[%add3A_244], %max3A_246 : memref<8192xf32, #tpu.memory_space<vmem>>[vector<16xi32>], vector<16xf32>,
        tpu.vector_store_idx %arg24[%add3A_244], %max3A_241 {add = true} : memref<8192xf32, #tpu.memory_space<vmem>>[vector<16xi32>], vector<16xf32>,
        %mul3A_247 = arith.constant 128 : i32
        %mul3A_248 = arith.muli %scan3A_106, %mul3A_247 : i32
        %add3A_249 = arith.constant 96 : i32
        %add3A_250 = arith.addi %mul3A_248, %add3A_249 : i32
        %get3A_251 = arith.index_cast %add3A_250 : i32 to index
        %get3A_252 = tpu.vector_load %arg11[%get3A_251] {strides = array<i32>} : memref<10240xf32, #tpu.memory_space<vmem>>, vector<16xf32>,
        %get3A_253 = arith.index_cast %add3A_250 : i32 to index
        %get3A_254 = tpu.vector_load %arg13[%get3A_253] {strides = array<i32>} : memref<10240xf32, #tpu.memory_space<vmem>>, vector<16xf32>,
        %add3A_255 = arith.addf %get3A_252, %get3A_254 : vector<16xf32>
        %get3A_256 = arith.index_cast %add3A_250 : i32 to index
        %get3A_257 = tpu.vector_load %arg15[%get3A_256] {strides = array<i32>} : memref<10240xf32, #tpu.memory_space<vmem>>, vector<16xf32>,
        %add3A_258 = arith.addf %add3A_255, %get3A_257 : vector<16xf32>
        %mul3A_259 = arith.mulf %broadcast_in_dim3A, %add3A_258 : vector<16xf32>
        %add3A_260 = arith.addf %mul3A_259, %get3A_98 : vector<16xf32>
        %max3A_261 = arith.constant 0.000000e+00 : f32
        %max3A_262 = vector.broadcast %max3A_261 : f32 to vector<16xf32>
        %max3A_263 = arith.maximumf %add3A_260, %max3A_262 : vector<16xf32>
        %add3A_264 = arith.constant 96 : i32
        %add3A_265 = vector.broadcast %add3A_264 : i32 to vector<16xi32>
        %add3A_266 = arith.addi %add3A_116, %add3A_265 : vector<16xi32>
        %gather3A_267 = tpu.vector_load_idx %arg23[%add3A_266] : memref<8192xf32, #tpu.memory_space<vmem>>[vector<16xi32>], vector<16xf32>,
        %max3A_268 = arith.maximumf %gather3A_267, %max3A_263 : vector<16xf32>
        tpu.vector_store_idx %arg23[%add3A_266], %max3A_268 : memref<8192xf32, #tpu.memory_space<vmem>>[vector<16xi32>], vector<16xf32>,
        tpu.vector_store_idx %arg24[%add3A_266], %max3A_263 {add = true} : memref<8192xf32, #tpu.memory_space<vmem>>[vector<16xi32>], vector<16xf32>,
        %mul3A_269 = arith.constant 128 : i32
        %mul3A_270 = arith.muli %scan3A_106, %mul3A_269 : i32
        %add3A_271 = arith.constant 112 : i32
        %add3A_272 = arith.addi %mul3A_270, %add3A_271 : i32
        %get3A_273 = arith.index_cast %add3A_272 : i32 to index
        %get3A_274 = tpu.vector_load %arg11[%get3A_273] {strides = array<i32>} : memref<10240xf32, #tpu.memory_space<vmem>>, vector<16xf32>,
        %get3A_275 = arith.index_cast %add3A_272 : i32 to index
        %get3A_276 = tpu.vector_load %arg13[%get3A_275] {strides = array<i32>} : memref<10240xf32, #tpu.memory_space<vmem>>, vector<16xf32>,
        %add3A_277 = arith.addf %get3A_274, %get3A_276 : vector<16xf32>
        %get3A_278 = arith.index_cast %add3A_272 : i32 to index
        %get3A_279 = tpu.vector_load %arg15[%get3A_278] {strides = array<i32>} : memref<10240xf32, #tpu.memory_space<vmem>>, vector<16xf32>,
        %add3A_280 = arith.addf %add3A_277, %get3A_279 : vector<16xf32>
        %mul3A_281 = arith.mulf %broadcast_in_dim3A, %add3A_280 : vector<16xf32>
        %add3A_282 = arith.addf %mul3A_281, %get3A_100 : vector<16xf32>
        %max3A_283 = arith.constant 0.000000e+00 : f32
        %max3A_284 = vector.broadcast %max3A_283 : f32 to vector<16xf32>
        %max3A_285 = arith.maximumf %add3A_282, %max3A_284 : vector<16xf32>
        %add3A_286 = arith.constant 112 : i32
        %add3A_287 = vector.broadcast %add3A_286 : i32 to vector<16xi32>
        %add3A_288 = arith.addi %add3A_116, %add3A_287 : vector<16xi32>
        %gather3A_289 = tpu.vector_load_idx %arg23[%add3A_288] : memref<8192xf32, #tpu.memory_space<vmem>>[vector<16xi32>], vector<16xf32>,
        %max3A_290 = arith.maximumf %gather3A_289, %max3A_285 : vector<16xf32>
        tpu.vector_store_idx %arg23[%add3A_288], %max3A_290 : memref<8192xf32, #tpu.memory_space<vmem>>[vector<16xi32>], vector<16xf32>,
        tpu.vector_store_idx %arg24[%add3A_288], %max3A_285 {add = true} : memref<8192xf32, #tpu.memory_space<vmem>>[vector<16xi32>], vector<16xf32>,
      }
      %scan3A_105 = arith.constant 80 : i32
    } else {
    }
    %add3A_51 = arith.constant 96 : i32
    %add3A_52 = arith.addi %add3A, %add3A_51 : i32
    %lt3A_53 = arith.constant 125 : i32
    %lt3A_54 = arith.cmpi slt, %add3A_52, %lt3A_53 : i32
    %convert_element_type3A_55 = arith.extui %lt3A_54 : i1 to i32
    %cond3A_56 = arith.constant 0 : i32
    %cond3A_57 = arith.cmpi ne, %convert_element_type3A_55, %cond3A_56 : i32
    scf.if %cond3A_57 {
      %add3A_86 = arith.constant 96 : i32
      %add3A_87 = arith.addi %add3A, %add3A_86 : i32
      %mul3A_88 = arith.constant 80 : i32
      %mul3A_89 = arith.muli %add3A_87, %mul3A_88 : i32
      %mul3A_90 = arith.constant 128 : i32
      %mul3A_91 = arith.muli %mul3A_89, %mul3A_90 : i32
      %mul3A_92 = arith.constant 128 : i32
      %mul3A_93 = arith.muli %mul3A_89, %mul3A_92 : i32
      %mul3A_94 = arith.constant 128 : i32
      %mul3A_95 = arith.muli %mul3A_89, %mul3A_94 : i32
      %dma_start3A = tpu.memref_slice %arg2[%mul3A_91] : memref<1280000xf32, #tpu.memory_space<hbm>> -> memref<10240xf32, #tpu.memory_space<hbm>>
      %dma_start3A_96 = tpu.memref_slice %arg2[%mul3A_91] : memref<1280000xf32, #tpu.memory_space<hbm>> -> memref<10240xf32, #tpu.memory_space<hbm>>
      tpu.enqueue_dma source(%dma_start3A_96 : memref<10240xf32, #tpu.memory_space<hbm>>) target(%arg11 : memref<10240xf32, #tpu.memory_space<vmem>>) target_semaphore(%arg21 : memref<!tpu.dma_semaphore, #tpu.memory_space<semaphore_mem>>)
      %dma_start3A_97 = tpu.memref_slice %arg3[%mul3A_93] : memref<1280000xf32, #tpu.memory_space<hbm>> -> memref<10240xf32, #tpu.memory_space<hbm>>
      %dma_start3A_98 = tpu.memref_slice %arg3[%mul3A_93] : memref<1280000xf32, #tpu.memory_space<hbm>> -> memref<10240xf32, #tpu.memory_space<hbm>>
      tpu.enqueue_dma source(%dma_start3A_98 : memref<10240xf32, #tpu.memory_space<hbm>>) target(%arg13 : memref<10240xf32, #tpu.memory_space<vmem>>) target_semaphore(%arg21 : memref<!tpu.dma_semaphore, #tpu.memory_space<semaphore_mem>>)
      %dma_start3A_99 = tpu.memref_slice %arg4[%mul3A_95] : memref<1280000xf32, #tpu.memory_space<hbm>> -> memref<10240xf32, #tpu.memory_space<hbm>>
      %dma_start3A_100 = tpu.memref_slice %arg4[%mul3A_95] : memref<1280000xf32, #tpu.memory_space<hbm>> -> memref<10240xf32, #tpu.memory_space<hbm>>
      tpu.enqueue_dma source(%dma_start3A_100 : memref<10240xf32, #tpu.memory_space<hbm>>) target(%arg15 : memref<10240xf32, #tpu.memory_space<vmem>>) target_semaphore(%arg21 : memref<!tpu.dma_semaphore, #tpu.memory_space<semaphore_mem>>)
      %dma_start3A_101 = arith.constant 0 : i32
      %dma_start3A_102 = tpu.memref_slice %arg17[%dma_start3A_101] : memref<96xf32, #tpu.memory_space<vmem>> -> memref<80xf32, #tpu.memory_space<vmem>>
      %dma_start3A_103 = tpu.memref_slice %arg5[%mul3A_89] : memref<10000xf32, #tpu.memory_space<hbm>> -> memref<80xf32, #tpu.memory_space<hbm>>
      %dma_start3A_104 = arith.constant 0 : i32
      %dma_start3A_105 = tpu.memref_slice %arg17[%dma_start3A_104] : memref<96xf32, #tpu.memory_space<vmem>> -> memref<80xf32, #tpu.memory_space<vmem>>
      %dma_start3A_106 = tpu.memref_slice %arg5[%mul3A_89] : memref<10000xf32, #tpu.memory_space<hbm>> -> memref<80xf32, #tpu.memory_space<hbm>>
      tpu.enqueue_dma source(%dma_start3A_106 : memref<80xf32, #tpu.memory_space<hbm>>) target(%dma_start3A_105 : memref<80xf32, #tpu.memory_space<vmem>>) target_semaphore(%arg21 : memref<!tpu.dma_semaphore, #tpu.memory_space<semaphore_mem>>)
      %dma_start3A_107 = arith.constant 0 : i32
      %dma_start3A_108 = tpu.memref_slice %arg19[%dma_start3A_107] : memref<96xi32, #tpu.memory_space<vmem>> -> memref<80xi32, #tpu.memory_space<vmem>>
      %dma_start3A_109 = tpu.memref_slice %arg6[%mul3A_89] : memref<10000xi32, #tpu.memory_space<hbm>> -> memref<80xi32, #tpu.memory_space<hbm>>
      %dma_start3A_110 = arith.constant 0 : i32
      %dma_start3A_111 = tpu.memref_slice %arg19[%dma_start3A_110] : memref<96xi32, #tpu.memory_space<vmem>> -> memref<80xi32, #tpu.memory_space<vmem>>
      %dma_start3A_112 = tpu.memref_slice %arg6[%mul3A_89] : memref<10000xi32, #tpu.memory_space<hbm>> -> memref<80xi32, #tpu.memory_space<hbm>>
      tpu.enqueue_dma source(%dma_start3A_112 : memref<80xi32, #tpu.memory_space<hbm>>) target(%dma_start3A_111 : memref<80xi32, #tpu.memory_space<vmem>>) target_semaphore(%arg21 : memref<!tpu.dma_semaphore, #tpu.memory_space<semaphore_mem>>)
    } else {
    }
    %add3A_58 = arith.constant 64 : i32
    %add3A_59 = arith.addi %add3A, %add3A_58 : i32
    %lt3A_60 = arith.constant 125 : i32
    %lt3A_61 = arith.cmpi slt, %add3A_59, %lt3A_60 : i32
    %convert_element_type3A_62 = arith.extui %lt3A_61 : i1 to i32
    %cond3A_63 = arith.constant 0 : i32
    %cond3A_64 = arith.cmpi ne, %convert_element_type3A_62, %cond3A_63 : i32
    scf.if %cond3A_64 {
      %add3A_86 = arith.constant 64 : i32
      %add3A_87 = arith.addi %add3A, %add3A_86 : i32
      %mul3A_88 = arith.constant 80 : i32
      %mul3A_89 = arith.muli %add3A_87, %mul3A_88 : i32
      %mul3A_90 = arith.constant 128 : i32
      %mul3A_91 = arith.muli %mul3A_89, %mul3A_90 : i32
      %mul3A_92 = arith.constant 128 : i32
      %mul3A_93 = arith.muli %mul3A_89, %mul3A_92 : i32
      %mul3A_94 = arith.constant 128 : i32
      %mul3A_95 = arith.muli %mul3A_89, %mul3A_94 : i32
      %dma_wait3A = tpu.memref_slice %arg2[%mul3A_91] : memref<1280000xf32, #tpu.memory_space<hbm>> -> memref<10240xf32, #tpu.memory_space<hbm>>
      %dma_wait3A_96 = tpu.memref_slice %arg2[%mul3A_91] : memref<1280000xf32, #tpu.memory_space<hbm>> -> memref<10240xf32, #tpu.memory_space<hbm>>
      tpu.wait_dma2 semaphore(%arg20 : memref<!tpu.dma_semaphore, #tpu.memory_space<semaphore_mem>>) src(%dma_wait3A_96 : memref<10240xf32, #tpu.memory_space<hbm>>) dst(%arg10 : memref<10240xf32, #tpu.memory_space<vmem>>)
      %dma_wait3A_97 = tpu.memref_slice %arg3[%mul3A_93] : memref<1280000xf32, #tpu.memory_space<hbm>> -> memref<10240xf32, #tpu.memory_space<hbm>>
      %dma_wait3A_98 = tpu.memref_slice %arg3[%mul3A_93] : memref<1280000xf32, #tpu.memory_space<hbm>> -> memref<10240xf32, #tpu.memory_space<hbm>>
      tpu.wait_dma2 semaphore(%arg20 : memref<!tpu.dma_semaphore, #tpu.memory_space<semaphore_mem>>) src(%dma_wait3A_98 : memref<10240xf32, #tpu.memory_space<hbm>>) dst(%arg12 : memref<10240xf32, #tpu.memory_space<vmem>>)
      %dma_wait3A_99 = tpu.memref_slice %arg4[%mul3A_95] : memref<1280000xf32, #tpu.memory_space<hbm>> -> memref<10240xf32, #tpu.memory_space<hbm>>
      %dma_wait3A_100 = tpu.memref_slice %arg4[%mul3A_95] : memref<1280000xf32, #tpu.memory_space<hbm>> -> memref<10240xf32, #tpu.memory_space<hbm>>
      tpu.wait_dma2 semaphore(%arg20 : memref<!tpu.dma_semaphore, #tpu.memory_space<semaphore_mem>>) src(%dma_wait3A_100 : memref<10240xf32, #tpu.memory_space<hbm>>) dst(%arg14 : memref<10240xf32, #tpu.memory_space<vmem>>)
      %dma_wait3A_101 = arith.constant 0 : i32
      %dma_wait3A_102 = tpu.memref_slice %arg16[%dma_wait3A_101] : memref<96xf32, #tpu.memory_space<vmem>> -> memref<80xf32, #tpu.memory_space<vmem>>
      %dma_wait3A_103 = tpu.memref_slice %arg5[%mul3A_89] : memref<10000xf32, #tpu.memory_space<hbm>> -> memref<80xf32, #tpu.memory_space<hbm>>
      %dma_wait3A_104 = arith.constant 0 : i32
      %dma_wait3A_105 = tpu.memref_slice %arg16[%dma_wait3A_104] : memref<96xf32, #tpu.memory_space<vmem>> -> memref<80xf32, #tpu.memory_space<vmem>>
      %dma_wait3A_106 = tpu.memref_slice %arg5[%mul3A_89] : memref<10000xf32, #tpu.memory_space<hbm>> -> memref<80xf32, #tpu.memory_space<hbm>>
      tpu.wait_dma2 semaphore(%arg20 : memref<!tpu.dma_semaphore, #tpu.memory_space<semaphore_mem>>) src(%dma_wait3A_106 : memref<80xf32, #tpu.memory_space<hbm>>) dst(%dma_wait3A_105 : memref<80xf32, #tpu.memory_space<vmem>>)
      %dma_wait3A_107 = arith.constant 0 : i32
      %dma_wait3A_108 = tpu.memref_slice %arg18[%dma_wait3A_107] : memref<96xi32, #tpu.memory_space<vmem>> -> memref<80xi32, #tpu.memory_space<vmem>>
      %dma_wait3A_109 = tpu.memref_slice %arg6[%mul3A_89] : memref<10000xi32, #tpu.memory_space<hbm>> -> memref<80xi32, #tpu.memory_space<hbm>>
      %dma_wait3A_110 = arith.constant 0 : i32
      %dma_wait3A_111 = tpu.memref_slice %arg18[%dma_wait3A_110] : memref<96xi32, #tpu.memory_space<vmem>> -> memref<80xi32, #tpu.memory_space<vmem>>
      %dma_wait3A_112 = tpu.memref_slice %arg6[%mul3A_89] : memref<10000xi32, #tpu.memory_space<hbm>> -> memref<80xi32, #tpu.memory_space<hbm>>
      tpu.wait_dma2 semaphore(%arg20 : memref<!tpu.dma_semaphore, #tpu.memory_space<semaphore_mem>>) src(%dma_wait3A_112 : memref<80xi32, #tpu.memory_space<hbm>>) dst(%dma_wait3A_111 : memref<80xi32, #tpu.memory_space<vmem>>)
    } else {
    }
    %add3A_65 = arith.constant 64 : i32
    %add3A_66 = arith.addi %add3A, %add3A_65 : i32
    %lt3A_67 = arith.constant 125 : i32
    %lt3A_68 = arith.cmpi slt, %add3A_66, %lt3A_67 : i32
    %convert_element_type3A_69 = arith.extui %lt3A_68 : i1 to i32
    %cond3A_70 = arith.constant 0 : i32
    %cond3A_71 = arith.cmpi ne, %convert_element_type3A_69, %cond3A_70 : i32
    scf.if %cond3A_71 {
      %get3A = arith.constant 0 : index
      %get3A_86 = tpu.vector_load %arg22[%get3A] {strides = array<i32>} : memref<128xf32, #tpu.memory_space<vmem>>, vector<16xf32>,
      %get3A_87 = arith.constant 16 : index
      %get3A_88 = tpu.vector_load %arg22[%get3A_87] {strides = array<i32>} : memref<128xf32, #tpu.memory_space<vmem>>, vector<16xf32>,
      %get3A_89 = arith.constant 32 : index
      %get3A_90 = tpu.vector_load %arg22[%get3A_89] {strides = array<i32>} : memref<128xf32, #tpu.memory_space<vmem>>, vector<16xf32>,
      %get3A_91 = arith.constant 48 : index
      %get3A_92 = tpu.vector_load %arg22[%get3A_91] {strides = array<i32>} : memref<128xf32, #tpu.memory_space<vmem>>, vector<16xf32>,
      %get3A_93 = arith.constant 64 : index
      %get3A_94 = tpu.vector_load %arg22[%get3A_93] {strides = array<i32>} : memref<128xf32, #tpu.memory_space<vmem>>, vector<16xf32>,
      %get3A_95 = arith.constant 80 : index
      %get3A_96 = tpu.vector_load %arg22[%get3A_95] {strides = array<i32>} : memref<128xf32, #tpu.memory_space<vmem>>, vector<16xf32>,
      %get3A_97 = arith.constant 96 : index
      %get3A_98 = tpu.vector_load %arg22[%get3A_97] {strides = array<i32>} : memref<128xf32, #tpu.memory_space<vmem>>, vector<16xf32>,
      %get3A_99 = arith.constant 112 : index
      %get3A_100 = tpu.vector_load %arg22[%get3A_99] {strides = array<i32>} : memref<128xf32, #tpu.memory_space<vmem>>, vector<16xf32>,
      %iota3A = tpu.iota {dimensions = array<i32: 0>} : vector<16xi32>
      %scan3A_101 = arith.constant 0 : i32
      %scan3A_102 = arith.constant 80 : i32
      %scan3A_103 = arith.addi %scan3A_101, %scan3A_102 : i32
      %scan3A_104 = arith.constant 1 : i32
      scf.for %scan3A_106 = %scan3A_101 to %scan3A_103 step %scan3A_104  : i32 {
        %get3A_107 = arith.index_cast %scan3A_106 : i32 to index
        %get3A_108 = tpu.vector_load %arg16[%get3A_107] {strides = array<i32>} : memref<96xf32, #tpu.memory_space<vmem>>, vector<16xf32>,
        %slice3A = vector.extract_strided_slice %get3A_108 {offsets = [0], sizes = [1], strides = [1]} : vector<16xf32> to vector<1xf32>
        %squeeze3A = vector.extract %slice3A[0] : f32 from vector<1xf32>
        %broadcast_in_dim3A = vector.broadcast %squeeze3A : f32 to vector<16xf32>
        %get3A_109 = arith.index_cast %scan3A_106 : i32 to index
        %get3A_110 = tpu.vector_load %arg18[%get3A_109] {strides = array<i32>} : memref<96xi32, #tpu.memory_space<vmem>>, vector<16xi32>,
        %slice3A_111 = vector.extract_strided_slice %get3A_110 {offsets = [0], sizes = [1], strides = [1]} : vector<16xi32> to vector<1xi32>
        %squeeze3A_112 = vector.extract %slice3A_111[0] : i32 from vector<1xi32>
        %mul3A_113 = arith.constant 128 : i32
        %mul3A_114 = arith.muli %squeeze3A_112, %mul3A_113 : i32
        %add3A_115 = vector.broadcast %mul3A_114 : i32 to vector<16xi32>
        %add3A_116 = arith.addi %add3A_115, %iota3A : vector<16xi32>
        %mul3A_117 = arith.constant 128 : i32
        %mul3A_118 = arith.muli %scan3A_106, %mul3A_117 : i32
        %add3A_119 = arith.constant 0 : i32
        %add3A_120 = arith.addi %mul3A_118, %add3A_119 : i32
        %get3A_121 = arith.index_cast %add3A_120 : i32 to index
        %get3A_122 = tpu.vector_load %arg10[%get3A_121] {strides = array<i32>} : memref<10240xf32, #tpu.memory_space<vmem>>, vector<16xf32>,
        %get3A_123 = arith.index_cast %add3A_120 : i32 to index
        %get3A_124 = tpu.vector_load %arg12[%get3A_123] {strides = array<i32>} : memref<10240xf32, #tpu.memory_space<vmem>>, vector<16xf32>,
        %add3A_125 = arith.addf %get3A_122, %get3A_124 : vector<16xf32>
        %get3A_126 = arith.index_cast %add3A_120 : i32 to index
        %get3A_127 = tpu.vector_load %arg14[%get3A_126] {strides = array<i32>} : memref<10240xf32, #tpu.memory_space<vmem>>, vector<16xf32>,
        %add3A_128 = arith.addf %add3A_125, %get3A_127 : vector<16xf32>
        %mul3A_129 = arith.mulf %broadcast_in_dim3A, %add3A_128 : vector<16xf32>
        %add3A_130 = arith.addf %mul3A_129, %get3A_86 : vector<16xf32>
        %max3A = arith.constant 0.000000e+00 : f32
        %max3A_131 = vector.broadcast %max3A : f32 to vector<16xf32>
        %max3A_132 = arith.maximumf %add3A_130, %max3A_131 : vector<16xf32>
        %add3A_133 = arith.constant 0 : i32
        %add3A_134 = vector.broadcast %add3A_133 : i32 to vector<16xi32>
        %add3A_135 = arith.addi %add3A_116, %add3A_134 : vector<16xi32>
        %gather3A = tpu.vector_load_idx %arg23[%add3A_135] : memref<8192xf32, #tpu.memory_space<vmem>>[vector<16xi32>], vector<16xf32>,
        %max3A_136 = arith.maximumf %gather3A, %max3A_132 : vector<16xf32>
        tpu.vector_store_idx %arg23[%add3A_135], %max3A_136 : memref<8192xf32, #tpu.memory_space<vmem>>[vector<16xi32>], vector<16xf32>,
        tpu.vector_store_idx %arg24[%add3A_135], %max3A_132 {add = true} : memref<8192xf32, #tpu.memory_space<vmem>>[vector<16xi32>], vector<16xf32>,
        %mul3A_137 = arith.constant 128 : i32
        %mul3A_138 = arith.muli %scan3A_106, %mul3A_137 : i32
        %add3A_139 = arith.constant 16 : i32
        %add3A_140 = arith.addi %mul3A_138, %add3A_139 : i32
        %get3A_141 = arith.index_cast %add3A_140 : i32 to index
        %get3A_142 = tpu.vector_load %arg10[%get3A_141] {strides = array<i32>} : memref<10240xf32, #tpu.memory_space<vmem>>, vector<16xf32>,
        %get3A_143 = arith.index_cast %add3A_140 : i32 to index
        %get3A_144 = tpu.vector_load %arg12[%get3A_143] {strides = array<i32>} : memref<10240xf32, #tpu.memory_space<vmem>>, vector<16xf32>,
        %add3A_145 = arith.addf %get3A_142, %get3A_144 : vector<16xf32>
        %get3A_146 = arith.index_cast %add3A_140 : i32 to index
        %get3A_147 = tpu.vector_load %arg14[%get3A_146] {strides = array<i32>} : memref<10240xf32, #tpu.memory_space<vmem>>, vector<16xf32>,
        %add3A_148 = arith.addf %add3A_145, %get3A_147 : vector<16xf32>
        %mul3A_149 = arith.mulf %broadcast_in_dim3A, %add3A_148 : vector<16xf32>
        %add3A_150 = arith.addf %mul3A_149, %get3A_88 : vector<16xf32>
        %max3A_151 = arith.constant 0.000000e+00 : f32
        %max3A_152 = vector.broadcast %max3A_151 : f32 to vector<16xf32>
        %max3A_153 = arith.maximumf %add3A_150, %max3A_152 : vector<16xf32>
        %add3A_154 = arith.constant 16 : i32
        %add3A_155 = vector.broadcast %add3A_154 : i32 to vector<16xi32>
        %add3A_156 = arith.addi %add3A_116, %add3A_155 : vector<16xi32>
        %gather3A_157 = tpu.vector_load_idx %arg23[%add3A_156] : memref<8192xf32, #tpu.memory_space<vmem>>[vector<16xi32>], vector<16xf32>,
        %max3A_158 = arith.maximumf %gather3A_157, %max3A_153 : vector<16xf32>
        tpu.vector_store_idx %arg23[%add3A_156], %max3A_158 : memref<8192xf32, #tpu.memory_space<vmem>>[vector<16xi32>], vector<16xf32>,
        tpu.vector_store_idx %arg24[%add3A_156], %max3A_153 {add = true} : memref<8192xf32, #tpu.memory_space<vmem>>[vector<16xi32>], vector<16xf32>,
        %mul3A_159 = arith.constant 128 : i32
        %mul3A_160 = arith.muli %scan3A_106, %mul3A_159 : i32
        %add3A_161 = arith.constant 32 : i32
        %add3A_162 = arith.addi %mul3A_160, %add3A_161 : i32
        %get3A_163 = arith.index_cast %add3A_162 : i32 to index
        %get3A_164 = tpu.vector_load %arg10[%get3A_163] {strides = array<i32>} : memref<10240xf32, #tpu.memory_space<vmem>>, vector<16xf32>,
        %get3A_165 = arith.index_cast %add3A_162 : i32 to index
        %get3A_166 = tpu.vector_load %arg12[%get3A_165] {strides = array<i32>} : memref<10240xf32, #tpu.memory_space<vmem>>, vector<16xf32>,
        %add3A_167 = arith.addf %get3A_164, %get3A_166 : vector<16xf32>
        %get3A_168 = arith.index_cast %add3A_162 : i32 to index
        %get3A_169 = tpu.vector_load %arg14[%get3A_168] {strides = array<i32>} : memref<10240xf32, #tpu.memory_space<vmem>>, vector<16xf32>,
        %add3A_170 = arith.addf %add3A_167, %get3A_169 : vector<16xf32>
        %mul3A_171 = arith.mulf %broadcast_in_dim3A, %add3A_170 : vector<16xf32>
        %add3A_172 = arith.addf %mul3A_171, %get3A_90 : vector<16xf32>
        %max3A_173 = arith.constant 0.000000e+00 : f32
        %max3A_174 = vector.broadcast %max3A_173 : f32 to vector<16xf32>
        %max3A_175 = arith.maximumf %add3A_172, %max3A_174 : vector<16xf32>
        %add3A_176 = arith.constant 32 : i32
        %add3A_177 = vector.broadcast %add3A_176 : i32 to vector<16xi32>
        %add3A_178 = arith.addi %add3A_116, %add3A_177 : vector<16xi32>
        %gather3A_179 = tpu.vector_load_idx %arg23[%add3A_178] : memref<8192xf32, #tpu.memory_space<vmem>>[vector<16xi32>], vector<16xf32>,
        %max3A_180 = arith.maximumf %gather3A_179, %max3A_175 : vector<16xf32>
        tpu.vector_store_idx %arg23[%add3A_178], %max3A_180 : memref<8192xf32, #tpu.memory_space<vmem>>[vector<16xi32>], vector<16xf32>,
        tpu.vector_store_idx %arg24[%add3A_178], %max3A_175 {add = true} : memref<8192xf32, #tpu.memory_space<vmem>>[vector<16xi32>], vector<16xf32>,
        %mul3A_181 = arith.constant 128 : i32
        %mul3A_182 = arith.muli %scan3A_106, %mul3A_181 : i32
        %add3A_183 = arith.constant 48 : i32
        %add3A_184 = arith.addi %mul3A_182, %add3A_183 : i32
        %get3A_185 = arith.index_cast %add3A_184 : i32 to index
        %get3A_186 = tpu.vector_load %arg10[%get3A_185] {strides = array<i32>} : memref<10240xf32, #tpu.memory_space<vmem>>, vector<16xf32>,
        %get3A_187 = arith.index_cast %add3A_184 : i32 to index
        %get3A_188 = tpu.vector_load %arg12[%get3A_187] {strides = array<i32>} : memref<10240xf32, #tpu.memory_space<vmem>>, vector<16xf32>,
        %add3A_189 = arith.addf %get3A_186, %get3A_188 : vector<16xf32>
        %get3A_190 = arith.index_cast %add3A_184 : i32 to index
        %get3A_191 = tpu.vector_load %arg14[%get3A_190] {strides = array<i32>} : memref<10240xf32, #tpu.memory_space<vmem>>, vector<16xf32>,
        %add3A_192 = arith.addf %add3A_189, %get3A_191 : vector<16xf32>
        %mul3A_193 = arith.mulf %broadcast_in_dim3A, %add3A_192 : vector<16xf32>
        %add3A_194 = arith.addf %mul3A_193, %get3A_92 : vector<16xf32>
        %max3A_195 = arith.constant 0.000000e+00 : f32
        %max3A_196 = vector.broadcast %max3A_195 : f32 to vector<16xf32>
        %max3A_197 = arith.maximumf %add3A_194, %max3A_196 : vector<16xf32>
        %add3A_198 = arith.constant 48 : i32
        %add3A_199 = vector.broadcast %add3A_198 : i32 to vector<16xi32>
        %add3A_200 = arith.addi %add3A_116, %add3A_199 : vector<16xi32>
        %gather3A_201 = tpu.vector_load_idx %arg23[%add3A_200] : memref<8192xf32, #tpu.memory_space<vmem>>[vector<16xi32>], vector<16xf32>,
        %max3A_202 = arith.maximumf %gather3A_201, %max3A_197 : vector<16xf32>
        tpu.vector_store_idx %arg23[%add3A_200], %max3A_202 : memref<8192xf32, #tpu.memory_space<vmem>>[vector<16xi32>], vector<16xf32>,
        tpu.vector_store_idx %arg24[%add3A_200], %max3A_197 {add = true} : memref<8192xf32, #tpu.memory_space<vmem>>[vector<16xi32>], vector<16xf32>,
        %mul3A_203 = arith.constant 128 : i32
        %mul3A_204 = arith.muli %scan3A_106, %mul3A_203 : i32
        %add3A_205 = arith.constant 64 : i32
        %add3A_206 = arith.addi %mul3A_204, %add3A_205 : i32
        %get3A_207 = arith.index_cast %add3A_206 : i32 to index
        %get3A_208 = tpu.vector_load %arg10[%get3A_207] {strides = array<i32>} : memref<10240xf32, #tpu.memory_space<vmem>>, vector<16xf32>,
        %get3A_209 = arith.index_cast %add3A_206 : i32 to index
        %get3A_210 = tpu.vector_load %arg12[%get3A_209] {strides = array<i32>} : memref<10240xf32, #tpu.memory_space<vmem>>, vector<16xf32>,
        %add3A_211 = arith.addf %get3A_208, %get3A_210 : vector<16xf32>
        %get3A_212 = arith.index_cast %add3A_206 : i32 to index
        %get3A_213 = tpu.vector_load %arg14[%get3A_212] {strides = array<i32>} : memref<10240xf32, #tpu.memory_space<vmem>>, vector<16xf32>,
        %add3A_214 = arith.addf %add3A_211, %get3A_213 : vector<16xf32>
        %mul3A_215 = arith.mulf %broadcast_in_dim3A, %add3A_214 : vector<16xf32>
        %add3A_216 = arith.addf %mul3A_215, %get3A_94 : vector<16xf32>
        %max3A_217 = arith.constant 0.000000e+00 : f32
        %max3A_218 = vector.broadcast %max3A_217 : f32 to vector<16xf32>
        %max3A_219 = arith.maximumf %add3A_216, %max3A_218 : vector<16xf32>
        %add3A_220 = arith.constant 64 : i32
        %add3A_221 = vector.broadcast %add3A_220 : i32 to vector<16xi32>
        %add3A_222 = arith.addi %add3A_116, %add3A_221 : vector<16xi32>
        %gather3A_223 = tpu.vector_load_idx %arg23[%add3A_222] : memref<8192xf32, #tpu.memory_space<vmem>>[vector<16xi32>], vector<16xf32>,
        %max3A_224 = arith.maximumf %gather3A_223, %max3A_219 : vector<16xf32>
        tpu.vector_store_idx %arg23[%add3A_222], %max3A_224 : memref<8192xf32, #tpu.memory_space<vmem>>[vector<16xi32>], vector<16xf32>,
        tpu.vector_store_idx %arg24[%add3A_222], %max3A_219 {add = true} : memref<8192xf32, #tpu.memory_space<vmem>>[vector<16xi32>], vector<16xf32>,
        %mul3A_225 = arith.constant 128 : i32
        %mul3A_226 = arith.muli %scan3A_106, %mul3A_225 : i32
        %add3A_227 = arith.constant 80 : i32
        %add3A_228 = arith.addi %mul3A_226, %add3A_227 : i32
        %get3A_229 = arith.index_cast %add3A_228 : i32 to index
        %get3A_230 = tpu.vector_load %arg10[%get3A_229] {strides = array<i32>} : memref<10240xf32, #tpu.memory_space<vmem>>, vector<16xf32>,
        %get3A_231 = arith.index_cast %add3A_228 : i32 to index
        %get3A_232 = tpu.vector_load %arg12[%get3A_231] {strides = array<i32>} : memref<10240xf32, #tpu.memory_space<vmem>>, vector<16xf32>,
        %add3A_233 = arith.addf %get3A_230, %get3A_232 : vector<16xf32>
        %get3A_234 = arith.index_cast %add3A_228 : i32 to index
        %get3A_235 = tpu.vector_load %arg14[%get3A_234] {strides = array<i32>} : memref<10240xf32, #tpu.memory_space<vmem>>, vector<16xf32>,
        %add3A_236 = arith.addf %add3A_233, %get3A_235 : vector<16xf32>
        %mul3A_237 = arith.mulf %broadcast_in_dim3A, %add3A_236 : vector<16xf32>
        %add3A_238 = arith.addf %mul3A_237, %get3A_96 : vector<16xf32>
        %max3A_239 = arith.constant 0.000000e+00 : f32
        %max3A_240 = vector.broadcast %max3A_239 : f32 to vector<16xf32>
        %max3A_241 = arith.maximumf %add3A_238, %max3A_240 : vector<16xf32>
        %add3A_242 = arith.constant 80 : i32
        %add3A_243 = vector.broadcast %add3A_242 : i32 to vector<16xi32>
        %add3A_244 = arith.addi %add3A_116, %add3A_243 : vector<16xi32>
        %gather3A_245 = tpu.vector_load_idx %arg23[%add3A_244] : memref<8192xf32, #tpu.memory_space<vmem>>[vector<16xi32>], vector<16xf32>,
        %max3A_246 = arith.maximumf %gather3A_245, %max3A_241 : vector<16xf32>
        tpu.vector_store_idx %arg23[%add3A_244], %max3A_246 : memref<8192xf32, #tpu.memory_space<vmem>>[vector<16xi32>], vector<16xf32>,
        tpu.vector_store_idx %arg24[%add3A_244], %max3A_241 {add = true} : memref<8192xf32, #tpu.memory_space<vmem>>[vector<16xi32>], vector<16xf32>,
        %mul3A_247 = arith.constant 128 : i32
        %mul3A_248 = arith.muli %scan3A_106, %mul3A_247 : i32
        %add3A_249 = arith.constant 96 : i32
        %add3A_250 = arith.addi %mul3A_248, %add3A_249 : i32
        %get3A_251 = arith.index_cast %add3A_250 : i32 to index
        %get3A_252 = tpu.vector_load %arg10[%get3A_251] {strides = array<i32>} : memref<10240xf32, #tpu.memory_space<vmem>>, vector<16xf32>,
        %get3A_253 = arith.index_cast %add3A_250 : i32 to index
        %get3A_254 = tpu.vector_load %arg12[%get3A_253] {strides = array<i32>} : memref<10240xf32, #tpu.memory_space<vmem>>, vector<16xf32>,
        %add3A_255 = arith.addf %get3A_252, %get3A_254 : vector<16xf32>
        %get3A_256 = arith.index_cast %add3A_250 : i32 to index
        %get3A_257 = tpu.vector_load %arg14[%get3A_256] {strides = array<i32>} : memref<10240xf32, #tpu.memory_space<vmem>>, vector<16xf32>,
        %add3A_258 = arith.addf %add3A_255, %get3A_257 : vector<16xf32>
        %mul3A_259 = arith.mulf %broadcast_in_dim3A, %add3A_258 : vector<16xf32>
        %add3A_260 = arith.addf %mul3A_259, %get3A_98 : vector<16xf32>
        %max3A_261 = arith.constant 0.000000e+00 : f32
        %max3A_262 = vector.broadcast %max3A_261 : f32 to vector<16xf32>
        %max3A_263 = arith.maximumf %add3A_260, %max3A_262 : vector<16xf32>
        %add3A_264 = arith.constant 96 : i32
        %add3A_265 = vector.broadcast %add3A_264 : i32 to vector<16xi32>
        %add3A_266 = arith.addi %add3A_116, %add3A_265 : vector<16xi32>
        %gather3A_267 = tpu.vector_load_idx %arg23[%add3A_266] : memref<8192xf32, #tpu.memory_space<vmem>>[vector<16xi32>], vector<16xf32>,
        %max3A_268 = arith.maximumf %gather3A_267, %max3A_263 : vector<16xf32>
        tpu.vector_store_idx %arg23[%add3A_266], %max3A_268 : memref<8192xf32, #tpu.memory_space<vmem>>[vector<16xi32>], vector<16xf32>,
        tpu.vector_store_idx %arg24[%add3A_266], %max3A_263 {add = true} : memref<8192xf32, #tpu.memory_space<vmem>>[vector<16xi32>], vector<16xf32>,
        %mul3A_269 = arith.constant 128 : i32
        %mul3A_270 = arith.muli %scan3A_106, %mul3A_269 : i32
        %add3A_271 = arith.constant 112 : i32
        %add3A_272 = arith.addi %mul3A_270, %add3A_271 : i32
        %get3A_273 = arith.index_cast %add3A_272 : i32 to index
        %get3A_274 = tpu.vector_load %arg10[%get3A_273] {strides = array<i32>} : memref<10240xf32, #tpu.memory_space<vmem>>, vector<16xf32>,
        %get3A_275 = arith.index_cast %add3A_272 : i32 to index
        %get3A_276 = tpu.vector_load %arg12[%get3A_275] {strides = array<i32>} : memref<10240xf32, #tpu.memory_space<vmem>>, vector<16xf32>,
        %add3A_277 = arith.addf %get3A_274, %get3A_276 : vector<16xf32>
        %get3A_278 = arith.index_cast %add3A_272 : i32 to index
        %get3A_279 = tpu.vector_load %arg14[%get3A_278] {strides = array<i32>} : memref<10240xf32, #tpu.memory_space<vmem>>, vector<16xf32>,
        %add3A_280 = arith.addf %add3A_277, %get3A_279 : vector<16xf32>
        %mul3A_281 = arith.mulf %broadcast_in_dim3A, %add3A_280 : vector<16xf32>
        %add3A_282 = arith.addf %mul3A_281, %get3A_100 : vector<16xf32>
        %max3A_283 = arith.constant 0.000000e+00 : f32
        %max3A_284 = vector.broadcast %max3A_283 : f32 to vector<16xf32>
        %max3A_285 = arith.maximumf %add3A_282, %max3A_284 : vector<16xf32>
        %add3A_286 = arith.constant 112 : i32
        %add3A_287 = vector.broadcast %add3A_286 : i32 to vector<16xi32>
        %add3A_288 = arith.addi %add3A_116, %add3A_287 : vector<16xi32>
        %gather3A_289 = tpu.vector_load_idx %arg23[%add3A_288] : memref<8192xf32, #tpu.memory_space<vmem>>[vector<16xi32>], vector<16xf32>,
        %max3A_290 = arith.maximumf %gather3A_289, %max3A_285 : vector<16xf32>
        tpu.vector_store_idx %arg23[%add3A_288], %max3A_290 : memref<8192xf32, #tpu.memory_space<vmem>>[vector<16xi32>], vector<16xf32>,
        tpu.vector_store_idx %arg24[%add3A_288], %max3A_285 {add = true} : memref<8192xf32, #tpu.memory_space<vmem>>[vector<16xi32>], vector<16xf32>,
      }
      %scan3A_105 = arith.constant 80 : i32
    } else {
    }
    %add3A_72 = arith.constant 96 : i32
    %add3A_73 = arith.addi %add3A, %add3A_72 : i32
    %lt3A_74 = arith.constant 125 : i32
    %lt3A_75 = arith.cmpi slt, %add3A_73, %lt3A_74 : i32
    %convert_element_type3A_76 = arith.extui %lt3A_75 : i1 to i32
    %cond3A_77 = arith.constant 0 : i32
    %cond3A_78 = arith.cmpi ne, %convert_element_type3A_76, %cond3A_77 : i32
    scf.if %cond3A_78 {
      %add3A_86 = arith.constant 96 : i32
      %add3A_87 = arith.addi %add3A, %add3A_86 : i32
      %mul3A_88 = arith.constant 80 : i32
      %mul3A_89 = arith.muli %add3A_87, %mul3A_88 : i32
      %mul3A_90 = arith.constant 128 : i32
      %mul3A_91 = arith.muli %mul3A_89, %mul3A_90 : i32
      %mul3A_92 = arith.constant 128 : i32
      %mul3A_93 = arith.muli %mul3A_89, %mul3A_92 : i32
      %mul3A_94 = arith.constant 128 : i32
      %mul3A_95 = arith.muli %mul3A_89, %mul3A_94 : i32
      %dma_wait3A = tpu.memref_slice %arg2[%mul3A_91] : memref<1280000xf32, #tpu.memory_space<hbm>> -> memref<10240xf32, #tpu.memory_space<hbm>>
      %dma_wait3A_96 = tpu.memref_slice %arg2[%mul3A_91] : memref<1280000xf32, #tpu.memory_space<hbm>> -> memref<10240xf32, #tpu.memory_space<hbm>>
      tpu.wait_dma2 semaphore(%arg21 : memref<!tpu.dma_semaphore, #tpu.memory_space<semaphore_mem>>) src(%dma_wait3A_96 : memref<10240xf32, #tpu.memory_space<hbm>>) dst(%arg11 : memref<10240xf32, #tpu.memory_space<vmem>>)
      %dma_wait3A_97 = tpu.memref_slice %arg3[%mul3A_93] : memref<1280000xf32, #tpu.memory_space<hbm>> -> memref<10240xf32, #tpu.memory_space<hbm>>
      %dma_wait3A_98 = tpu.memref_slice %arg3[%mul3A_93] : memref<1280000xf32, #tpu.memory_space<hbm>> -> memref<10240xf32, #tpu.memory_space<hbm>>
      tpu.wait_dma2 semaphore(%arg21 : memref<!tpu.dma_semaphore, #tpu.memory_space<semaphore_mem>>) src(%dma_wait3A_98 : memref<10240xf32, #tpu.memory_space<hbm>>) dst(%arg13 : memref<10240xf32, #tpu.memory_space<vmem>>)
      %dma_wait3A_99 = tpu.memref_slice %arg4[%mul3A_95] : memref<1280000xf32, #tpu.memory_space<hbm>> -> memref<10240xf32, #tpu.memory_space<hbm>>
      %dma_wait3A_100 = tpu.memref_slice %arg4[%mul3A_95] : memref<1280000xf32, #tpu.memory_space<hbm>> -> memref<10240xf32, #tpu.memory_space<hbm>>
      tpu.wait_dma2 semaphore(%arg21 : memref<!tpu.dma_semaphore, #tpu.memory_space<semaphore_mem>>) src(%dma_wait3A_100 : memref<10240xf32, #tpu.memory_space<hbm>>) dst(%arg15 : memref<10240xf32, #tpu.memory_space<vmem>>)
      %dma_wait3A_101 = arith.constant 0 : i32
      %dma_wait3A_102 = tpu.memref_slice %arg17[%dma_wait3A_101] : memref<96xf32, #tpu.memory_space<vmem>> -> memref<80xf32, #tpu.memory_space<vmem>>
      %dma_wait3A_103 = tpu.memref_slice %arg5[%mul3A_89] : memref<10000xf32, #tpu.memory_space<hbm>> -> memref<80xf32, #tpu.memory_space<hbm>>
      %dma_wait3A_104 = arith.constant 0 : i32
      %dma_wait3A_105 = tpu.memref_slice %arg17[%dma_wait3A_104] : memref<96xf32, #tpu.memory_space<vmem>> -> memref<80xf32, #tpu.memory_space<vmem>>
      %dma_wait3A_106 = tpu.memref_slice %arg5[%mul3A_89] : memref<10000xf32, #tpu.memory_space<hbm>> -> memref<80xf32, #tpu.memory_space<hbm>>
      tpu.wait_dma2 semaphore(%arg21 : memref<!tpu.dma_semaphore, #tpu.memory_space<semaphore_mem>>) src(%dma_wait3A_106 : memref<80xf32, #tpu.memory_space<hbm>>) dst(%dma_wait3A_105 : memref<80xf32, #tpu.memory_space<vmem>>)
      %dma_wait3A_107 = arith.constant 0 : i32
      %dma_wait3A_108 = tpu.memref_slice %arg19[%dma_wait3A_107] : memref<96xi32, #tpu.memory_space<vmem>> -> memref<80xi32, #tpu.memory_space<vmem>>
      %dma_wait3A_109 = tpu.memref_slice %arg6[%mul3A_89] : memref<10000xi32, #tpu.memory_space<hbm>> -> memref<80xi32, #tpu.memory_space<hbm>>
      %dma_wait3A_110 = arith.constant 0 : i32
      %dma_wait3A_111 = tpu.memref_slice %arg19[%dma_wait3A_110] : memref<96xi32, #tpu.memory_space<vmem>> -> memref<80xi32, #tpu.memory_space<vmem>>
      %dma_wait3A_112 = tpu.memref_slice %arg6[%mul3A_89] : memref<10000xi32, #tpu.memory_space<hbm>> -> memref<80xi32, #tpu.memory_space<hbm>>
      tpu.wait_dma2 semaphore(%arg21 : memref<!tpu.dma_semaphore, #tpu.memory_space<semaphore_mem>>) src(%dma_wait3A_112 : memref<80xi32, #tpu.memory_space<hbm>>) dst(%dma_wait3A_111 : memref<80xi32, #tpu.memory_space<vmem>>)
    } else {
    }
    %add3A_79 = arith.constant 96 : i32
    %add3A_80 = arith.addi %add3A, %add3A_79 : i32
    %lt3A_81 = arith.constant 125 : i32
    %lt3A_82 = arith.cmpi slt, %add3A_80, %lt3A_81 : i32
    %convert_element_type3A_83 = arith.extui %lt3A_82 : i1 to i32
    %cond3A_84 = arith.constant 0 : i32
    %cond3A_85 = arith.cmpi ne, %convert_element_type3A_83, %cond3A_84 : i32
    scf.if %cond3A_85 {
      %get3A = arith.constant 0 : index
      %get3A_86 = tpu.vector_load %arg22[%get3A] {strides = array<i32>} : memref<128xf32, #tpu.memory_space<vmem>>, vector<16xf32>,
      %get3A_87 = arith.constant 16 : index
      %get3A_88 = tpu.vector_load %arg22[%get3A_87] {strides = array<i32>} : memref<128xf32, #tpu.memory_space<vmem>>, vector<16xf32>,
      %get3A_89 = arith.constant 32 : index
      %get3A_90 = tpu.vector_load %arg22[%get3A_89] {strides = array<i32>} : memref<128xf32, #tpu.memory_space<vmem>>, vector<16xf32>,
      %get3A_91 = arith.constant 48 : index
      %get3A_92 = tpu.vector_load %arg22[%get3A_91] {strides = array<i32>} : memref<128xf32, #tpu.memory_space<vmem>>, vector<16xf32>,
      %get3A_93 = arith.constant 64 : index
      %get3A_94 = tpu.vector_load %arg22[%get3A_93] {strides = array<i32>} : memref<128xf32, #tpu.memory_space<vmem>>, vector<16xf32>,
      %get3A_95 = arith.constant 80 : index
      %get3A_96 = tpu.vector_load %arg22[%get3A_95] {strides = array<i32>} : memref<128xf32, #tpu.memory_space<vmem>>, vector<16xf32>,
      %get3A_97 = arith.constant 96 : index
      %get3A_98 = tpu.vector_load %arg22[%get3A_97] {strides = array<i32>} : memref<128xf32, #tpu.memory_space<vmem>>, vector<16xf32>,
      %get3A_99 = arith.constant 112 : index
      %get3A_100 = tpu.vector_load %arg22[%get3A_99] {strides = array<i32>} : memref<128xf32, #tpu.memory_space<vmem>>, vector<16xf32>,
      %iota3A = tpu.iota {dimensions = array<i32: 0>} : vector<16xi32>
      %scan3A_101 = arith.constant 0 : i32
      %scan3A_102 = arith.constant 80 : i32
      %scan3A_103 = arith.addi %scan3A_101, %scan3A_102 : i32
      %scan3A_104 = arith.constant 1 : i32
      scf.for %scan3A_106 = %scan3A_101 to %scan3A_103 step %scan3A_104  : i32 {
        %get3A_107 = arith.index_cast %scan3A_106 : i32 to index
        %get3A_108 = tpu.vector_load %arg17[%get3A_107] {strides = array<i32>} : memref<96xf32, #tpu.memory_space<vmem>>, vector<16xf32>,
        %slice3A = vector.extract_strided_slice %get3A_108 {offsets = [0], sizes = [1], strides = [1]} : vector<16xf32> to vector<1xf32>
        %squeeze3A = vector.extract %slice3A[0] : f32 from vector<1xf32>
        %broadcast_in_dim3A = vector.broadcast %squeeze3A : f32 to vector<16xf32>
        %get3A_109 = arith.index_cast %scan3A_106 : i32 to index
        %get3A_110 = tpu.vector_load %arg19[%get3A_109] {strides = array<i32>} : memref<96xi32, #tpu.memory_space<vmem>>, vector<16xi32>,
        %slice3A_111 = vector.extract_strided_slice %get3A_110 {offsets = [0], sizes = [1], strides = [1]} : vector<16xi32> to vector<1xi32>
        %squeeze3A_112 = vector.extract %slice3A_111[0] : i32 from vector<1xi32>
        %mul3A_113 = arith.constant 128 : i32
        %mul3A_114 = arith.muli %squeeze3A_112, %mul3A_113 : i32
        %add3A_115 = vector.broadcast %mul3A_114 : i32 to vector<16xi32>
        %add3A_116 = arith.addi %add3A_115, %iota3A : vector<16xi32>
        %mul3A_117 = arith.constant 128 : i32
        %mul3A_118 = arith.muli %scan3A_106, %mul3A_117 : i32
        %add3A_119 = arith.constant 0 : i32
        %add3A_120 = arith.addi %mul3A_118, %add3A_119 : i32
        %get3A_121 = arith.index_cast %add3A_120 : i32 to index
        %get3A_122 = tpu.vector_load %arg11[%get3A_121] {strides = array<i32>} : memref<10240xf32, #tpu.memory_space<vmem>>, vector<16xf32>,
        %get3A_123 = arith.index_cast %add3A_120 : i32 to index
        %get3A_124 = tpu.vector_load %arg13[%get3A_123] {strides = array<i32>} : memref<10240xf32, #tpu.memory_space<vmem>>, vector<16xf32>,
        %add3A_125 = arith.addf %get3A_122, %get3A_124 : vector<16xf32>
        %get3A_126 = arith.index_cast %add3A_120 : i32 to index
        %get3A_127 = tpu.vector_load %arg15[%get3A_126] {strides = array<i32>} : memref<10240xf32, #tpu.memory_space<vmem>>, vector<16xf32>,
        %add3A_128 = arith.addf %add3A_125, %get3A_127 : vector<16xf32>
        %mul3A_129 = arith.mulf %broadcast_in_dim3A, %add3A_128 : vector<16xf32>
        %add3A_130 = arith.addf %mul3A_129, %get3A_86 : vector<16xf32>
        %max3A = arith.constant 0.000000e+00 : f32
        %max3A_131 = vector.broadcast %max3A : f32 to vector<16xf32>
        %max3A_132 = arith.maximumf %add3A_130, %max3A_131 : vector<16xf32>
        %add3A_133 = arith.constant 0 : i32
        %add3A_134 = vector.broadcast %add3A_133 : i32 to vector<16xi32>
        %add3A_135 = arith.addi %add3A_116, %add3A_134 : vector<16xi32>
        %gather3A = tpu.vector_load_idx %arg23[%add3A_135] : memref<8192xf32, #tpu.memory_space<vmem>>[vector<16xi32>], vector<16xf32>,
        %max3A_136 = arith.maximumf %gather3A, %max3A_132 : vector<16xf32>
        tpu.vector_store_idx %arg23[%add3A_135], %max3A_136 : memref<8192xf32, #tpu.memory_space<vmem>>[vector<16xi32>], vector<16xf32>,
        tpu.vector_store_idx %arg24[%add3A_135], %max3A_132 {add = true} : memref<8192xf32, #tpu.memory_space<vmem>>[vector<16xi32>], vector<16xf32>,
        %mul3A_137 = arith.constant 128 : i32
        %mul3A_138 = arith.muli %scan3A_106, %mul3A_137 : i32
        %add3A_139 = arith.constant 16 : i32
        %add3A_140 = arith.addi %mul3A_138, %add3A_139 : i32
        %get3A_141 = arith.index_cast %add3A_140 : i32 to index
        %get3A_142 = tpu.vector_load %arg11[%get3A_141] {strides = array<i32>} : memref<10240xf32, #tpu.memory_space<vmem>>, vector<16xf32>,
        %get3A_143 = arith.index_cast %add3A_140 : i32 to index
        %get3A_144 = tpu.vector_load %arg13[%get3A_143] {strides = array<i32>} : memref<10240xf32, #tpu.memory_space<vmem>>, vector<16xf32>,
        %add3A_145 = arith.addf %get3A_142, %get3A_144 : vector<16xf32>
        %get3A_146 = arith.index_cast %add3A_140 : i32 to index
        %get3A_147 = tpu.vector_load %arg15[%get3A_146] {strides = array<i32>} : memref<10240xf32, #tpu.memory_space<vmem>>, vector<16xf32>,
        %add3A_148 = arith.addf %add3A_145, %get3A_147 : vector<16xf32>
        %mul3A_149 = arith.mulf %broadcast_in_dim3A, %add3A_148 : vector<16xf32>
        %add3A_150 = arith.addf %mul3A_149, %get3A_88 : vector<16xf32>
        %max3A_151 = arith.constant 0.000000e+00 : f32
        %max3A_152 = vector.broadcast %max3A_151 : f32 to vector<16xf32>
        %max3A_153 = arith.maximumf %add3A_150, %max3A_152 : vector<16xf32>
        %add3A_154 = arith.constant 16 : i32
        %add3A_155 = vector.broadcast %add3A_154 : i32 to vector<16xi32>
        %add3A_156 = arith.addi %add3A_116, %add3A_155 : vector<16xi32>
        %gather3A_157 = tpu.vector_load_idx %arg23[%add3A_156] : memref<8192xf32, #tpu.memory_space<vmem>>[vector<16xi32>], vector<16xf32>,
        %max3A_158 = arith.maximumf %gather3A_157, %max3A_153 : vector<16xf32>
        tpu.vector_store_idx %arg23[%add3A_156], %max3A_158 : memref<8192xf32, #tpu.memory_space<vmem>>[vector<16xi32>], vector<16xf32>,
        tpu.vector_store_idx %arg24[%add3A_156], %max3A_153 {add = true} : memref<8192xf32, #tpu.memory_space<vmem>>[vector<16xi32>], vector<16xf32>,
        %mul3A_159 = arith.constant 128 : i32
        %mul3A_160 = arith.muli %scan3A_106, %mul3A_159 : i32
        %add3A_161 = arith.constant 32 : i32
        %add3A_162 = arith.addi %mul3A_160, %add3A_161 : i32
        %get3A_163 = arith.index_cast %add3A_162 : i32 to index
        %get3A_164 = tpu.vector_load %arg11[%get3A_163] {strides = array<i32>} : memref<10240xf32, #tpu.memory_space<vmem>>, vector<16xf32>,
        %get3A_165 = arith.index_cast %add3A_162 : i32 to index
        %get3A_166 = tpu.vector_load %arg13[%get3A_165] {strides = array<i32>} : memref<10240xf32, #tpu.memory_space<vmem>>, vector<16xf32>,
        %add3A_167 = arith.addf %get3A_164, %get3A_166 : vector<16xf32>
        %get3A_168 = arith.index_cast %add3A_162 : i32 to index
        %get3A_169 = tpu.vector_load %arg15[%get3A_168] {strides = array<i32>} : memref<10240xf32, #tpu.memory_space<vmem>>, vector<16xf32>,
        %add3A_170 = arith.addf %add3A_167, %get3A_169 : vector<16xf32>
        %mul3A_171 = arith.mulf %broadcast_in_dim3A, %add3A_170 : vector<16xf32>
        %add3A_172 = arith.addf %mul3A_171, %get3A_90 : vector<16xf32>
        %max3A_173 = arith.constant 0.000000e+00 : f32
        %max3A_174 = vector.broadcast %max3A_173 : f32 to vector<16xf32>
        %max3A_175 = arith.maximumf %add3A_172, %max3A_174 : vector<16xf32>
        %add3A_176 = arith.constant 32 : i32
        %add3A_177 = vector.broadcast %add3A_176 : i32 to vector<16xi32>
        %add3A_178 = arith.addi %add3A_116, %add3A_177 : vector<16xi32>
        %gather3A_179 = tpu.vector_load_idx %arg23[%add3A_178] : memref<8192xf32, #tpu.memory_space<vmem>>[vector<16xi32>], vector<16xf32>,
        %max3A_180 = arith.maximumf %gather3A_179, %max3A_175 : vector<16xf32>
        tpu.vector_store_idx %arg23[%add3A_178], %max3A_180 : memref<8192xf32, #tpu.memory_space<vmem>>[vector<16xi32>], vector<16xf32>,
        tpu.vector_store_idx %arg24[%add3A_178], %max3A_175 {add = true} : memref<8192xf32, #tpu.memory_space<vmem>>[vector<16xi32>], vector<16xf32>,
        %mul3A_181 = arith.constant 128 : i32
        %mul3A_182 = arith.muli %scan3A_106, %mul3A_181 : i32
        %add3A_183 = arith.constant 48 : i32
        %add3A_184 = arith.addi %mul3A_182, %add3A_183 : i32
        %get3A_185 = arith.index_cast %add3A_184 : i32 to index
        %get3A_186 = tpu.vector_load %arg11[%get3A_185] {strides = array<i32>} : memref<10240xf32, #tpu.memory_space<vmem>>, vector<16xf32>,
        %get3A_187 = arith.index_cast %add3A_184 : i32 to index
        %get3A_188 = tpu.vector_load %arg13[%get3A_187] {strides = array<i32>} : memref<10240xf32, #tpu.memory_space<vmem>>, vector<16xf32>,
        %add3A_189 = arith.addf %get3A_186, %get3A_188 : vector<16xf32>
        %get3A_190 = arith.index_cast %add3A_184 : i32 to index
        %get3A_191 = tpu.vector_load %arg15[%get3A_190] {strides = array<i32>} : memref<10240xf32, #tpu.memory_space<vmem>>, vector<16xf32>,
        %add3A_192 = arith.addf %add3A_189, %get3A_191 : vector<16xf32>
        %mul3A_193 = arith.mulf %broadcast_in_dim3A, %add3A_192 : vector<16xf32>
        %add3A_194 = arith.addf %mul3A_193, %get3A_92 : vector<16xf32>
        %max3A_195 = arith.constant 0.000000e+00 : f32
        %max3A_196 = vector.broadcast %max3A_195 : f32 to vector<16xf32>
        %max3A_197 = arith.maximumf %add3A_194, %max3A_196 : vector<16xf32>
        %add3A_198 = arith.constant 48 : i32
        %add3A_199 = vector.broadcast %add3A_198 : i32 to vector<16xi32>
        %add3A_200 = arith.addi %add3A_116, %add3A_199 : vector<16xi32>
        %gather3A_201 = tpu.vector_load_idx %arg23[%add3A_200] : memref<8192xf32, #tpu.memory_space<vmem>>[vector<16xi32>], vector<16xf32>,
        %max3A_202 = arith.maximumf %gather3A_201, %max3A_197 : vector<16xf32>
        tpu.vector_store_idx %arg23[%add3A_200], %max3A_202 : memref<8192xf32, #tpu.memory_space<vmem>>[vector<16xi32>], vector<16xf32>,
        tpu.vector_store_idx %arg24[%add3A_200], %max3A_197 {add = true} : memref<8192xf32, #tpu.memory_space<vmem>>[vector<16xi32>], vector<16xf32>,
        %mul3A_203 = arith.constant 128 : i32
        %mul3A_204 = arith.muli %scan3A_106, %mul3A_203 : i32
        %add3A_205 = arith.constant 64 : i32
        %add3A_206 = arith.addi %mul3A_204, %add3A_205 : i32
        %get3A_207 = arith.index_cast %add3A_206 : i32 to index
        %get3A_208 = tpu.vector_load %arg11[%get3A_207] {strides = array<i32>} : memref<10240xf32, #tpu.memory_space<vmem>>, vector<16xf32>,
        %get3A_209 = arith.index_cast %add3A_206 : i32 to index
        %get3A_210 = tpu.vector_load %arg13[%get3A_209] {strides = array<i32>} : memref<10240xf32, #tpu.memory_space<vmem>>, vector<16xf32>,
        %add3A_211 = arith.addf %get3A_208, %get3A_210 : vector<16xf32>
        %get3A_212 = arith.index_cast %add3A_206 : i32 to index
        %get3A_213 = tpu.vector_load %arg15[%get3A_212] {strides = array<i32>} : memref<10240xf32, #tpu.memory_space<vmem>>, vector<16xf32>,
        %add3A_214 = arith.addf %add3A_211, %get3A_213 : vector<16xf32>
        %mul3A_215 = arith.mulf %broadcast_in_dim3A, %add3A_214 : vector<16xf32>
        %add3A_216 = arith.addf %mul3A_215, %get3A_94 : vector<16xf32>
        %max3A_217 = arith.constant 0.000000e+00 : f32
        %max3A_218 = vector.broadcast %max3A_217 : f32 to vector<16xf32>
        %max3A_219 = arith.maximumf %add3A_216, %max3A_218 : vector<16xf32>
        %add3A_220 = arith.constant 64 : i32
        %add3A_221 = vector.broadcast %add3A_220 : i32 to vector<16xi32>
        %add3A_222 = arith.addi %add3A_116, %add3A_221 : vector<16xi32>
        %gather3A_223 = tpu.vector_load_idx %arg23[%add3A_222] : memref<8192xf32, #tpu.memory_space<vmem>>[vector<16xi32>], vector<16xf32>,
        %max3A_224 = arith.maximumf %gather3A_223, %max3A_219 : vector<16xf32>
        tpu.vector_store_idx %arg23[%add3A_222], %max3A_224 : memref<8192xf32, #tpu.memory_space<vmem>>[vector<16xi32>], vector<16xf32>,
        tpu.vector_store_idx %arg24[%add3A_222], %max3A_219 {add = true} : memref<8192xf32, #tpu.memory_space<vmem>>[vector<16xi32>], vector<16xf32>,
        %mul3A_225 = arith.constant 128 : i32
        %mul3A_226 = arith.muli %scan3A_106, %mul3A_225 : i32
        %add3A_227 = arith.constant 80 : i32
        %add3A_228 = arith.addi %mul3A_226, %add3A_227 : i32
        %get3A_229 = arith.index_cast %add3A_228 : i32 to index
        %get3A_230 = tpu.vector_load %arg11[%get3A_229] {strides = array<i32>} : memref<10240xf32, #tpu.memory_space<vmem>>, vector<16xf32>,
        %get3A_231 = arith.index_cast %add3A_228 : i32 to index
        %get3A_232 = tpu.vector_load %arg13[%get3A_231] {strides = array<i32>} : memref<10240xf32, #tpu.memory_space<vmem>>, vector<16xf32>,
        %add3A_233 = arith.addf %get3A_230, %get3A_232 : vector<16xf32>
        %get3A_234 = arith.index_cast %add3A_228 : i32 to index
        %get3A_235 = tpu.vector_load %arg15[%get3A_234] {strides = array<i32>} : memref<10240xf32, #tpu.memory_space<vmem>>, vector<16xf32>,
        %add3A_236 = arith.addf %add3A_233, %get3A_235 : vector<16xf32>
        %mul3A_237 = arith.mulf %broadcast_in_dim3A, %add3A_236 : vector<16xf32>
        %add3A_238 = arith.addf %mul3A_237, %get3A_96 : vector<16xf32>
        %max3A_239 = arith.constant 0.000000e+00 : f32
        %max3A_240 = vector.broadcast %max3A_239 : f32 to vector<16xf32>
        %max3A_241 = arith.maximumf %add3A_238, %max3A_240 : vector<16xf32>
        %add3A_242 = arith.constant 80 : i32
        %add3A_243 = vector.broadcast %add3A_242 : i32 to vector<16xi32>
        %add3A_244 = arith.addi %add3A_116, %add3A_243 : vector<16xi32>
        %gather3A_245 = tpu.vector_load_idx %arg23[%add3A_244] : memref<8192xf32, #tpu.memory_space<vmem>>[vector<16xi32>], vector<16xf32>,
        %max3A_246 = arith.maximumf %gather3A_245, %max3A_241 : vector<16xf32>
        tpu.vector_store_idx %arg23[%add3A_244], %max3A_246 : memref<8192xf32, #tpu.memory_space<vmem>>[vector<16xi32>], vector<16xf32>,
        tpu.vector_store_idx %arg24[%add3A_244], %max3A_241 {add = true} : memref<8192xf32, #tpu.memory_space<vmem>>[vector<16xi32>], vector<16xf32>,
        %mul3A_247 = arith.constant 128 : i32
        %mul3A_248 = arith.muli %scan3A_106, %mul3A_247 : i32
        %add3A_249 = arith.constant 96 : i32
        %add3A_250 = arith.addi %mul3A_248, %add3A_249 : i32
        %get3A_251 = arith.index_cast %add3A_250 : i32 to index
        %get3A_252 = tpu.vector_load %arg11[%get3A_251] {strides = array<i32>} : memref<10240xf32, #tpu.memory_space<vmem>>, vector<16xf32>,
        %get3A_253 = arith.index_cast %add3A_250 : i32 to index
        %get3A_254 = tpu.vector_load %arg13[%get3A_253] {strides = array<i32>} : memref<10240xf32, #tpu.memory_space<vmem>>, vector<16xf32>,
        %add3A_255 = arith.addf %get3A_252, %get3A_254 : vector<16xf32>
        %get3A_256 = arith.index_cast %add3A_250 : i32 to index
        %get3A_257 = tpu.vector_load %arg15[%get3A_256] {strides = array<i32>} : memref<10240xf32, #tpu.memory_space<vmem>>, vector<16xf32>,
        %add3A_258 = arith.addf %add3A_255, %get3A_257 : vector<16xf32>
        %mul3A_259 = arith.mulf %broadcast_in_dim3A, %add3A_258 : vector<16xf32>
        %add3A_260 = arith.addf %mul3A_259, %get3A_98 : vector<16xf32>
        %max3A_261 = arith.constant 0.000000e+00 : f32
        %max3A_262 = vector.broadcast %max3A_261 : f32 to vector<16xf32>
        %max3A_263 = arith.maximumf %add3A_260, %max3A_262 : vector<16xf32>
        %add3A_264 = arith.constant 96 : i32
        %add3A_265 = vector.broadcast %add3A_264 : i32 to vector<16xi32>
        %add3A_266 = arith.addi %add3A_116, %add3A_265 : vector<16xi32>
        %gather3A_267 = tpu.vector_load_idx %arg23[%add3A_266] : memref<8192xf32, #tpu.memory_space<vmem>>[vector<16xi32>], vector<16xf32>,
        %max3A_268 = arith.maximumf %gather3A_267, %max3A_263 : vector<16xf32>
        tpu.vector_store_idx %arg23[%add3A_266], %max3A_268 : memref<8192xf32, #tpu.memory_space<vmem>>[vector<16xi32>], vector<16xf32>,
        tpu.vector_store_idx %arg24[%add3A_266], %max3A_263 {add = true} : memref<8192xf32, #tpu.memory_space<vmem>>[vector<16xi32>], vector<16xf32>,
        %mul3A_269 = arith.constant 128 : i32
        %mul3A_270 = arith.muli %scan3A_106, %mul3A_269 : i32
        %add3A_271 = arith.constant 112 : i32
        %add3A_272 = arith.addi %mul3A_270, %add3A_271 : i32
        %get3A_273 = arith.index_cast %add3A_272 : i32 to index
        %get3A_274 = tpu.vector_load %arg11[%get3A_273] {strides = array<i32>} : memref<10240xf32, #tpu.memory_space<vmem>>, vector<16xf32>,
        %get3A_275 = arith.index_cast %add3A_272 : i32 to index
        %get3A_276 = tpu.vector_load %arg13[%get3A_275] {strides = array<i32>} : memref<10240xf32, #tpu.memory_space<vmem>>, vector<16xf32>,
        %add3A_277 = arith.addf %get3A_274, %get3A_276 : vector<16xf32>
        %get3A_278 = arith.index_cast %add3A_272 : i32 to index
        %get3A_279 = tpu.vector_load %arg15[%get3A_278] {strides = array<i32>} : memref<10240xf32, #tpu.memory_space<vmem>>, vector<16xf32>,
        %add3A_280 = arith.addf %add3A_277, %get3A_279 : vector<16xf32>
        %mul3A_281 = arith.mulf %broadcast_in_dim3A, %add3A_280 : vector<16xf32>
        %add3A_282 = arith.addf %mul3A_281, %get3A_100 : vector<16xf32>
        %max3A_283 = arith.constant 0.000000e+00 : f32
        %max3A_284 = vector.broadcast %max3A_283 : f32 to vector<16xf32>
        %max3A_285 = arith.maximumf %add3A_282, %max3A_284 : vector<16xf32>
        %add3A_286 = arith.constant 112 : i32
        %add3A_287 = vector.broadcast %add3A_286 : i32 to vector<16xi32>
        %add3A_288 = arith.addi %add3A_116, %add3A_287 : vector<16xi32>
        %gather3A_289 = tpu.vector_load_idx %arg23[%add3A_288] : memref<8192xf32, #tpu.memory_space<vmem>>[vector<16xi32>], vector<16xf32>,
        %max3A_290 = arith.maximumf %gather3A_289, %max3A_285 : vector<16xf32>
        tpu.vector_store_idx %arg23[%add3A_288], %max3A_290 : memref<8192xf32, #tpu.memory_space<vmem>>[vector<16xi32>], vector<16xf32>,
        tpu.vector_store_idx %arg24[%add3A_288], %max3A_285 {add = true} : memref<8192xf32, #tpu.memory_space<vmem>>[vector<16xi32>], vector<16xf32>,
      }
      %scan3A_105 = arith.constant 80 : i32
    } else {
    }
    "tpu.region"() ({
      %run_scoped3A = tpu.sem_alloc : memref<!tpu.dma_semaphore, #tpu.memory_space<semaphore_mem>>
      %dma_start3A = arith.constant 0 : i32
      %dma_start3A_86 = tpu.memref_slice %arg8[%add3A, %dma_start3A] : memref<32x8192xf32, #tpu.memory_space<hbm>> -> memref<1x8192xf32, #tpu.memory_space<hbm>>
      %dma_start3A_87 = tpu.memref_squeeze %dma_start3A_86 : memref<1x8192xf32, #tpu.memory_space<hbm>> -> memref<8192xf32, #tpu.memory_space<hbm>>
      %dma_start3A_88 = arith.constant 0 : i32
      %dma_start3A_89 = tpu.memref_slice %arg8[%add3A, %dma_start3A_88] : memref<32x8192xf32, #tpu.memory_space<hbm>> -> memref<1x8192xf32, #tpu.memory_space<hbm>>
      %dma_start3A_90 = tpu.memref_squeeze %dma_start3A_89 : memref<1x8192xf32, #tpu.memory_space<hbm>> -> memref<8192xf32, #tpu.memory_space<hbm>>
      tpu.enqueue_dma source(%arg23 : memref<8192xf32, #tpu.memory_space<vmem>>) target(%dma_start3A_90 : memref<8192xf32, #tpu.memory_space<hbm>>) target_semaphore(%run_scoped3A : memref<!tpu.dma_semaphore, #tpu.memory_space<semaphore_mem>>)
      %dma_wait3A = arith.constant 0 : i32
      %dma_wait3A_91 = tpu.memref_slice %arg8[%add3A, %dma_wait3A] : memref<32x8192xf32, #tpu.memory_space<hbm>> -> memref<1x8192xf32, #tpu.memory_space<hbm>>
      %dma_wait3A_92 = tpu.memref_squeeze %dma_wait3A_91 : memref<1x8192xf32, #tpu.memory_space<hbm>> -> memref<8192xf32, #tpu.memory_space<hbm>>
      %dma_wait3A_93 = arith.constant 0 : i32
      %dma_wait3A_94 = tpu.memref_slice %arg8[%add3A, %dma_wait3A_93] : memref<32x8192xf32, #tpu.memory_space<hbm>> -> memref<1x8192xf32, #tpu.memory_space<hbm>>
      %dma_wait3A_95 = tpu.memref_squeeze %dma_wait3A_94 : memref<1x8192xf32, #tpu.memory_space<hbm>> -> memref<8192xf32, #tpu.memory_space<hbm>>
      tpu.wait_dma2 semaphore(%run_scoped3A : memref<!tpu.dma_semaphore, #tpu.memory_space<semaphore_mem>>) src(%arg23 : memref<8192xf32, #tpu.memory_space<vmem>>) dst(%dma_wait3A_95 : memref<8192xf32, #tpu.memory_space<hbm>>)
      tpu.yield
    }) : () -> ()
    "tpu.region"() ({
      %run_scoped3A = tpu.sem_alloc : memref<!tpu.dma_semaphore, #tpu.memory_space<semaphore_mem>>
      %dma_start3A = arith.constant 0 : i32
      %dma_start3A_86 = tpu.memref_slice %arg9[%add3A, %dma_start3A] : memref<32x8192xf32, #tpu.memory_space<hbm>> -> memref<1x8192xf32, #tpu.memory_space<hbm>>
      %dma_start3A_87 = tpu.memref_squeeze %dma_start3A_86 : memref<1x8192xf32, #tpu.memory_space<hbm>> -> memref<8192xf32, #tpu.memory_space<hbm>>
      %dma_start3A_88 = arith.constant 0 : i32
      %dma_start3A_89 = tpu.memref_slice %arg9[%add3A, %dma_start3A_88] : memref<32x8192xf32, #tpu.memory_space<hbm>> -> memref<1x8192xf32, #tpu.memory_space<hbm>>
      %dma_start3A_90 = tpu.memref_squeeze %dma_start3A_89 : memref<1x8192xf32, #tpu.memory_space<hbm>> -> memref<8192xf32, #tpu.memory_space<hbm>>
      tpu.enqueue_dma source(%arg24 : memref<8192xf32, #tpu.memory_space<vmem>>) target(%dma_start3A_90 : memref<8192xf32, #tpu.memory_space<hbm>>) target_semaphore(%run_scoped3A : memref<!tpu.dma_semaphore, #tpu.memory_space<semaphore_mem>>)
      %dma_wait3A = arith.constant 0 : i32
      %dma_wait3A_91 = tpu.memref_slice %arg9[%add3A, %dma_wait3A] : memref<32x8192xf32, #tpu.memory_space<hbm>> -> memref<1x8192xf32, #tpu.memory_space<hbm>>
      %dma_wait3A_92 = tpu.memref_squeeze %dma_wait3A_91 : memref<1x8192xf32, #tpu.memory_space<hbm>> -> memref<8192xf32, #tpu.memory_space<hbm>>
      %dma_wait3A_93 = arith.constant 0 : i32
      %dma_wait3A_94 = tpu.memref_slice %arg9[%add3A, %dma_wait3A_93] : memref<32x8192xf32, #tpu.memory_space<hbm>> -> memref<1x8192xf32, #tpu.memory_space<hbm>>
      %dma_wait3A_95 = tpu.memref_squeeze %dma_wait3A_94 : memref<1x8192xf32, #tpu.memory_space<hbm>> -> memref<8192xf32, #tpu.memory_space<hbm>>
      tpu.wait_dma2 semaphore(%run_scoped3A : memref<!tpu.dma_semaphore, #tpu.memory_space<semaphore_mem>>) src(%arg24 : memref<8192xf32, #tpu.memory_space<vmem>>) dst(%dma_wait3A_95 : memref<8192xf32, #tpu.memory_space<hbm>>)
      tpu.yield
    }) : () -> ()
    return
  }
}

module attributes {stable_mosaic.version = 14 : i64} {
  func.func @_scale_body(%arg0: memref<10000x128xf32, #tpu.memory_space<vmem>>, %arg1: memref<128x128xf32, #tpu.memory_space<vmem>>, %arg2: memref<2x10000xf32, #tpu.memory_space<vmem>>, %arg3: memref<10000x128xf32, #tpu.memory_space<vmem>>, %arg4: memref<10000xf32, #tpu.memory_space<vmem>>) attributes {dimension_semantics = [], scalar_prefetch = 0 : i64, scratch_operands = 0 : i64, tpu.core_type = #tpu.core_type<tc>} {
    %get3A = arith.constant 0 : index
    %get3A_0 = arith.constant 0 : index
    %get3A_1 = vector.load %arg2[%get3A, %get3A_0] : memref<2x10000xf32, #tpu.memory_space<vmem>>, vector<1x10000xf32>
    %get3A_2 = vector.shape_cast %get3A_1 : vector<1x10000xf32> to vector<10000xf32>
    %add3A = arith.constant 1.000000e+00 : f32
    %add3A_3 = vector.broadcast %add3A : f32 to vector<10000xf32>
    %add3A_4 = arith.addf %add3A_3, %get3A_2 : vector<10000xf32>
    %get3A_5 = arith.constant 1 : index
    %get3A_6 = arith.constant 0 : index
    %get3A_7 = vector.load %arg2[%get3A_5, %get3A_6] : memref<2x10000xf32, #tpu.memory_space<vmem>>, vector<1x10000xf32>
    %get3A_8 = vector.shape_cast %get3A_7 : vector<1x10000xf32> to vector<10000xf32>
    %add3A_9 = arith.addf %add3A_4, %get3A_8 : vector<10000xf32>
    %rsqrt3A = math.rsqrt %add3A_9 : vector<10000xf32>
    %get3A_10 = arith.constant 0 : index
    %get3A_11 = arith.constant 0 : index
    %get3A_12 = vector.load %arg0[%get3A_10, %get3A_11] : memref<10000x128xf32, #tpu.memory_space<vmem>>, vector<10000x128xf32>
    %get3A_13 = arith.constant 0 : index
    %get3A_14 = arith.constant 0 : index
    %get3A_15 = vector.load %arg1[%get3A_13, %get3A_14] : memref<128x128xf32, #tpu.memory_space<vmem>>, vector<128x128xf32>
    %dot_general3A = arith.constant dense<0.000000e+00> : vector<10000x128xf32>
    %dot_general3A_16 = tpu.matmul %get3A_12, %get3A_15, %dot_general3A {dimension_numbers = #tpu.dot_dimension_numbers<[1], [0], [0], [1], [0, 0, 1, 1], [], []>, transpose_lhs_hint = false} : vector<10000x128xf32>, vector<128x128xf32>, vector<10000x128xf32> -> vector<10000x128xf32>
    %broadcast_in_dim3A = vector.shape_cast %rsqrt3A : vector<10000xf32> to vector<10000x1xf32>
    %mul3A = vector.broadcast %broadcast_in_dim3A : vector<10000x1xf32> to vector<10000x128xf32>
    %mul3A_17 = arith.mulf %dot_general3A_16, %mul3A : vector<10000x128xf32>
    %swap3A = arith.constant 0 : index
    %swap3A_18 = arith.constant 0 : index
    %swap3A_19 = vector.load %arg3[%swap3A, %swap3A_18] : memref<10000x128xf32, #tpu.memory_space<vmem>>, vector<10000x128xf32>
    tpu.vector_store %arg3[%swap3A, %swap3A_18], %mul3A_17 {strides = array<i32>} : memref<10000x128xf32, #tpu.memory_space<vmem>>, vector<10000x128xf32>,
    %swap3A_20 = arith.constant 0 : index
    %swap3A_21 = vector.load %arg4[%swap3A_20] : memref<10000xf32, #tpu.memory_space<vmem>>, vector<10000xf32>
    tpu.vector_store %arg4[%swap3A_20], %rsqrt3A {strides = array<i32>} : memref<10000xf32, #tpu.memory_space<vmem>>, vector<10000xf32>,
    return
  }
}

module attributes {stable_mosaic.version = 14 : i64} {
  func.func @_head_body(%arg0: memref<32x64x128xf32, #tpu.memory_space<vmem>>, %arg1: memref<32x64x128xf32, #tpu.memory_space<vmem>>, %arg2: memref<10000xi32, #tpu.memory_space<vmem>>, %arg3: memref<256x128xf32, #tpu.memory_space<vmem>>, %arg4: memref<128xf32, #tpu.memory_space<vmem>>, %arg5: memref<128x64xf32, #tpu.memory_space<vmem>>, %arg6: memref<64xf32, #tpu.memory_space<vmem>>, %arg7: memref<64x10xf32, #tpu.memory_space<vmem>>, %arg8: memref<10xf32, #tpu.memory_space<vmem>>, %arg9: memref<64x10xf32, #tpu.memory_space<vmem>>) attributes {dimension_semantics = [], scalar_prefetch = 0 : i64, scratch_operands = 0 : i64, tpu.core_type = #tpu.core_type<tc>} {
    %get3A = arith.constant 0 : index
    %get3A_0 = arith.constant 0 : index
    %get3A_1 = arith.constant 0 : index
    %get3A_2 = vector.load %arg0[%get3A, %get3A_0, %get3A_1] : memref<32x64x128xf32, #tpu.memory_space<vmem>>, vector<32x64x128xf32>
    %reduce_max3A = arith.constant dense<0xFF800000> : vector<64x128xf32>
    %reduce_max3A_3 = vector.multi_reduction <maximumf>, %get3A_2, %reduce_max3A [0] : vector<32x64x128xf32> to vector<64x128xf32>
    %get3A_4 = arith.constant 0 : index
    %get3A_5 = arith.constant 0 : index
    %get3A_6 = arith.constant 0 : index
    %get3A_7 = vector.load %arg1[%get3A_4, %get3A_5, %get3A_6] : memref<32x64x128xf32, #tpu.memory_space<vmem>>, vector<32x64x128xf32>
    %reduce_sum3A = arith.constant dense<0.000000e+00> : vector<64x128xf32>
    %reduce_sum3A_8 = vector.multi_reduction <add>, %get3A_7, %reduce_sum3A [0] : vector<32x64x128xf32> to vector<64x128xf32>
    %get3A_9 = arith.constant 0 : index
    %get3A_10 = vector.load %arg2[%get3A_9] : memref<10000xi32, #tpu.memory_space<vmem>>, vector<10000xi32>
    %broadcast_in_dim3A = vector.shape_cast %get3A_10 : vector<10000xi32> to vector<10000x1xi32>
    %iota3A = tpu.iota {dimensions = array<i32: 1>} : vector<1x64xi32>
    %eq3A = vector.broadcast %broadcast_in_dim3A : vector<10000x1xi32> to vector<10000x64xi32>
    %eq3A_11 = vector.broadcast %iota3A : vector<1x64xi32> to vector<10000x64xi32>
    %eq3A_12 = arith.cmpi eq, %eq3A, %eq3A_11 : vector<10000x64xi32>
    %convert_element_type3A = arith.extui %eq3A_12 : vector<10000x64xi1> to vector<10000x64xi32>
    %convert_element_type3A_13 = arith.sitofp %convert_element_type3A : vector<10000x64xi32> to vector<10000x64xf32>
    %reduce_sum3A_14 = arith.constant dense<0.000000e+00> : vector<64xf32>
    %reduce_sum3A_15 = vector.multi_reduction <add>, %convert_element_type3A_13, %reduce_sum3A_14 [0] : vector<10000x64xf32> to vector<64xf32>
    %max3A = arith.constant 1.000000e+00 : f32
    %max3A_16 = vector.broadcast %max3A : f32 to vector<64xf32>
    %max3A_17 = arith.maximumf %reduce_sum3A_15, %max3A_16 : vector<64xf32>
    %broadcast_in_dim3A_18 = vector.shape_cast %max3A_17 : vector<64xf32> to vector<64x1xf32>
    %div3A = vector.broadcast %broadcast_in_dim3A_18 : vector<64x1xf32> to vector<64x128xf32>
    %div3A_19 = arith.divf %reduce_sum3A_8, %div3A : vector<64x128xf32>
    %concatenate3A = tpu.concatenate %reduce_max3A_3, %div3A_19 in 1 : vector<64x128xf32>, vector<64x128xf32> -> vector<64x256xf32>
    %max3A_20 = arith.constant 0.000000e+00 : f32
    %max3A_21 = vector.broadcast %max3A_20 : f32 to vector<64x256xf32>
    %max3A_22 = arith.maximumf %concatenate3A, %max3A_21 : vector<64x256xf32>
    %get3A_23 = arith.constant 0 : index
    %get3A_24 = arith.constant 0 : index
    %get3A_25 = vector.load %arg3[%get3A_23, %get3A_24] : memref<256x128xf32, #tpu.memory_space<vmem>>, vector<256x128xf32>
    %dot_general3A = arith.constant dense<0.000000e+00> : vector<64x128xf32>
    %dot_general3A_26 = tpu.matmul %max3A_22, %get3A_25, %dot_general3A {dimension_numbers = #tpu.dot_dimension_numbers<[1], [0], [0], [1], [0, 0, 1, 1], [], []>, transpose_lhs_hint = false} : vector<64x256xf32>, vector<256x128xf32>, vector<64x128xf32> -> vector<64x128xf32>
    %get3A_27 = arith.constant 0 : index
    %get3A_28 = vector.load %arg4[%get3A_27] : memref<128xf32, #tpu.memory_space<vmem>>, vector<128xf32>
    %broadcast_in_dim3A_29 = vector.shape_cast %get3A_28 : vector<128xf32> to vector<1x128xf32>
    %add3A = vector.broadcast %broadcast_in_dim3A_29 : vector<1x128xf32> to vector<64x128xf32>
    %add3A_30 = arith.addf %dot_general3A_26, %add3A : vector<64x128xf32>
    %max3A_31 = arith.constant 0.000000e+00 : f32
    %max3A_32 = vector.broadcast %max3A_31 : f32 to vector<64x128xf32>
    %max3A_33 = arith.maximumf %add3A_30, %max3A_32 : vector<64x128xf32>
    %get3A_34 = arith.constant 0 : index
    %get3A_35 = arith.constant 0 : index
    %get3A_36 = vector.load %arg5[%get3A_34, %get3A_35] : memref<128x64xf32, #tpu.memory_space<vmem>>, vector<128x64xf32>
    %dot_general3A_37 = arith.constant dense<0.000000e+00> : vector<64x64xf32>
    %dot_general3A_38 = tpu.matmul %max3A_33, %get3A_36, %dot_general3A_37 {dimension_numbers = #tpu.dot_dimension_numbers<[1], [0], [0], [1], [0, 0, 1, 1], [], []>, transpose_lhs_hint = false} : vector<64x128xf32>, vector<128x64xf32>, vector<64x64xf32> -> vector<64x64xf32>
    %get3A_39 = arith.constant 0 : index
    %get3A_40 = vector.load %arg6[%get3A_39] : memref<64xf32, #tpu.memory_space<vmem>>, vector<64xf32>
    %broadcast_in_dim3A_41 = vector.shape_cast %get3A_40 : vector<64xf32> to vector<1x64xf32>
    %add3A_42 = vector.broadcast %broadcast_in_dim3A_41 : vector<1x64xf32> to vector<64x64xf32>
    %add3A_43 = arith.addf %dot_general3A_38, %add3A_42 : vector<64x64xf32>
    %max3A_44 = arith.constant 0.000000e+00 : f32
    %max3A_45 = vector.broadcast %max3A_44 : f32 to vector<64x64xf32>
    %max3A_46 = arith.maximumf %add3A_43, %max3A_45 : vector<64x64xf32>
    %get3A_47 = arith.constant 0 : index
    %get3A_48 = arith.constant 0 : index
    %get3A_49 = vector.load %arg7[%get3A_47, %get3A_48] : memref<64x10xf32, #tpu.memory_space<vmem>>, vector<64x10xf32>
    %dot_general3A_50 = arith.constant dense<0.000000e+00> : vector<64x10xf32>
    %dot_general3A_51 = tpu.matmul %max3A_46, %get3A_49, %dot_general3A_50 {dimension_numbers = #tpu.dot_dimension_numbers<[1], [0], [0], [1], [0, 0, 1, 1], [], []>, transpose_lhs_hint = false} : vector<64x64xf32>, vector<64x10xf32>, vector<64x10xf32> -> vector<64x10xf32>
    %get3A_52 = arith.constant 0 : index
    %get3A_53 = vector.load %arg8[%get3A_52] : memref<10xf32, #tpu.memory_space<vmem>>, vector<10xf32>
    %broadcast_in_dim3A_54 = vector.shape_cast %get3A_53 : vector<10xf32> to vector<1x10xf32>
    %add3A_55 = vector.broadcast %broadcast_in_dim3A_54 : vector<1x10xf32> to vector<64x10xf32>
    %add3A_56 = arith.addf %dot_general3A_51, %add3A_55 : vector<64x10xf32>
    %reduce_max3A_57 = arith.constant dense<0xFF800000> : vector<64xf32>
    %reduce_max3A_58 = vector.multi_reduction <maximumf>, %add3A_56, %reduce_max3A_57 [1] : vector<64x10xf32> to vector<64xf32>
    %broadcast_in_dim3A_59 = vector.shape_cast %reduce_max3A_58 : vector<64xf32> to vector<64x1xf32>
    %sub3A = vector.broadcast %broadcast_in_dim3A_59 : vector<64x1xf32> to vector<64x10xf32>
    %sub3A_60 = arith.subf %add3A_56, %sub3A : vector<64x10xf32>
    %exp3A = math.exp %sub3A_60 : vector<64x10xf32>
    %reduce_sum3A_61 = arith.constant dense<0.000000e+00> : vector<64xf32>
    %reduce_sum3A_62 = vector.multi_reduction <add>, %exp3A, %reduce_sum3A_61 [1] : vector<64x10xf32> to vector<64xf32>
    %broadcast_in_dim3A_63 = vector.shape_cast %reduce_sum3A_62 : vector<64xf32> to vector<64x1xf32>
    %log3A = math.log %broadcast_in_dim3A_63 : vector<64x1xf32>
    %sub3A_64 = vector.broadcast %log3A : vector<64x1xf32> to vector<64x10xf32>
    %sub3A_65 = arith.subf %sub3A_60, %sub3A_64 : vector<64x10xf32>
    %swap3A = arith.constant 0 : index
    %swap3A_66 = arith.constant 0 : index
    %swap3A_67 = vector.load %arg9[%swap3A, %swap3A_66] : memref<64x10xf32, #tpu.memory_space<vmem>>, vector<64x10xf32>
    tpu.vector_store %arg9[%swap3A, %swap3A_66], %sub3A_65 {strides = array<i32>} : memref<64x10xf32, #tpu.memory_space<vmem>>, vector<64x10xf32>,
    return
  }
}

</mosaic_0001>

<sc_bundles>
// kernel: kernel.10.cloned.1.call-start
scs
__scs_entry_jumppad:
0x0: {  	(pc) =	sbr.rel $0x88, $3  }
0x1: {  	(tag) =	ssettag $0x0;
	lr =	simm.s32 $0x1  }
0x2: {  	[smem:$0x3F96] =	sst lr;
	_ =	strace $0xD0000000  }
0x3: {  	_ = 	snop  }
0x4: {  	_ = 	snop  }
0x5: {  	_ = 	snop  }
0x6: {  	_ = 	snop  }
0x7: {  	_ = 	snop  }
__scs_overlays_trampoline_lowered:
0x8: {  	[smem:$0x3FA5] =	sst s0  }
0x9: {  	[smem:$0x3FA6] =	sst s1  }
0xa: {  	[smem:$0x3FA7] =	sst s2  }
0xb: {  	[smem:$0x3FA8] =	sst s3  }
0xc: {  	[smem:$0x3FA9] =	sst s4  }
0xd: {  	[smem:$0x3FAA] =	sst s5  }
0xe: {  	[smem:$0x3FAB] =	sst s6  }
0xf: {  	[smem:$0x3FAC] =	sst s7  }
0x10: {  	[smem:$0x3FAD] =	sst s8  }
0x11: {  	[smem:$0x3FAE] =	sst s9;
	s0 =	simm.s32 @!p0 $0x0  }
0x12: {  	s1 =	sld [smem:$0x3F94];
	s0 =	simm.s32 @p0 $0x1  }
0x13: {  	[smem:$0x3FAF] =	sst s0;
	s0 =	simm.s32 @!p1 $0x0  }
0x14: {  	s2 =	sld [smem:$0x3F93];
	s0 =	simm.s32 @p1 $0x1  }
0x15: {  	[smem:$0x3FB0] =	sst s0;
	s0 =	simm.s32 @!p2 $0x0  }
0x16: {  	s3 =	sld [smem:$0x3FDB];
	s0 =	simm.s32 @p2 $0x1  }
0x17: {  	s4 =	simm.s32 $0x1BF5;
	[smem:$0x3FB2] =	sst s0  }
0x18: {  	s0 =	sld [smem:$0x3F95];
	_ =	swait.ge [sflag:s4], $0x0  }
0x19: {  	s7 =	sld [smem:$0x3F96]  }
0x1a: {  	s8 =	sadd.s32 $0xFFFFE003, lr  }
0x1b: {  	s9 =	sadd.s32 $0xFFFFFEF7, lr;
	s5 =	simm.s32 $0xFFFFFFFF;
	p2 =	slt.u32 s8, $0xFFFFF086  }
0x1c: {  	p1 =	slt.u32 s9, $0xF7A;
	s5 =	simm.s32 @!p2 $0x0  }
0x1d: {  	s5 =	simm.s32 @p1 $0x1;
	p0 =	seq.s32 s7, s2  }
0x1e: {  	s7 =	smul.u32 @!p0 $0xF7A, s2;
	p2 =	seq.s32 @!p0 s5, $0x0  }
0x1f: {  	s9 =	smul.u32 $0xF7A, s1;
	s8 =	simm.s32 @!p0 $0x1BF5;
	p2 =	por !p2, p0  }
0x20: {  	[sflag:s8] =	ssyncset.s32 @!p0 $0xFFFFF086;
	s6 =	sadd.s32 @!p0 s3, s7;
	s7 =	simm.s32 @!p0 $0x108  }
0x21: {  	s3 =	sadd.s32 s3, s9;
	s6 =	sadd.s32 @!p0 $0x88, s6;
	s7 =	simm.s32 @p2 $0x1082  }
0x22: {  	[simem:s7], [sflag:s8] =	dma.local @!p0 [hbm:s6], $0xF7A  }
0x23: {  	s9 =	sor.u32 $0xD0000000, s2;
	s6 =	simm.s32 $0x108;
	_ =	swait.ge @!p0 [sflag:s8], $0x0  }
0x24: {  	s3 =	sadd.s32 $0x88, s3;
	s6 =	simm.s32 @!p1 $0x1082;
	[sflag:s4] =	ssyncset.s32 $0xFFFFF086  }
0x25: {  	[simem:s6], [sflag:s4] =	dma.local [hbm:s3], $0xF7A  }
0x26: {  	[smem:$0x3F96] =	sst s1;
	(tag) =	ssettag s2;
	_ =	strace s9  }
0x27: {  	s1 =	sld [smem:$0x3FA6]  }
0x28: {  	s2 =	sld [smem:$0x3FA7]  }
0x29: {  	s4 =	sld [smem:$0x3FA9]  }
0x2a: {  	p0 =	seq.s32 s5, $0x0;
	s5 =	sld [smem:$0x3FAA]  }
0x2b: {  	s6 =	sld [smem:$0x3FAB]  }
0x2c: {  	s7 =	sld [smem:$0x3FAC]  }
0x2d: {  	s3 =	simm.s32 $0x108;
	s8 =	sld [smem:$0x3FAD]  }
0x2e: {  	s3 =	simm.s32 @!p0 $0x1082;
	s9 =	sld [smem:$0x3FAE]  }
0x2f: {  	lr =	sadd.s32 s0, s3;
	s0 =	sld [smem:$0x3FA5]  }
0x30: {  	s3 =	sld [smem:$0x3FA8]  }
0x31: {  	[smem:$0x3FB1] =	sst s10  }
0x32: {  	s10 =	sld [smem:$0x3FAF];
	_ =	sdelay $0x3  }
0x33: {  	p0 =	seq.s32 s10, $0x1;
	s10 =	sld [smem:$0x3FB1];
	_ =	sdelay $0x3  }
0x34: {  	[smem:$0x3FB1] =	sst s10  }
0x35: {  	s10 =	sld [smem:$0x3FB0];
	_ =	sdelay $0x3  }
0x36: {  	p1 =	seq.s32 s10, $0x1;
	s10 =	sld [smem:$0x3FB1];
	_ =	sdelay $0x3  }
0x37: {  	[smem:$0x3FB1] =	sst s10  }
0x38: {  	s10 =	sld [smem:$0x3FB2]  }
0x39: {  	_ = 	snop;
	(pc) =	sbr.ind lr, $3  }
0x3a: {  	_ = 	snop  }
0x3b: {  	_ = 	snop  }
0x3c: {  	p2 =	seq.s32 s10, $0x1;
	s10 =	sld [smem:$0x3FB1]  }
0x3d: {  	_ =	shalt  }
0x3e: {  	_ =	shalt  }
0x3f: {  	_ =	shalt  }
0x40: {  	_ =	shalt  }
0x41: {  	_ =	shalt  }
0x42: {  	_ =	shalt  }
0x43: {  	_ =	shalt  }
0x44: {  	_ =	shalt  }
0x45: {  	_ =	shalt  }
0x46: {  	_ =	shalt  }
0x47: {  	_ =	shalt  }
0x48: {  	_ =	shalt  }
0x49: {  	_ =	shalt  }
0x4a: {  	_ =	shalt  }
0x4b: {  	_ =	shalt  }
0x4c: {  	_ =	shalt  }
0x4d: {  	_ =	shalt  }
0x4e: {  	_ =	shalt  }
0x4f: {  	_ =	shalt  }
0x50: {  	_ =	shalt  }
0x51: {  	_ =	shalt  }
0x52: {  	_ =	shalt  }
0x53: {  	_ =	shalt  }
0x54: {  	_ =	shalt  }
0x55: {  	_ =	shalt  }
0x56: {  	_ =	shalt  }
0x57: {  	_ =	shalt  }
0x58: {  	_ =	shalt  }
0x59: {  	_ =	shalt  }
0x5a: {  	_ =	shalt  }
0x5b: {  	_ =	shalt  }
0x5c: {  	_ =	shalt  }
0x5d: {  	_ =	shalt  }
0x5e: {  	_ =	shalt  }
0x5f: {  	_ =	shalt  }
0x60: {  	_ =	shalt  }
0x61: {  	_ =	shalt  }
0x62: {  	_ =	shalt  }
0x63: {  	_ =	shalt  }
0x64: {  	_ =	shalt  }
0x65: {  	_ =	shalt  }
0x66: {  	_ =	shalt  }
0x67: {  	_ =	shalt  }
0x68: {  	_ =	shalt  }
0x69: {  	_ =	shalt  }
0x6a: {  	_ =	shalt  }
0x6b: {  	_ =	shalt  }
0x6c: {  	_ =	shalt  }
0x6d: {  	_ =	shalt  }
0x6e: {  	_ =	shalt  }
0x6f: {  	_ =	shalt  }
0x70: {  	_ =	shalt  }
0x71: {  	_ =	shalt  }
0x72: {  	_ =	shalt  }
0x73: {  	_ =	shalt  }
0x74: {  	_ =	shalt  }
0x75: {  	_ =	shalt  }
0x76: {  	_ =	shalt  }
0x77: {  	_ =	shalt  }
0x78: {  	_ =	shalt  }
0x79: {  	_ =	shalt  }
0x7a: {  	_ =	shalt  }
0x7b: {  	_ =	shalt  }
0x7c: {  	_ =	shalt  }
0x7d: {  	_ =	shalt  }
0x7e: {  	_ =	shalt  }
0x7f: {  	_ =	shalt  }
0x80: {  	_ =	shalt  }
0x81: {  	_ =	shalt  }
0x82: {  	_ =	shalt  }
0x83: {  	_ =	shalt  }
0x84: {  	_ =	shalt  }
0x85: {  	_ =	shalt  }
0x86: {  	_ =	shalt  }
0x87: {  	_ =	shalt  }
.Lfunc_end0:
.L_simem_size_0:
called_computation.1_lowered:
.L_overlay_start_0:
0x88: {  	s2 =	sld [smem:$0x3FD9]  }
0x89: {  	s3 =	sld [smem:$0x3FFE];
	_ =	sdelay $0x1  }
0x8a: {  	s1 =	srdreg.scid  }
0x8b: {  	s0 =	sand.u32 $0x1, s1  }
0x8c: {  	s16 =	sshll.u32 s0, $0xA;
	s2 =	sadd.s32 s3, s2  }
0x8d: {  	s2 =	sadd.s32 s2, s16  }
0x8e: {  	[smem:$0x3FBD] =	sst s2  }
0x8f: {  	_ = 	snop  }
0x90: {  	(tm) =	ssettm $0x1  }
0x91: {  	s17 =	sld [smem:$0x3FFB];
	_ =	sdelay $0x3  }
0x92: {  	_ =	strace s17  }
0x93: {  	s2 =	sld [smem:$0x3FFC];
	_ =	sdelay $0x3  }
0x94: {  	_ =	strace s2  }
0x95: {  	s2 =	sld [smem:$0x3FFD];
	_ =	sdelay $0x3  }
0x96: {  	_ =	strace s2  }
0x97: {  	_ =	strace $0x8FFFFFFF  }
0x98: {  	s18 =	sld [smem:$0x3FDB];
	_ =	sdelay $0x1  }
0x99: {  	s19 =	simm.s32 $_scs_section_size  }
0x9a: {  	s4 =	simm.s32 $_size__tile_overlayer_lowered;
	s5 =	simm.s32 $_tile_overlayer_lowered  }
0x9b: {  	s22 =	simm.s32 $0x1BFF;
	s21 =	sshll.u32 s5, $0x1;
	s2 =	sadd.s32 s19, s18  }
0x9c: {  	s6 =	simm.s32 $0x0;
	s20 =	sshll.u32 s4, $0x1;
	s4 =	sadd.s32 s21, s2  }
0x9d: {  	[timem:s6], [sflag:s22] =	dma.local [hbm:s4], s20  }
0x9e: {  	_ =	swait.ge [sflag:s22], s20  }
0x9f: {  	s3 =	ssub.s32 $0x0, s20;
	[sflag:s22] =	ssyncset.done $0x0  }
0xa0: {  	[sflag:s22] =	ssyncadd.s32 s3;
	_ =	sdelay $0x1  }
0xa1: {  	s23 =	simm.s32 $0x1B8B  }
0xa2: {  	_ =	swait.ge [sflag:s23], $0x1  }
0xa3: {  	[sflag:s23] =	ssyncset.done $0x0  }
0xa4: {  	s25 =	simm.s32 $0x1B8E;
	s24 =	sld [smem:$0x3FFE];
	[sflag:s23] =	ssyncadd.s32 $0xFFFFFFFF  }
0xa5: {  	s26 =	simm.s32 $execute0_lowered;
	[smem:$0x3FD2] =	sst s25  }
0xa6: {  	s4 =	sshll.u32 s26, $0x1;
	_ =	strace $0x80000049;
	[dreg:$0x1] =	wrdreg $0xFFFFFFFF  }
0xa7: {  	s28 =	simm.s32 $_size_execute0_lowered;
	s2 =	sadd.s32 s2, s4;
	[dreg:$0x0] =	wrdreg $0x0  }
0xa8: {  	s4 =	sshll.u32 s28, $0x1;
	[dreg:$0x2] =	wrdreg s2  }
0xa9: {  	[dreg:$0x3] =	wrdreg s4  }
0xaa: {  	[dreg:$0x4] =	wrdreg $0xC0  }
0xab: {  	_ =	task [dreg:s6], $0x5FFFF  }
0xac: {  	[dreg:$0x1] =	wrdreg $0xFFFFFFFF  }
0xad: {  	[dreg:$0x0] =	wrdreg $0x60  }
0xae: {  	[dreg:$0x2] =	wrdreg s24  }
0xaf: {  	[dreg:$0x3] =	wrdreg $0x9F000  }
0xb0: {  	[dreg:$0x4] =	wrdreg $0x9  }
0xb1: {  	_ =	task.clear_ibuf [dreg:s6], $0x5FFFF;
	_ =	strace $0x90000049  }
0xb2: {  	s29 =	simm.s32 $0x9;
	_ =	strace $0x8000004B  }
0xb3: {  	_ =	swait.ge [sflag:s29], $0x1  }
0xb4: {  	[sflag:s29] =	ssyncadd.s32 $0xFFFFFFFF  }
0xb5: {  	_ =	strace $0x9000004B  }
0xb6: {  	_ =	sfence  }
0xb7: {  	s30 =	sld [smem:$0x0];
	_ =	sdelay $0x2  }
0xb8: {  	s31 =	sshll.u32 s1, $0xD;
	s1 =	sshrl.u32 s1, $0x2  }
0xb9: {  	s3 =	sand.u32 $0x4000, s31;
	s1 =	sadd.s32 s1, s30  }
0xba: {  	s0 =	sor.u32 s3, s0;
	s1 =	sshll.u32 s1, $0x11  }
0xbb: {  	s0 =	sor.u32 s1, s0  }
0xbc: {  	s0 =	sadd.s32 $0x8F2B, s0  }
0xbd: {  	[sflag:s0] =	ssyncadd.remote.s32 $0x1  }
0xbe: {  	_ =	sfence.sel $0xFFFF  }
0xbf: {  	[dreg:$0x0] =	wrdreg $0xFFFFFFFF;
	(pc) =	sbr.abs _section_cstart, $3  }
0xc0: {  	[dreg:$0x1] =	wrdreg $0xFFFFFFFF  }
0xc1: {  	_ =	task.clear_ibuf [dreg:s6], $0x2FFFF;
	_ =	strace $0x9FFFFFFF  }
0xc2: {  	(tm) =	ssettm $0x7FFFFFFF  }
0xc3: {  	_ =	shalt  }
tec
execute0_lowered:
.L_overlay_start_1:
0x0: {  	(tag) =	ssettag $0x1  }
0x1: {  	s0 =	srdreg.scid;
	s5 =	rddreg [dreg:$0x0]  }
0x2: {  	s10 =	stileid.u32;
	s2 =	rddreg [dreg:$0x1]  }
0x3: {  	s3 =	simm.s32 $0x0;
	s12 =	simm.s32 $0x9;
	s14 =	simm.s32 $0x28  }
0x4: {  	s15 =	simm.s32 $0x4F00;
	s16 =	simm.s32 $0x6300;
	s18 =	simm.s32 $0x7700  }
0x5: {  	s20 =	simm.s32 $0x8B00;
	s21 =	simm.s32 $0x1;
	s22 =	simm.s32 $0x5  }
0x6: {  	s28 =	simm.s32 $0x4;
	s29 =	simm.s32 $0x8;
	s17 =	simm.s32 $0x4E18  }
0x7: {  	s19 =	simm.s32 $0x4E40;
	s30 =	simm.s32 $0x4E68;
	s31 =	simm.s32 $0x0  }
0x8: {  	s0 =	sand.u32 $0x1, s0;
	s6 =	smul.u32 $0x13800, s10;
	[smem:$0x7FF] =	sst s3  }
0x9: {  	s4 =	sadd.s32 $0x16600, s5;
	s23 =	smul.u32 $0x4E000, s10;
	s26 =	sshll.u32 s10, $0x6  }
0xa: {  	s1 =	sshll.u32 s0, $0x4;
	s7 =	smul.u32 $0x138800, s0;
	_ =	strace $0x8000004A  }
0xb: {  	s0 =	ssub.s32 $0x2, s0;
	s1 =	sor.u32 s10, s1;
	s8 =	sshrl.u32 s6, $0x3  }
0xc: {  	s24 =	sshrl.u32 s0, $0x1;
	s25 =	sshrl.u32 s23, $0x2;
	s23 =	simm.s32 $0x2  }
0xd: {  	s1 =	smul.u32 $0x4E2, s1;
	s6 =	sadd.s32 s6, s7;
	s8 =	sadd.s32 s8, s5  }
0xe: {  	s0 =	ssub.s32 s0, s24;
	s11 =	sadd.s32 s25, s2;
	s24 =	simm.s32 $0x6  }
0xf: {  	s25 =	simm.s32 $0x3;
	s6 =	sshrl.u32 s6, $0x3;
	s10 =	smax.u32 s0, $0x1  }
0x10: {  	s11 =	sshrl.u32 s11, $0x3;
	s1 =	sadd.s32 s1, s5;
	s9 =	sadd.s32 s6, s5  }
0x11: {  	s5 =	sadd.s32 $0x3DE00, s8;
	s6 =	sor.u32 $0x1C09, s26;
	s26 =	simm.s32 $0x7  }
0x12: {  	s7 =	sadd.s32 $0x2A00, s1;
	s8 =	sadd.s32 $0xC800, s1;
	s9 =	sadd.s32 $0x65000, s9  }
.LBB2_1:
0x13: {  	[spmem:s11], [sflag:s6] =	dma.local [hbm:s5], $0x2800  }
0x14: {  	_ =	swait.ge [sflag:s12], $0x2800  }
0x15: {  	[sflag:s12] =	ssyncset.done $0x0  }
0x16: {  	[sflag:s12] =	ssyncadd.s32 $0xFFFFD800  }
0x17: {  	[tilespmem:s3], [sflag:$0x9] =	stream.linear.gather [hbm4b:s7+s3], $0x2710, $0x38;
	[tilespmem:$0x1D780] =	vst v63  }
0x18: {  	_ =	swait.ge [sflag:s12], $0x2710  }
0x19: {  	[sflag:s12] =	ssyncset.done $0x0  }
0x1a: {  	s0 =	simm.s32 $0x2780;
	[sflag:s12] =	ssyncadd.s32 $0xFFFFD8F0  }
0x1b: {  	[tilespmem:s0], [sflag:$0x9] =	stream.linear.gather [hbm4b:s8+s3], $0x2710, $0x38;
	[tilespmem:$0x1D780] =	vst v63  }
0x1c: {  	_ =	swait.ge [sflag:s12], $0x2710  }
0x1d: {  	[sflag:s12] =	ssyncset.done $0x0  }
0x1e: {  	[sflag:s12] =	ssyncadd.s32 $0xFFFFD8F0  }
0x1f: {  	[bflag:$0x0] =	sbarrier.arrive $0xFFFF  }
0x20: {  	[tilespmem:s15], [sflag:$0x1] =	stream.indirect.gather [hbm4b:s4+s14], $0x80, s3, s14, $0xb8;
	[tilespmem:$0x1D780] =	vst v63  }
0x21: {  	_ = 	snop  }
0x22: {  	[tilespmem:s16], [sflag:$0x2] =	stream.indirect.gather [hbm4b:s4+s14], $0x80, s14, s14, $0xb8;
	[tilespmem:$0x1D780] =	vst v63  }
0x23: {  	s13 =	simm.s32 $0x50  }
0x24: {  	[tilespmem:s18], [sflag:$0x3] =	stream.indirect.gather [hbm4b:s4+s14], $0x80, s13, s14, $0xb8;
	[tilespmem:$0x1D780] =	vst v63  }
0x25: {  	s1 =	simm.s32 $0x78  }
0x26: {  	[tilespmem:s20], [sflag:$0x4] =	stream.indirect.gather [hbm4b:s4+s14], $0x80, s1, s14, $0xb8;
	[tilespmem:$0x1D780] =	vst v63  }
0x27: {  	_ =	swait.ge [sflag:s21], $0x1400  }
0x28: {  	[sflag:s21] =	ssyncset.done $0x0  }
0x29: {  	s13 =	simm.s32 $0x2780;
	[sflag:s21] =	ssyncadd.s32 $0xFFFFEC00  }
0x2a: {  	[spmem:s2] =	stream.indirect.scatter.add.f32 [tilespmem:s15], [sflag:$0x5], $0x80, s13, s14, $0xb8;
	[tilespmem:$0x1D780] =	vst v63  }
0x2b: {  	_ =	swait.ge [sflag:s22], $0x1400  }
0x2c: {  	[sflag:s22] =	ssyncset.done $0x0  }
0x2d: {  	s1 =	simm.s32 $0xA0;
	[sflag:s22] =	ssyncadd.s32 $0xFFFFEC00  }
0x2e: {  	[tilespmem:s15], [sflag:$0x1] =	stream.indirect.gather [hbm4b:s4+s14], $0x80, s1, s14, $0xb8;
	[tilespmem:$0x1D780] =	vst v63  }
0x2f: {  	_ =	swait.ge [sflag:s23], $0x1400  }
0x30: {  	[sflag:s23] =	ssyncset.done $0x0  }
0x31: {  	s13 =	simm.s32 $0x27A8;
	[sflag:s23] =	ssyncadd.s32 $0xFFFFEC00  }
0x32: {  	[spmem:s2] =	stream.indirect.scatter.add.f32 [tilespmem:s16], [sflag:$0x6], $0x80, s13, s14, $0xb8;
	[tilespmem:$0x1D780] =	vst v63  }
0x33: {  	_ =	swait.ge [sflag:s24], $0x1400  }
0x34: {  	[sflag:s24] =	ssyncset.done $0x0  }
0x35: {  	s1 =	simm.s32 $0xC8;
	[sflag:s24] =	ssyncadd.s32 $0xFFFFEC00  }
0x36: {  	[tilespmem:s16], [sflag:$0x2] =	stream.indirect.gather [hbm4b:s4+s14], $0x80, s1, s14, $0xb8;
	[tilespmem:$0x1D780] =	vst v63  }
0x37: {  	_ =	swait.ge [sflag:s25], $0x1400  }
0x38: {  	[sflag:s25] =	ssyncset.done $0x0  }
0x39: {  	s13 =	simm.s32 $0x27D0;
	[sflag:s25] =	ssyncadd.s32 $0xFFFFEC00  }
0x3a: {  	[spmem:s2] =	stream.indirect.scatter.add.f32 [tilespmem:s18], [sflag:$0x7], $0x80, s13, s14, $0xb8;
	[tilespmem:$0x1D780] =	vst v63  }
0x3b: {  	_ =	swait.ge [sflag:s26], $0x1400  }
0x3c: {  	[sflag:s26] =	ssyncset.done $0x0  }
0x3d: {  	s1 =	simm.s32 $0xF0;
	[sflag:s26] =	ssyncadd.s32 $0xFFFFEC00  }
0x3e: {  	[tilespmem:s18], [sflag:$0x3] =	stream.indirect.gather [hbm4b:s4+s14], $0x80, s1, s14, $0xb8;
	[tilespmem:$0x1D780] =	vst v63  }
0x3f: {  	_ =	swait.ge [sflag:s28], $0x1400  }
0x40: {  	[sflag:s28] =	ssyncset.done $0x0  }
0x41: {  	s13 =	simm.s32 $0x27F8;
	[sflag:s28] =	ssyncadd.s32 $0xFFFFEC00  }
0x42: {  	[spmem:s2] =	stream.indirect.scatter.add.f32 [tilespmem:s20], [sflag:$0x8], $0x80, s13, s14, $0xb8;
	[tilespmem:$0x1D780] =	vst v63  }
0x43: {  	_ =	swait.ge [sflag:s29], $0x1400  }
0x44: {  	[sflag:s29] =	ssyncset.done $0x0  }
0x45: {  	s0 =	simm.s32 $0x118;
	s1 =	simm.s32 $0x280;
	[sflag:s29] =	ssyncadd.s32 $0xFFFFEC00  }
.LBB2_2:
0x46: {  	[tilespmem:s20], [sflag:$0x4] =	stream.indirect.gather [hbm4b:s4+s14], $0x80, s0, s14, $0xb8;
	[tilespmem:$0x1D780] =	vst v63  }
0x47: {  	s0 =	smov.u32 s1  }
0x48: {  	p0 =	sne.s32 s1, $0x9600;
	s1 =	sadd.s32 $0x280, s1;
	_ =	swait.ge [sflag:s21], $0x1400  }
0x49: {  	s0 =	sshra.s32 s0, $0x2;
	[sflag:s21] =	ssyncset.done $0x0  }
0x4a: {  	s13 =	sadd.s32 $0x2780, s0;
	[sflag:s21] =	ssyncadd.s32 $0xFFFFEC00  }
0x4b: {  	[spmem:s2] =	stream.indirect.scatter.add.f32 [tilespmem:s15], [sflag:$0x5], $0x80, s13, s14, $0xb8;
	[tilespmem:$0x1D780] =	vst v63  }
0x4c: {  	_ =	swait.ge [sflag:s22], $0x1400  }
0x4d: {  	[sflag:s22] =	ssyncset.done $0x0  }
0x4e: {  	s13 =	sadd.s32 $0xA0, s0;
	[sflag:s22] =	ssyncadd.s32 $0xFFFFEC00  }
0x4f: {  	[tilespmem:s15], [sflag:$0x1] =	stream.indirect.gather [hbm4b:s4+s14], $0x80, s13, s14, $0xb8;
	[tilespmem:$0x1D780] =	vst v63  }
0x50: {  	_ =	swait.ge [sflag:s23], $0x1400  }
0x51: {  	[sflag:s23] =	ssyncset.done $0x0  }
0x52: {  	s13 =	sadd.s32 $0x27A8, s0;
	[sflag:s23] =	ssyncadd.s32 $0xFFFFEC00  }
0x53: {  	[spmem:s2] =	stream.indirect.scatter.add.f32 [tilespmem:s16], [sflag:$0x6], $0x80, s13, s14, $0xb8;
	[tilespmem:$0x1D780] =	vst v63  }
0x54: {  	_ =	swait.ge [sflag:s24], $0x1400  }
0x55: {  	[sflag:s24] =	ssyncset.done $0x0  }
0x56: {  	s13 =	sadd.s32 $0xC8, s0;
	[sflag:s24] =	ssyncadd.s32 $0xFFFFEC00  }
0x57: {  	[tilespmem:s16], [sflag:$0x2] =	stream.indirect.gather [hbm4b:s4+s14], $0x80, s13, s14, $0xb8;
	[tilespmem:$0x1D780] =	vst v63  }
0x58: {  	_ =	swait.ge [sflag:s25], $0x1400  }
0x59: {  	[sflag:s25] =	ssyncset.done $0x0  }
0x5a: {  	s13 =	sadd.s32 $0x27D0, s0;
	[sflag:s25] =	ssyncadd.s32 $0xFFFFEC00  }
0x5b: {  	[spmem:s2] =	stream.indirect.scatter.add.f32 [tilespmem:s18], [sflag:$0x7], $0x80, s13, s14, $0xb8;
	[tilespmem:$0x1D780] =	vst v63  }
0x5c: {  	_ =	swait.ge [sflag:s26], $0x1400  }
0x5d: {  	[sflag:s26] =	ssyncset.done $0x0  }
0x5e: {  	s13 =	sadd.s32 $0xF0, s0;
	[sflag:s26] =	ssyncadd.s32 $0xFFFFEC00  }
0x5f: {  	[tilespmem:s18], [sflag:$0x3] =	stream.indirect.gather [hbm4b:s4+s14], $0x80, s13, s14, $0xb8;
	[tilespmem:$0x1D780] =	vst v63  }
0x60: {  	_ =	swait.ge [sflag:s28], $0x1400  }
0x61: {  	[sflag:s28] =	ssyncset.done $0x0  }
.Ltmp0:
0x62: {  	s13 =	sadd.s32 $0x27F8, s0;
	[sflag:s28] =	ssyncadd.s32 $0xFFFFEC00;
	(pc) =	sbr.rel @p0 .LBB2_2-.Ltmp0, $4  }
0x63: {  	[spmem:s2] =	stream.indirect.scatter.add.f32 [tilespmem:s20], [sflag:$0x8], $0x80, s13, s14, $0xb8;
	[tilespmem:$0x1D780] =	vst v63  }
0x64: {  	_ =	swait.ge [sflag:s29], $0x1400  }
0x65: {  	[sflag:s29] =	ssyncset.done $0x0  }
0x66: {  	s0 =	sadd.s32 $0x118, s0;
	[sflag:s29] =	ssyncadd.s32 $0xFFFFEC00  }
0x67: {  	[tilespmem:s20], [sflag:$0x4] =	stream.indirect.gather [hbm4b:s4+s14], $0x80, s0, s14, $0xb8;
	[tilespmem:$0x1D780] =	vst v63  }
0x68: {  	_ =	swait.ge [sflag:s21], $0x1400  }
0x69: {  	[sflag:s21] =	ssyncset.done $0x0  }
0x6a: {  	s13 =	simm.s32 $0x4DA0;
	[sflag:s21] =	ssyncadd.s32 $0xFFFFEC00  }
0x6b: {  	[spmem:s2] =	stream.indirect.scatter.add.f32 [tilespmem:s15], [sflag:$0x5], $0x80, s13, s14, $0xb8;
	[tilespmem:$0x1D780] =	vst v63  }
0x6c: {  	_ =	swait.ge [sflag:s22], $0x1400  }
0x6d: {  	[sflag:s22] =	ssyncset.done $0x0  }
0x6e: {  	s1 =	simm.s32 $0x26C0;
	[sflag:s22] =	ssyncadd.s32 $0xFFFFEC00  }
0x6f: {  	[tilespmem:s15], [sflag:$0x1] =	stream.indirect.gather [hbm4b:s4+s14], $0x80, s1, s14, $0xb8;
	[tilespmem:$0x1D780] =	vst v63  }
0x70: {  	_ =	swait.ge [sflag:s23], $0x1400  }
0x71: {  	[sflag:s23] =	ssyncset.done $0x0  }
0x72: {  	s13 =	simm.s32 $0x4DC8;
	[sflag:s23] =	ssyncadd.s32 $0xFFFFEC00  }
0x73: {  	[spmem:s2] =	stream.indirect.scatter.add.f32 [tilespmem:s16], [sflag:$0x6], $0x80, s13, s14, $0xb8;
	[tilespmem:$0x1D780] =	vst v63  }
0x74: {  	_ =	swait.ge [sflag:s24], $0x1400  }
0x75: {  	[sflag:s24] =	ssyncset.done $0x0  }
0x76: {  	s1 =	simm.s32 $0x26E8;
	[sflag:s24] =	ssyncadd.s32 $0xFFFFEC00  }
0x77: {  	[tilespmem:s16], [sflag:$0x2] =	stream.indirect.gather [hbm4b:s4+s14], $0x80, s1, s14, $0xb8;
	[tilespmem:$0x1D780] =	vst v63  }
0x78: {  	_ =	swait.ge [sflag:s25], $0x1400  }
0x79: {  	[sflag:s25] =	ssyncset.done $0x0  }
0x7a: {  	s13 =	simm.s32 $0x4DF0;
	[sflag:s25] =	ssyncadd.s32 $0xFFFFEC00  }
0x7b: {  	[spmem:s2] =	stream.indirect.scatter.add.f32 [tilespmem:s18], [sflag:$0x7], $0x80, s13, s14, $0xb8;
	[tilespmem:$0x1D780] =	vst v63  }
0x7c: {  	_ =	swait.ge [sflag:s26], $0x1400  }
0x7d: {  	[sflag:s26] =	ssyncset.done $0x0  }
0x7e: {  	[sflag:s26] =	ssyncadd.s32 $0xFFFFEC00  }
0x7f: {  	_ =	swait.ge [sflag:s28], $0x1400  }
0x80: {  	[sflag:s28] =	ssyncset.done $0x0  }
0x81: {  	[sflag:s28] =	ssyncadd.s32 $0xFFFFEC00  }
0x82: {  	[spmem:s2] =	stream.indirect.scatter.add.f32 [tilespmem:s20], [sflag:$0x8], $0x80, s17, s14, $0xb8;
	[tilespmem:$0x1D780] =	vst v63  }
0x83: {  	_ =	swait.ge [sflag:s29], $0x1400  }
0x84: {  	[sflag:s29] =	ssyncset.done $0x0  }
0x85: {  	[sflag:s29] =	ssyncadd.s32 $0xFFFFEC00  }
0x86: {  	_ =	swait.ge [sflag:s21], $0x1400  }
0x87: {  	[sflag:s21] =	ssyncset.done $0x0  }
0x88: {  	[sflag:s21] =	ssyncadd.s32 $0xFFFFEC00  }
0x89: {  	[spmem:s2] =	stream.indirect.scatter.add.f32 [tilespmem:s15], [sflag:$0x5], $0x80, s19, s14, $0xb8;
	[tilespmem:$0x1D780] =	vst v63  }
0x8a: {  	_ =	swait.ge [sflag:s22], $0x1400  }
0x8b: {  	[sflag:s22] =	ssyncset.done $0x0  }
0x8c: {  	[sflag:s22] =	ssyncadd.s32 $0xFFFFEC00  }
0x8d: {  	_ =	swait.ge [sflag:s23], $0x1400  }
0x8e: {  	[sflag:s23] =	ssyncset.done $0x0  }
0x8f: {  	[sflag:s23] =	ssyncadd.s32 $0xFFFFEC00  }
0x90: {  	[spmem:s2] =	stream.indirect.scatter.add.f32 [tilespmem:s16], [sflag:$0x6], $0x80, s30, s14, $0xb8;
	[tilespmem:$0x1D780] =	vst v63  }
0x91: {  	_ =	swait.ge [sflag:s24], $0x1400  }
0x92: {  	s31 =	sadd.s32 $0x1, s31;
	[sflag:s24] =	ssyncset.done $0x0  }
0x93: {  	p0 =	sne.s32 s31, s10;
	[sflag:s24] =	ssyncadd.s32 $0xFFFFEC00  }
.Ltmp1:
0x94: {  	[bflag:$0x0] =	sbarrier.arrive $0xFFFF;
	(pc) =	sbr.rel @p0 .LBB2_1-.Ltmp1, $4  }
0x95: {  	[hbm:s9], [sflag:s6] =	dma.local [spmem:s11], $0x2800  }
0x96: {  	_ =	swait.ge [sflag:s12], $0x2800  }
0x97: {  	[sflag:s12] =	ssyncset.done $0x0  }
0x98: {  	[sflag:s12] =	ssyncadd.s32 $0xFFFFD800  }
0x99: {  	_ =	sfence.sel $0x180000  }
0x9a: {  	[bflag:$0x0] =	sbarrier.arrive $0xFFFF  }
0x9b: {  	_ =	strace $0x9000004A  }
0x9c: {  	s0 =	stileid.u32;
	[bflag:$0x2] =	sbarrier.arrive $0xFFFF  }
0x9d: {  	p0 =	sne.s32 s0, $0x0;
	s0 =	rddreg [dreg:$0x2]  }
0x9e: {  	s0 =	sadd.s32 @!p0 $0x100000, s0  }
0x9f: {  	[sflag:s0] =	ssyncadd.tile.s32 @!p0 $0x1;
	_ =	shalt  }
.Lfunc_end2:
_tile_overlayer_lowered:
.L_overlay_start_2:
0xa0: {  	(tag) =	ssettag $0x2  }
0xa1: {  	s0 =	rddreg [dreg:$0x0];
	s2 =	stileid.u32  }
0xa2: {  	s1 =	rddreg [dreg:$0x1];
	p0 =	sne.s32 s2, $0x0  }
0xa3: {  	s3 =	rddreg [dreg:$0x2];
	[bflag:$0x3] =	sbarrier.arrive $0xFFFF;
	s2 =	simm.s32 @!p0 $0x1C09  }
0xa4: {  	[timem:s3], [sflag:s2] =	dma.local @!p0 [hbm:s0], s1  }
0xa5: {  	s0 =	simm.s32 @!p0 $0x9  }
0xa6: {  	_ =	swait.ge @!p0 [sflag:s0], s1  }
0xa7: {  	s1 =	ssub.s32 @!p0 $0x0, s1;
	[sflag:s0] =	ssyncset.done @!p0 $0x0  }
0xa8: {  	[sflag:s0] =	ssyncadd.s32 @!p0 s1  }
0xa9: {  	[bflag:$0x3] =	sbarrier.arrive $0xFFFF  }
0xaa: {  	_ =	shalt  }

// kernel: kernel.13.cloned.1.call-start
scs
__scs_entry_jumppad:
0x0: {  	(pc) =	sbr.rel $0x88, $3  }
0x1: {  	(tag) =	ssettag $0x0;
	lr =	simm.s32 $0x1  }
0x2: {  	[smem:$0x3F96] =	sst lr;
	_ =	strace $0xD0000000  }
0x3: {  	_ = 	snop  }
0x4: {  	_ = 	snop  }
0x5: {  	_ = 	snop  }
0x6: {  	_ = 	snop  }
0x7: {  	_ = 	snop  }
__scs_overlays_trampoline_lowered:
0x8: {  	[smem:$0x3FA5] =	sst s0  }
0x9: {  	[smem:$0x3FA6] =	sst s1  }
0xa: {  	[smem:$0x3FA7] =	sst s2  }
0xb: {  	[smem:$0x3FA8] =	sst s3  }
0xc: {  	[smem:$0x3FA9] =	sst s4  }
0xd: {  	[smem:$0x3FAA] =	sst s5  }
0xe: {  	[smem:$0x3FAB] =	sst s6  }
0xf: {  	[smem:$0x3FAC] =	sst s7  }
0x10: {  	[smem:$0x3FAD] =	sst s8  }
0x11: {  	[smem:$0x3FAE] =	sst s9;
	s0 =	simm.s32 @!p0 $0x0  }
0x12: {  	s1 =	sld [smem:$0x3F94];
	s0 =	simm.s32 @p0 $0x1  }
0x13: {  	[smem:$0x3FAF] =	sst s0;
	s0 =	simm.s32 @!p1 $0x0  }
0x14: {  	s2 =	sld [smem:$0x3F93];
	s0 =	simm.s32 @p1 $0x1  }
0x15: {  	[smem:$0x3FB0] =	sst s0;
	s0 =	simm.s32 @!p2 $0x0  }
0x16: {  	s3 =	sld [smem:$0x3FDB];
	s0 =	simm.s32 @p2 $0x1  }
0x17: {  	s4 =	simm.s32 $0x1BF5;
	[smem:$0x3FB2] =	sst s0  }
0x18: {  	s0 =	sld [smem:$0x3F95];
	_ =	swait.ge [sflag:s4], $0x0  }
0x19: {  	s7 =	sld [smem:$0x3F96]  }
0x1a: {  	s8 =	sadd.s32 $0xFFFFE003, lr  }
0x1b: {  	s9 =	sadd.s32 $0xFFFFFEF7, lr;
	s5 =	simm.s32 $0xFFFFFFFF;
	p2 =	slt.u32 s8, $0xFFFFF086  }
0x1c: {  	p1 =	slt.u32 s9, $0xF7A;
	s5 =	simm.s32 @!p2 $0x0  }
0x1d: {  	s5 =	simm.s32 @p1 $0x1;
	p0 =	seq.s32 s7, s2  }
0x1e: {  	s7 =	smul.u32 @!p0 $0xF7A, s2;
	p2 =	seq.s32 @!p0 s5, $0x0  }
0x1f: {  	s9 =	smul.u32 $0xF7A, s1;
	s8 =	simm.s32 @!p0 $0x1BF5;
	p2 =	por !p2, p0  }
0x20: {  	[sflag:s8] =	ssyncset.s32 @!p0 $0xFFFFF086;
	s6 =	sadd.s32 @!p0 s3, s7;
	s7 =	simm.s32 @!p0 $0x108  }
0x21: {  	s3 =	sadd.s32 s3, s9;
	s6 =	sadd.s32 @!p0 $0x88, s6;
	s7 =	simm.s32 @p2 $0x1082  }
0x22: {  	[simem:s7], [sflag:s8] =	dma.local @!p0 [hbm:s6], $0xF7A  }
0x23: {  	s9 =	sor.u32 $0xD0000000, s2;
	s6 =	simm.s32 $0x108;
	_ =	swait.ge @!p0 [sflag:s8], $0x0  }
0x24: {  	s3 =	sadd.s32 $0x88, s3;
	s6 =	simm.s32 @!p1 $0x1082;
	[sflag:s4] =	ssyncset.s32 $0xFFFFF086  }
0x25: {  	[simem:s6], [sflag:s4] =	dma.local [hbm:s3], $0xF7A  }
0x26: {  	[smem:$0x3F96] =	sst s1;
	(tag) =	ssettag s2;
	_ =	strace s9  }
0x27: {  	s1 =	sld [smem:$0x3FA6]  }
0x28: {  	s2 =	sld [smem:$0x3FA7]  }
0x29: {  	s4 =	sld [smem:$0x3FA9]  }
0x2a: {  	p0 =	seq.s32 s5, $0x0;
	s5 =	sld [smem:$0x3FAA]  }
0x2b: {  	s6 =	sld [smem:$0x3FAB]  }
0x2c: {  	s7 =	sld [smem:$0x3FAC]  }
0x2d: {  	s3 =	simm.s32 $0x108;
	s8 =	sld [smem:$0x3FAD]  }
0x2e: {  	s3 =	simm.s32 @!p0 $0x1082;
	s9 =	sld [smem:$0x3FAE]  }
0x2f: {  	lr =	sadd.s32 s0, s3;
	s0 =	sld [smem:$0x3FA5]  }
0x30: {  	s3 =	sld [smem:$0x3FA8]  }
0x31: {  	[smem:$0x3FB1] =	sst s10  }
0x32: {  	s10 =	sld [smem:$0x3FAF];
	_ =	sdelay $0x3  }
0x33: {  	p0 =	seq.s32 s10, $0x1;
	s10 =	sld [smem:$0x3FB1];
	_ =	sdelay $0x3  }
0x34: {  	[smem:$0x3FB1] =	sst s10  }
0x35: {  	s10 =	sld [smem:$0x3FB0];
	_ =	sdelay $0x3  }
0x36: {  	p1 =	seq.s32 s10, $0x1;
	s10 =	sld [smem:$0x3FB1];
	_ =	sdelay $0x3  }
0x37: {  	[smem:$0x3FB1] =	sst s10  }
0x38: {  	s10 =	sld [smem:$0x3FB2]  }
0x39: {  	_ = 	snop;
	(pc) =	sbr.ind lr, $3  }
0x3a: {  	_ = 	snop  }
0x3b: {  	_ = 	snop  }
0x3c: {  	p2 =	seq.s32 s10, $0x1;
	s10 =	sld [smem:$0x3FB1]  }
0x3d: {  	_ =	shalt  }
0x3e: {  	_ =	shalt  }
0x3f: {  	_ =	shalt  }
0x40: {  	_ =	shalt  }
0x41: {  	_ =	shalt  }
0x42: {  	_ =	shalt  }
0x43: {  	_ =	shalt  }
0x44: {  	_ =	shalt  }
0x45: {  	_ =	shalt  }
0x46: {  	_ =	shalt  }
0x47: {  	_ =	shalt  }
0x48: {  	_ =	shalt  }
0x49: {  	_ =	shalt  }
0x4a: {  	_ =	shalt  }
0x4b: {  	_ =	shalt  }
0x4c: {  	_ =	shalt  }
0x4d: {  	_ =	shalt  }
0x4e: {  	_ =	shalt  }
0x4f: {  	_ =	shalt  }
0x50: {  	_ =	shalt  }
0x51: {  	_ =	shalt  }
0x52: {  	_ =	shalt  }
0x53: {  	_ =	shalt  }
0x54: {  	_ =	shalt  }
0x55: {  	_ =	shalt  }
0x56: {  	_ =	shalt  }
0x57: {  	_ =	shalt  }
0x58: {  	_ =	shalt  }
0x59: {  	_ =	shalt  }
0x5a: {  	_ =	shalt  }
0x5b: {  	_ =	shalt  }
0x5c: {  	_ =	shalt  }
0x5d: {  	_ =	shalt  }
0x5e: {  	_ =	shalt  }
0x5f: {  	_ =	shalt  }
0x60: {  	_ =	shalt  }
0x61: {  	_ =	shalt  }
0x62: {  	_ =	shalt  }
0x63: {  	_ =	shalt  }
0x64: {  	_ =	shalt  }
0x65: {  	_ =	shalt  }
0x66: {  	_ =	shalt  }
0x67: {  	_ =	shalt  }
0x68: {  	_ =	shalt  }
0x69: {  	_ =	shalt  }
0x6a: {  	_ =	shalt  }
0x6b: {  	_ =	shalt  }
0x6c: {  	_ =	shalt  }
0x6d: {  	_ =	shalt  }
0x6e: {  	_ =	shalt  }
0x6f: {  	_ =	shalt  }
0x70: {  	_ =	shalt  }
0x71: {  	_ =	shalt  }
0x72: {  	_ =	shalt  }
0x73: {  	_ =	shalt  }
0x74: {  	_ =	shalt  }
0x75: {  	_ =	shalt  }
0x76: {  	_ =	shalt  }
0x77: {  	_ =	shalt  }
0x78: {  	_ =	shalt  }
0x79: {  	_ =	shalt  }
0x7a: {  	_ =	shalt  }
0x7b: {  	_ =	shalt  }
0x7c: {  	_ =	shalt  }
0x7d: {  	_ =	shalt  }
0x7e: {  	_ =	shalt  }
0x7f: {  	_ =	shalt  }
0x80: {  	_ =	shalt  }
0x81: {  	_ =	shalt  }
0x82: {  	_ =	shalt  }
0x83: {  	_ =	shalt  }
0x84: {  	_ =	shalt  }
0x85: {  	_ =	shalt  }
0x86: {  	_ =	shalt  }
0x87: {  	_ =	shalt  }
.Lfunc_end0:
.L_simem_size_0:
called_computation.2_lowered:
.L_overlay_start_0:
0x88: {  	s2 =	sld [smem:$0x3FD9]  }
0x89: {  	s3 =	sld [smem:$0x3FFE];
	_ =	sdelay $0x1  }
0x8a: {  	s1 =	srdreg.scid  }
0x8b: {  	s0 =	sand.u32 $0x1, s1  }
0x8c: {  	s17 =	sshll.u32 s0, $0xA;
	s2 =	sadd.s32 s3, s2  }
0x8d: {  	s2 =	sadd.s32 s2, s17  }
0x8e: {  	[smem:$0x3FBD] =	sst s2  }
0x8f: {  	_ = 	snop  }
0x90: {  	s2 =	sld [smem:$0x3FC7]  }
0x91: {  	s18 =	sld [smem:$0x3FC5];
	(tm) =	ssettm $0x1  }
0x92: {  	s4 =	sld [smem:$0x3FFB];
	_ =	sdelay $0x3  }
0x93: {  	_ =	strace s4  }
0x94: {  	s4 =	sld [smem:$0x3FFC];
	_ =	sdelay $0x3  }
0x95: {  	_ =	strace s4  }
0x96: {  	s4 =	sld [smem:$0x3FFD];
	_ =	sdelay $0x3  }
0x97: {  	_ =	strace s4  }
0x98: {  	_ =	strace $0x8FFFFFFF  }
0x99: {  	s19 =	sld [smem:$0x3FDB];
	_ =	sdelay $0x1  }
0x9a: {  	s5 =	simm.s32 $_scs_section_size  }
0x9b: {  	s6 =	simm.s32 $_size__tile_overlayer_lowered;
	s7 =	simm.s32 $_tile_overlayer_lowered  }
0x9c: {  	s22 =	simm.s32 $0x1BFF;
	s21 =	sshll.u32 s7, $0x1;
	s4 =	sadd.s32 s5, s19  }
0x9d: {  	s8 =	simm.s32 $0x0;
	s20 =	sshll.u32 s6, $0x1;
	s6 =	sadd.s32 s21, s4  }
0x9e: {  	[timem:s8], [sflag:s22] =	dma.local [hbm:s6], s20  }
0x9f: {  	_ =	swait.ge [sflag:s22], s20  }
0xa0: {  	s5 =	ssub.s32 $0x0, s20;
	[sflag:s22] =	ssyncset.done $0x0  }
0xa1: {  	[sflag:s22] =	ssyncadd.s32 s5;
	_ =	sdelay $0x1  }
0xa2: {  	s23 =	simm.s32 $0x1B8B  }
0xa3: {  	_ =	swait.ge [sflag:s23], $0x1  }
0xa4: {  	[sflag:s23] =	ssyncset.done $0x0  }
0xa5: {  	s25 =	simm.s32 $0x1B8E;
	s24 =	sld [smem:$0x3FFE];
	[sflag:s23] =	ssyncadd.s32 $0xFFFFFFFF  }
0xa6: {  	s26 =	simm.s32 $execute0_lowered;
	[smem:$0x3FD2] =	sst s25  }
0xa7: {  	s6 =	sshll.u32 s26, $0x1;
	_ =	strace $0x8000004C;
	[dreg:$0x1] =	wrdreg $0xFFFFFFFF  }
0xa8: {  	s28 =	simm.s32 $_size_execute0_lowered;
	s4 =	sadd.s32 s4, s6;
	[dreg:$0x0] =	wrdreg $0x0  }
0xa9: {  	s6 =	sshll.u32 s28, $0x1;
	[dreg:$0x2] =	wrdreg s4  }
0xaa: {  	[dreg:$0x3] =	wrdreg s6  }
0xab: {  	[dreg:$0x4] =	wrdreg $0xC0  }
0xac: {  	_ =	task [dreg:s8], $0x5FFFF  }
0xad: {  	[dreg:$0x1] =	wrdreg $0xFFFFFFFF  }
0xae: {  	[dreg:$0x0] =	wrdreg $0x60  }
0xaf: {  	[dreg:$0x2] =	wrdreg s24  }
0xb0: {  	[dreg:$0x3] =	wrdreg s2  }
0xb1: {  	[dreg:$0x4] =	wrdreg s18  }
0xb2: {  	[dreg:$0x5] =	wrdreg $0x9  }
0xb3: {  	_ =	task.clear_ibuf [dreg:s8], $0x6FFFF;
	_ =	strace $0x9000004C  }
0xb4: {  	s29 =	simm.s32 $0x9;
	_ =	strace $0x8000004E  }
0xb5: {  	_ =	swait.ge [sflag:s29], $0x1  }
0xb6: {  	[sflag:s29] =	ssyncadd.s32 $0xFFFFFFFF  }
0xb7: {  	_ =	strace $0x9000004E  }
0xb8: {  	_ =	sfence  }
0xb9: {  	s30 =	sld [smem:$0x0];
	_ =	sdelay $0x2  }
0xba: {  	s31 =	sshll.u32 s1, $0xD;
	s1 =	sshrl.u32 s1, $0x2  }
0xbb: {  	s3 =	sand.u32 $0x4000, s31;
	s1 =	sadd.s32 s1, s30  }
0xbc: {  	s0 =	sor.u32 s3, s0;
	s1 =	sshll.u32 s1, $0x11  }
0xbd: {  	s0 =	sor.u32 s1, s0  }
0xbe: {  	s0 =	sadd.s32 $0x8F2B, s0  }
0xbf: {  	[sflag:s0] =	ssyncadd.remote.s32 $0x1  }
0xc0: {  	_ =	sfence.sel $0xFFFF  }
0xc1: {  	[dreg:$0x0] =	wrdreg $0xFFFFFFFF;
	(pc) =	sbr.abs _section_cstart, $3  }
0xc2: {  	[dreg:$0x1] =	wrdreg $0xFFFFFFFF  }
0xc3: {  	_ =	task.clear_ibuf [dreg:s8], $0x2FFFF;
	_ =	strace $0x9FFFFFFF  }
0xc4: {  	(tm) =	ssettm $0x7FFFFFFF  }
0xc5: {  	_ =	shalt  }
tec
execute0_lowered:
.L_overlay_start_1:
0x0: {  	(tag) =	ssettag $0x1  }
0x1: {  	s0 =	rddreg [dreg:$0x0]  }
0x2: {  	s1 =	rddreg [dreg:$0x1]  }
0x3: {  	s2 =	srdreg.scid;
	s8 =	stileid.u32;
	s29 =	simm.s32 $0x3  }
0x4: {  	s28 =	simm.s32 $0x1;
	s3 =	sand.u32 $0x1, s2;
	s2 =	simm.s32 $0x0  }
0x5: {  	s5 =	sadd.s32 $0xB3200, s0;
	s6 =	sadd.s32 $0x3DE00, s0;
	s9 =	sadd.s32 $0x16600, s0  }
0x6: {  	s17 =	sadd.s32 $0x3D800, s0;
	s4 =	sshll.u32 s3, $0x4;
	[smem:$0x7FF] =	sst s2  }
0x7: {  	s3 =	ssub.s32 $0x2, s3;
	s4 =	sor.u32 s8, s4;
	s8 =	sshll.u32 s8, $0x4  }
0x8: {  	s19 =	sshrl.u32 s3, $0x1;
	s7 =	sshll.u32 s4, $0xA;
	s10 =	smul.u32 $0x500, s4  }
0x9: {  	s3 =	ssub.s32 s3, s19;
	s21 =	smul.u32 $0xA, s4;
	s22 =	sor.u32 $0x20, s4  }
0xa: {  	s25 =	sor.u32 $0x40, s4;
	s18 =	sor.u32 $0x60, s4;
	s23 =	smul.u32 $0x500, s22  }
0xb: {  	p0 =	sgt.u32 s4, $0x1C;
	s4 =	simm.s32 $0x2;
	s13 =	smul.u32 $0x500, s25  }
0xc: {  	s7 =	sor.u32 s8, s7;
	s16 =	smul.u32 $0x500, s18;
	s20 =	sadd.s32 s5, s10  }
0xd: {  	s8 =	smul.u32 $0xA, s22;
	s11 =	sadd.s32 s6, s10;
	[dreg:$0x4] =	wrdreg s20  }
0xe: {  	s31 =	smul.u32 $0xA, s18;
	s10 =	sadd.s32 s9, s10;
	[dreg:$0x5] =	wrdreg s11  }
0xf: {  	s7 =	sand.u32 $0x6070, s7;
	s24 =	sadd.s32 s17, s21;
	[dreg:$0x6] =	wrdreg s10  }
0x10: {  	s0 =	sadd.s32 s7, s0;
	[dreg:$0x7] =	wrdreg s24;
	s7 =	sadd.s32 s1, s21  }
0x11: {  	s26 =	sadd.s32 s5, s23;
	s30 =	sadd.s32 s6, s23;
	s10 =	sadd.s32 s9, s23  }
0x12: {  	s11 =	sadd.s32 s5, s13;
	s12 =	sadd.s32 s6, s13;
	s13 =	sadd.s32 s9, s13  }
0x13: {  	s14 =	sadd.s32 s5, s16;
	s15 =	sadd.s32 s6, s16;
	s16 =	sadd.s32 s9, s16  }
0x14: {  	s18 =	sadd.s32 s17, s8;
	s19 =	sadd.s32 s1, s8;
	s22 =	sadd.s32 s17, s31  }
0x15: {  	s23 =	sadd.s32 s1, s31;
	s5 =	simm.s32 $0x80;
	[dreg:$0x8] =	wrdreg s7  }
.Ltmp0:
0x16: {  	s6 =	simm.s32 $0x400;
	[dreg:$0x9] =	wrdreg s26;
	(pc) =	sbr.rel .LBB2_1-.Ltmp0, $4  }
0x17: {  	v0 =	vlaneseq.u32;
	[dreg:$0xa] =	wrdreg s30;
	s7 =	smul.u32 $0xA, s25;
	s24 =	sadd.s32 $0x2A00, s0  }
0x18: {  	v1 =	vimm.f32 $-Inf;
	v2 =	vimm.f32 $0.0e+00;
	v3 =	vor.u32 $0x10, v0;
	s25 =	sadd.s32 $0xAA00, s0;
	s26 =	smax.u32 s3, $0x1;
	s0 =	simm.s32 $0xF100  }
0x19: {  	v4 =	vor.u32 $0x20, v0;
	v5 =	vor.u32 $0x30, v0;
	v6 =	vor.u32 $0x40, v0;
	s3 =	simm.s32 $0x11280;
	_ =	strace $0x8000004D;
	s20 =	sadd.s32 s17, s7  }
0x1a: {  	v7 =	vor.u32 $0x50, v0;
	v8 =	vor.u32 $0x60, v0;
	v9 =	vor.u32 $0x70, v0;
	s21 =	sadd.s32 s1, s7;
	s1 =	simm.s32 $0xF280;
	s7 =	simm.s32 $0x0  }
.LBB2_12:
0x1b: {  	v10 =	vmul.f32 v21, v18;
	_ =	sdelay $0x1  }
0x1c: {  	v10 =	vadd.f32 v10, v16;
	_ =	sdelay $0x1  }
0x1d: {  	v10 =	vmax.f32 v10, $0.0e+00  }
0x1e: {  	v11 =	vmax.f32 v20, v10  }
0x1f: {  	[tilespmem:v19+s1+$0x0] =	vst.idx.msk $0xffff, v11  }
0x20: {  	[tilespmem:v19+s3+$0x0] =	vst.idx.add.f32.msk $0xffff, v10  }
.LBB2_13:
0x21: {  	[hbm4b:s24+s5] =	stream.strided.scatter [tilespmem:s1], [sflag:$0x3], $0x2000, s6, s5, $0x38;
	[tilespmem:$0x13280] =	vst v63  }
0x22: {  	s7 =	sadd.s32 $0x1, s7;
	_ =	swait.ge [sflag:s29], $0x2000  }
0x23: {  	p1 =	sne.s32 s7, s26;
	[sflag:s29] =	ssyncset.done $0x0  }
.Ltmp1:
0x24: {  	[sflag:s29] =	ssyncadd.s32 $0xFFFFE000;
	(pc) =	sbr.rel @!p1 .LBB2_14-.Ltmp1, $4  }
0x25: {  	[hbm4b:s25+s5] =	stream.strided.scatter [tilespmem:s3], [sflag:$0x3], $0x2000, s6, s5, $0x38;
	[tilespmem:$0x13280] =	vst v63  }
0x26: {  	_ =	swait.ge [sflag:s29], $0x2000  }
0x27: {  	[sflag:s29] =	ssyncset.done $0x0  }
0x28: {  	[sflag:s29] =	ssyncadd.s32 $0xFFFFE000  }
.LBB2_1:
0x29: {  	s8 =	rddreg [dreg:$0x2];
	s9 =	simm.s32 $0xF200  }
0x2a: {  	[tilespmem:s9], [sflag:$0x3] =	stream.linear.gather [hbm4b:s8+s2], $0x80, $0x38;
	[tilespmem:$0x13280] =	vst v63  }
0x2b: {  	_ =	swait.ge [sflag:s29], $0x80  }
0x2c: {  	[sflag:s29] =	ssyncset.done $0x0  }
0x2d: {  	s31 =	rddreg [dreg:$0x4];
	[sflag:s29] =	ssyncadd.s32 $0xFFFFFF80  }
0x2e: {  	[tilespmem:s2], [sflag:$0x1] =	stream.linear.gather [hbm4b:s31+s2], $0x2800, $0x38;
	[tilespmem:$0x13280] =	vst v63  }
0x2f: {  	s17 =	simm.s32 $0x5000;
	s9 =	rddreg [dreg:$0x5]  }
0x30: {  	[tilespmem:s17], [sflag:$0x1] =	stream.linear.gather [hbm4b:s9+s2], $0x2800, $0x38;
	[tilespmem:$0x13280] =	vst v63  }
0x31: {  	s30 =	rddreg [dreg:$0x6];
	s31 =	simm.s32 $0xA000  }
0x32: {  	[tilespmem:s31], [sflag:$0x1] =	stream.linear.gather [hbm4b:s30+s2], $0x2800, $0x38;
	[tilespmem:$0x13280] =	vst v63  }
0x33: {  	s17 =	rddreg [dreg:$0x7];
	s30 =	simm.s32 $0xF000  }
0x34: {  	[tilespmem:s30], [sflag:$0x1] =	stream.linear.gather [hbm4b:s17+s2], $0x50, $0x38;
	[tilespmem:$0x13280] =	vst v63  }
0x35: {  	s8 =	simm.s32 $0x40;
	s9 =	simm.s32 $0x0;
	s31 =	rddreg [dreg:$0x8]  }
0x36: {  	[tilespmem:s0], [sflag:$0x1] =	stream.linear.gather [hbm4b:s31+s2], $0x50, $0x38;
	[tilespmem:$0x13280] =	vst v63  }
.LBB2_2:
0x37: {  	p1 =	sne.s32 s8, $0x7FC0;
	[tilespmem:s9+$0xF280] =	vst v1;
	s17 =	smov.u32 s8;
	s8 =	sadd.s32 $0x40, s8  }
.Ltmp2:
0x38: {  	[tilespmem:s9+$0x11280] =	vst v2;
	(pc) =	sbr.rel @p1 .LBB2_2-.Ltmp2, $2  }
0x39: {  	_ =	sdelay $0x2  }
0x3a: {  	s9 =	sshra.s32 s17, $0x2  }
0x3b: {  	[tilespmem:s9+$0xF280] =	vst v1  }
0x3c: {  	[tilespmem:s9+$0x11280] =	vst v2;
	s8 =	simm.s32 $0x0;
	s9 =	rddreg [dreg:$0x9];
	s17 =	simm.s32 $0x2800  }
0x3d: {  	[tilespmem:s17], [sflag:$0x2] =	stream.linear.gather [hbm4b:s9+s8], $0x2800, $0x38;
	[tilespmem:$0x13280] =	vst v63  }
0x3e: {  	s9 =	rddreg [dreg:$0xa];
	s17 =	simm.s32 $0x7800  }
0x3f: {  	[tilespmem:s17], [sflag:$0x2] =	stream.linear.gather [hbm4b:s9+s8], $0x2800, $0x38;
	[tilespmem:$0x13280] =	vst v63  }
0x40: {  	s17 =	simm.s32 $0xC800  }
0x41: {  	[tilespmem:s17], [sflag:$0x2] =	stream.linear.gather [hbm4b:s10+s8], $0x2800, $0x38;
	[tilespmem:$0x13280] =	vst v63  }
0x42: {  	s17 =	simm.s32 $0xF080  }
0x43: {  	[tilespmem:s17], [sflag:$0x2] =	stream.linear.gather [hbm4b:s18+s8], $0x50, $0x38;
	[tilespmem:$0x13280] =	vst v63  }
0x44: {  	s17 =	simm.s32 $0xF180  }
0x45: {  	[tilespmem:s17], [sflag:$0x2] =	stream.linear.gather [hbm4b:s19+s8], $0x50, $0x38;
	[tilespmem:$0x13280] =	vst v63  }
0x46: {  	_ =	swait.ge [sflag:s28], $0x2800  }
0x47: {  	[sflag:s28] =	ssyncset.done $0x0  }
0x48: {  	[sflag:s28] =	ssyncadd.s32 $0xFFFFD800  }
0x49: {  	_ =	swait.ge [sflag:s28], $0x2800  }
0x4a: {  	[sflag:s28] =	ssyncset.done $0x0  }
0x4b: {  	[sflag:s28] =	ssyncadd.s32 $0xFFFFD800  }
0x4c: {  	_ =	swait.ge [sflag:s28], $0x2800  }
0x4d: {  	[sflag:s28] =	ssyncset.done $0x0  }
0x4e: {  	[sflag:s28] =	ssyncadd.s32 $0xFFFFD800  }
0x4f: {  	_ =	swait.ge [sflag:s28], $0x50  }
0x50: {  	[sflag:s28] =	ssyncset.done $0x0  }
0x51: {  	[sflag:s28] =	ssyncadd.s32 $0xFFFFFFB0  }
0x52: {  	_ =	swait.ge [sflag:s28], $0x50  }
0x53: {  	[sflag:s28] =	ssyncset.done $0x0  }
0x54: {  	s8 =	simm.s32 $0xF100;
	[sflag:s28] =	ssyncadd.s32 $0xFFFFFFB0  }
0x55: {  	v10 =	vld [tilespmem:s8+$0x0];
	_ =	sdelay $0x4  }
0x56: {  	(v2sf) =	vpush v10, $0x0;
	_ =	sdelay $0xa  }
0x57: {  	s9 =	simm.s32 $0x0  }
0x58: {  	v11 =	vld [tilespmem:s9+$0x0]  }
0x59: {  	v10 =	vld [tilespmem:s9+$0x5000];
	_ =	sdelay $0x1  }
0x5a: {  	v12 =	vld [tilespmem:s9+$0xA000];
	s17 =	spop (v2sf)  }
0x5b: {  	s30 =	simm.s32 $0xF000;
	s17 =	sshll.u32 s17, $0x7  }
0x5c: {  	v18 =	vld.msk [tilespmem:s30+$0x0 ss:$0x0], $0xffff;
	v19 =	vor.u32 s17, v0  }
0x5d: {  	v13 =	vadd.f32 v10, v11  }
0x5e: {  	v10 =	vld [tilespmem:$0xF200]  }
0x5f: {  	v13 =	vadd.f32 v12, v13  }
0x60: {  	v14 =	vld [tilespmem:$0xF240]  }
0x61: {  	v15 =	vmul.f32 v13, v18;
	v20 =	vld.idx.msk [tilespmem:v19+s1+$0x0], $0xffff  }
0x62: {  	v17 =	vld [tilespmem:$0xF260]  }
0x63: {  	v11 =	vld [tilespmem:$0xF210];
	v16 =	vadd.f32 v15, v10  }
0x64: {  	v12 =	vld [tilespmem:$0xF220]  }
0x65: {  	v13 =	vld [tilespmem:$0xF230];
	v21 =	vmax.f32 v16, $0.0e+00  }
0x66: {  	v15 =	vld [tilespmem:$0xF250];
	v20 =	vmax.f32 v20, v21  }
0x67: {  	v16 =	vld [tilespmem:$0xF270];
	[tilespmem:v19+s1+$0x0] =	vst.idx.msk $0xffff, v20  }
0x68: {  	[tilespmem:v19+s3+$0x0] =	vst.idx.add.f32.msk $0xffff, v21  }
0x69: {  	v19 =	vld [tilespmem:s9+$0x10]  }
0x6a: {  	v20 =	vld [tilespmem:s9+$0x5010];
	_ =	sdelay $0x1  }
0x6b: {  	v21 =	vld [tilespmem:s9+$0xA010];
	_ =	sdelay $0x1  }
0x6c: {  	v22 =	vor.u32 s17, v3  }
0x6d: {  	v19 =	vadd.f32 v20, v19;
	_ =	sdelay $0x1  }
0x6e: {  	v19 =	vadd.f32 v21, v19;
	_ =	sdelay $0x1  }
0x6f: {  	v20 =	vld.idx.msk [tilespmem:v22+s1+$0x0], $0xffff;
	v19 =	vmul.f32 v19, v18;
	_ =	sdelay $0x1  }
0x70: {  	v19 =	vadd.f32 v19, v11;
	_ =	sdelay $0x1  }
0x71: {  	v19 =	vmax.f32 v19, $0.0e+00  }
0x72: {  	v20 =	vmax.f32 v20, v19  }
0x73: {  	[tilespmem:v22+s1+$0x0] =	vst.idx.msk $0xffff, v20  }
0x74: {  	[tilespmem:v22+s3+$0x0] =	vst.idx.add.f32.msk $0xffff, v19  }
0x75: {  	v19 =	vld [tilespmem:s9+$0x20]  }
0x76: {  	v20 =	vld [tilespmem:s9+$0x5020];
	_ =	sdelay $0x1  }
0x77: {  	v21 =	vld [tilespmem:s9+$0xA020];
	_ =	sdelay $0x1  }
0x78: {  	v22 =	vor.u32 s17, v4  }
0x79: {  	v19 =	vadd.f32 v20, v19;
	_ =	sdelay $0x1  }
0x7a: {  	v19 =	vadd.f32 v21, v19;
	_ =	sdelay $0x1  }
0x7b: {  	v20 =	vld.idx.msk [tilespmem:v22+s1+$0x0], $0xffff;
	v19 =	vmul.f32 v19, v18;
	_ =	sdelay $0x1  }
0x7c: {  	v19 =	vadd.f32 v19, v12;
	_ =	sdelay $0x1  }
0x7d: {  	v19 =	vmax.f32 v19, $0.0e+00  }
0x7e: {  	v20 =	vmax.f32 v20, v19  }
0x7f: {  	[tilespmem:v22+s1+$0x0] =	vst.idx.msk $0xffff, v20  }
0x80: {  	[tilespmem:v22+s3+$0x0] =	vst.idx.add.f32.msk $0xffff, v19  }
0x81: {  	v19 =	vld [tilespmem:s9+$0x30]  }
0x82: {  	v20 =	vld [tilespmem:s9+$0x5030];
	_ =	sdelay $0x1  }
0x83: {  	v21 =	vld [tilespmem:s9+$0xA030];
	_ =	sdelay $0x1  }
0x84: {  	v22 =	vor.u32 s17, v5  }
0x85: {  	v19 =	vadd.f32 v20, v19;
	_ =	sdelay $0x1  }
0x86: {  	v19 =	vadd.f32 v21, v19;
	_ =	sdelay $0x1  }
0x87: {  	v20 =	vld.idx.msk [tilespmem:v22+s1+$0x0], $0xffff;
	v19 =	vmul.f32 v19, v18;
	_ =	sdelay $0x1  }
0x88: {  	v19 =	vadd.f32 v19, v13;
	_ =	sdelay $0x1  }
0x89: {  	v19 =	vmax.f32 v19, $0.0e+00  }
0x8a: {  	v20 =	vmax.f32 v20, v19  }
0x8b: {  	[tilespmem:v22+s1+$0x0] =	vst.idx.msk $0xffff, v20  }
0x8c: {  	[tilespmem:v22+s3+$0x0] =	vst.idx.add.f32.msk $0xffff, v19  }
0x8d: {  	v19 =	vld [tilespmem:s9+$0x40]  }
0x8e: {  	v20 =	vld [tilespmem:s9+$0x5040];
	_ =	sdelay $0x1  }
0x8f: {  	v21 =	vld [tilespmem:s9+$0xA040];
	_ =	sdelay $0x1  }
0x90: {  	v22 =	vor.u32 s17, v6  }
0x91: {  	v19 =	vadd.f32 v20, v19;
	_ =	sdelay $0x1  }
0x92: {  	v19 =	vadd.f32 v21, v19;
	_ =	sdelay $0x1  }
0x93: {  	v20 =	vld.idx.msk [tilespmem:v22+s1+$0x0], $0xffff;
	v19 =	vmul.f32 v19, v18;
	_ =	sdelay $0x1  }
0x94: {  	v19 =	vadd.f32 v19, v14;
	_ =	sdelay $0x1  }
0x95: {  	v19 =	vmax.f32 v19, $0.0e+00  }
0x96: {  	v20 =	vmax.f32 v20, v19  }
0x97: {  	[tilespmem:v22+s1+$0x0] =	vst.idx.msk $0xffff, v20  }
0x98: {  	[tilespmem:v22+s3+$0x0] =	vst.idx.add.f32.msk $0xffff, v19  }
0x99: {  	v19 =	vld [tilespmem:s9+$0x50]  }
0x9a: {  	v20 =	vld [tilespmem:s9+$0x5050];
	_ =	sdelay $0x1  }
0x9b: {  	v21 =	vld [tilespmem:s9+$0xA050];
	_ =	sdelay $0x1  }
0x9c: {  	v22 =	vor.u32 s17, v7  }
0x9d: {  	v19 =	vadd.f32 v20, v19;
	_ =	sdelay $0x1  }
0x9e: {  	v19 =	vadd.f32 v21, v19;
	_ =	sdelay $0x1  }
0x9f: {  	v20 =	vld.idx.msk [tilespmem:v22+s1+$0x0], $0xffff;
	v19 =	vmul.f32 v19, v18;
	_ =	sdelay $0x1  }
0xa0: {  	v19 =	vadd.f32 v19, v15;
	_ =	sdelay $0x1  }
0xa1: {  	v19 =	vmax.f32 v19, $0.0e+00  }
0xa2: {  	v20 =	vmax.f32 v20, v19  }
0xa3: {  	[tilespmem:v22+s1+$0x0] =	vst.idx.msk $0xffff, v20  }
0xa4: {  	[tilespmem:v22+s3+$0x0] =	vst.idx.add.f32.msk $0xffff, v19  }
0xa5: {  	v19 =	vld [tilespmem:s9+$0x60]  }
0xa6: {  	v20 =	vld [tilespmem:s9+$0x5060];
	_ =	sdelay $0x1  }
0xa7: {  	v21 =	vld [tilespmem:s9+$0xA060];
	_ =	sdelay $0x1  }
0xa8: {  	v22 =	vor.u32 s17, v8  }
0xa9: {  	v19 =	vadd.f32 v20, v19;
	_ =	sdelay $0x1  }
0xaa: {  	v19 =	vadd.f32 v21, v19;
	_ =	sdelay $0x1  }
0xab: {  	v20 =	vld.idx.msk [tilespmem:v22+s1+$0x0], $0xffff;
	v19 =	vmul.f32 v19, v18;
	_ =	sdelay $0x1  }
0xac: {  	v19 =	vadd.f32 v19, v17;
	_ =	sdelay $0x1  }
0xad: {  	v19 =	vmax.f32 v19, $0.0e+00  }
0xae: {  	v20 =	vmax.f32 v20, v19  }
0xaf: {  	[tilespmem:v22+s1+$0x0] =	vst.idx.msk $0xffff, v20  }
0xb0: {  	[tilespmem:v22+s3+$0x0] =	vst.idx.add.f32.msk $0xffff, v19  }
0xb1: {  	v20 =	vld [tilespmem:s9+$0x70]  }
0xb2: {  	v21 =	vld [tilespmem:s9+$0x5070];
	_ =	sdelay $0x1  }
0xb3: {  	v19 =	vor.u32 s17, v9;
	v22 =	vld [tilespmem:s9+$0xA070];
	_ =	sdelay $0x2  }
0xb4: {  	v21 =	vadd.f32 v21, v20;
	_ =	sdelay $0x1  }
0xb5: {  	s31 =	simm.s32 $0x200;
	v20 =	vld.idx.msk [tilespmem:v19+s1+$0x0], $0xffff;
	v21 =	vadd.f32 v22, v21  }
.LBB2_4:
0xb6: {  	p1 =	sne.s32 s31, $0x9E00;
	s30 =	sadd.s32 $0x1, s30;
	s8 =	sadd.s32 $0x1, s8  }
0xb7: {  	s9 =	smov.u32 s31;
	s31 =	sadd.s32 $0x200, s31;
	v18 =	vmul.f32 v21, v18;
	_ =	sdelay $0x1  }
0xb8: {  	v18 =	vadd.f32 v18, v16;
	_ =	sdelay $0x1  }
0xb9: {  	v18 =	vmax.f32 v18, $0.0e+00  }
0xba: {  	v20 =	vmax.f32 v20, v18  }
0xbb: {  	[tilespmem:v19+s1+$0x0] =	vst.idx.msk $0xffff, v20  }
0xbc: {  	[tilespmem:v19+s3+$0x0] =	vst.idx.add.f32.msk $0xffff, v18  }
0xbd: {  	v18 =	vld [tilespmem:s8+$0x0];
	_ =	sdelay $0x4  }
0xbe: {  	(v2sf) =	vpush v18, $0x0;
	_ =	sdelay $0xb  }
0xbf: {  	s9 =	sshra.s32 s9, $0x2  }
0xc0: {  	v19 =	vld [tilespmem:s9+$0x5000]  }
0xc1: {  	v20 =	vld [tilespmem:s9+$0x0]  }
0xc2: {  	s17 =	spop (v2sf)  }
0xc3: {  	s17 =	sshll.u32 s17, $0x7;
	v21 =	vld [tilespmem:s9+$0xA000]  }
0xc4: {  	v18 =	vld.msk [tilespmem:s30+$0x0 ss:$0x0], $0xffff;
	v22 =	vor.u32 s17, v0;
	_ =	sdelay $0x1  }
0xc5: {  	v19 =	vadd.f32 v19, v20;
	_ =	sdelay $0x1  }
0xc6: {  	v19 =	vadd.f32 v21, v19  }
0xc7: {  	v20 =	vld.idx.msk [tilespmem:v22+s1+$0x0], $0xffff  }
0xc8: {  	v19 =	vmul.f32 v19, v18;
	_ =	sdelay $0x1  }
0xc9: {  	v19 =	vadd.f32 v19, v10;
	_ =	sdelay $0x1  }
0xca: {  	v19 =	vmax.f32 v19, $0.0e+00  }
0xcb: {  	v20 =	vmax.f32 v20, v19  }
0xcc: {  	[tilespmem:v22+s1+$0x0] =	vst.idx.msk $0xffff, v20  }
0xcd: {  	[tilespmem:v22+s3+$0x0] =	vst.idx.add.f32.msk $0xffff, v19  }
0xce: {  	v19 =	vld [tilespmem:s9+$0x10]  }
0xcf: {  	v20 =	vld [tilespmem:s9+$0x5010]  }
0xd0: {  	v21 =	vld [tilespmem:s9+$0xA010];
	_ =	sdelay $0x1  }
0xd1: {  	v22 =	vor.u32 s17, v3;
	_ =	sdelay $0x1  }
0xd2: {  	v19 =	vadd.f32 v20, v19;
	_ =	sdelay $0x1  }
0xd3: {  	v19 =	vadd.f32 v21, v19  }
0xd4: {  	v20 =	vld.idx.msk [tilespmem:v22+s1+$0x0], $0xffff  }
0xd5: {  	v19 =	vmul.f32 v19, v18;
	_ =	sdelay $0x1  }
0xd6: {  	v19 =	vadd.f32 v19, v11;
	_ =	sdelay $0x1  }
0xd7: {  	v19 =	vmax.f32 v19, $0.0e+00  }
0xd8: {  	v20 =	vmax.f32 v20, v19  }
0xd9: {  	[tilespmem:v22+s1+$0x0] =	vst.idx.msk $0xffff, v20  }
0xda: {  	[tilespmem:v22+s3+$0x0] =	vst.idx.add.f32.msk $0xffff, v19  }
0xdb: {  	v19 =	vld [tilespmem:s9+$0x20]  }
0xdc: {  	v20 =	vld [tilespmem:s9+$0x5020];
	_ =	sdelay $0x1  }
0xdd: {  	v21 =	vld [tilespmem:s9+$0xA020]  }
0xde: {  	v22 =	vor.u32 s17, v4;
	_ =	sdelay $0x1  }
0xdf: {  	v19 =	vadd.f32 v20, v19;
	_ =	sdelay $0x1  }
0xe0: {  	v19 =	vadd.f32 v21, v19  }
0xe1: {  	v20 =	vld.idx.msk [tilespmem:v22+s1+$0x0], $0xffff  }
0xe2: {  	v19 =	vmul.f32 v19, v18;
	_ =	sdelay $0x1  }
0xe3: {  	v19 =	vadd.f32 v19, v12;
	_ =	sdelay $0x1  }
0xe4: {  	v19 =	vmax.f32 v19, $0.0e+00  }
0xe5: {  	v20 =	vmax.f32 v20, v19  }
0xe6: {  	[tilespmem:v22+s1+$0x0] =	vst.idx.msk $0xffff, v20  }
0xe7: {  	[tilespmem:v22+s3+$0x0] =	vst.idx.add.f32.msk $0xffff, v19  }
0xe8: {  	v19 =	vld [tilespmem:s9+$0x30]  }
0xe9: {  	v20 =	vld [tilespmem:s9+$0x5030]  }
0xea: {  	v21 =	vld [tilespmem:s9+$0xA030];
	_ =	sdelay $0x1  }
0xeb: {  	v22 =	vor.u32 s17, v5;
	_ =	sdelay $0x1  }
0xec: {  	v19 =	vadd.f32 v20, v19;
	_ =	sdelay $0x1  }
0xed: {  	v19 =	vadd.f32 v21, v19  }
0xee: {  	v20 =	vld.idx.msk [tilespmem:v22+s1+$0x0], $0xffff  }
0xef: {  	v19 =	vmul.f32 v19, v18;
	_ =	sdelay $0x1  }
0xf0: {  	v19 =	vadd.f32 v19, v13;
	_ =	sdelay $0x1  }
0xf1: {  	v19 =	vmax.f32 v19, $0.0e+00  }
0xf2: {  	v20 =	vmax.f32 v20, v19  }
0xf3: {  	[tilespmem:v22+s1+$0x0] =	vst.idx.msk $0xffff, v20  }
0xf4: {  	[tilespmem:v22+s3+$0x0] =	vst.idx.add.f32.msk $0xffff, v19  }
0xf5: {  	v19 =	vld [tilespmem:s9+$0x40]  }
0xf6: {  	v20 =	vld [tilespmem:s9+$0x5040];
	_ =	sdelay $0x1  }
0xf7: {  	v21 =	vld [tilespmem:s9+$0xA040]  }
0xf8: {  	v22 =	vor.u32 s17, v6;
	_ =	sdelay $0x1  }
0xf9: {  	v19 =	vadd.f32 v20, v19;
	_ =	sdelay $0x1  }
0xfa: {  	v19 =	vadd.f32 v21, v19  }
0xfb: {  	v20 =	vld.idx.msk [tilespmem:v22+s1+$0x0], $0xffff  }
0xfc: {  	v19 =	vmul.f32 v19, v18;
	_ =	sdelay $0x1  }
0xfd: {  	v19 =	vadd.f32 v19, v14;
	_ =	sdelay $0x1  }
0xfe: {  	v19 =	vmax.f32 v19, $0.0e+00  }
0xff: {  	v20 =	vmax.f32 v20, v19  }
0x100: {  	[tilespmem:v22+s1+$0x0] =	vst.idx.msk $0xffff, v20;
	v20 =	vor.u32 s17, v7  }
0x101: {  	[tilespmem:v22+s3+$0x0] =	vst.idx.add.f32.msk $0xffff, v19  }
0x102: {  	v19 =	vld [tilespmem:s9+$0x50]  }
0x103: {  	v21 =	vld [tilespmem:s9+$0x5050]  }
0x104: {  	v22 =	vld [tilespmem:s9+$0xA050]  }
0x105: {  	v23 =	vld.idx.msk [tilespmem:v20+s1+$0x0], $0xffff;
	_ =	sdelay $0x2  }
0x106: {  	v19 =	vadd.f32 v21, v19;
	_ =	sdelay $0x1  }
0x107: {  	v19 =	vadd.f32 v22, v19;
	_ =	sdelay $0x1  }
0x108: {  	v19 =	vmul.f32 v19, v18;
	_ =	sdelay $0x1  }
0x109: {  	v19 =	vadd.f32 v19, v15;
	_ =	sdelay $0x1  }
0x10a: {  	v19 =	vmax.f32 v19, $0.0e+00  }
0x10b: {  	v21 =	vmax.f32 v23, v19  }
0x10c: {  	[tilespmem:v20+s1+$0x0] =	vst.idx.msk $0xffff, v21;
	v21 =	vor.u32 s17, v8  }
0x10d: {  	[tilespmem:v20+s3+$0x0] =	vst.idx.add.f32.msk $0xffff, v19  }
0x10e: {  	v19 =	vld [tilespmem:s9+$0x60]  }
0x10f: {  	v20 =	vld [tilespmem:s9+$0x5060]  }
0x110: {  	v22 =	vld [tilespmem:s9+$0xA060]  }
0x111: {  	v23 =	vld.idx.msk [tilespmem:v21+s1+$0x0], $0xffff;
	_ =	sdelay $0x2  }
0x112: {  	v19 =	vadd.f32 v20, v19;
	_ =	sdelay $0x1  }
0x113: {  	v19 =	vadd.f32 v22, v19;
	_ =	sdelay $0x1  }
0x114: {  	v19 =	vmul.f32 v19, v18;
	_ =	sdelay $0x1  }
0x115: {  	v19 =	vadd.f32 v19, v17;
	_ =	sdelay $0x1  }
0x116: {  	v20 =	vmax.f32 v19, $0.0e+00  }
0x117: {  	v19 =	vmax.f32 v23, v20  }
0x118: {  	[tilespmem:v21+s1+$0x0] =	vst.idx.msk $0xffff, v19;
	v19 =	vor.u32 s17, v9  }
0x119: {  	[tilespmem:v21+s3+$0x0] =	vst.idx.add.f32.msk $0xffff, v20  }
0x11a: {  	v21 =	vld [tilespmem:s9+$0x70]  }
0x11b: {  	v22 =	vld [tilespmem:s9+$0x5070]  }
0x11c: {  	v23 =	vld [tilespmem:s9+$0xA070]  }
0x11d: {  	v20 =	vld.idx.msk [tilespmem:v19+s1+$0x0], $0xffff  }
.Ltmp3:
0x11e: {  	(pc) =	sbr.rel @p1 .LBB2_4-.Ltmp3, $3  }
0x11f: {  	_ = 	snop  }
0x120: {  	v21 =	vadd.f32 v22, v21;
	_ =	sdelay $0x1  }
0x121: {  	v21 =	vadd.f32 v23, v21  }
0x122: {  	_ = 	snop  }
0x123: {  	v10 =	vmul.f32 v21, v18;
	_ =	sdelay $0x1  }
0x124: {  	v10 =	vadd.f32 v10, v16;
	_ =	sdelay $0x1  }
0x125: {  	v10 =	vmax.f32 v10, $0.0e+00  }
0x126: {  	v11 =	vmax.f32 v20, v10  }
0x127: {  	[tilespmem:v19+s1+$0x0] =	vst.idx.msk $0xffff, v11  }
0x128: {  	s8 =	simm.s32 $0x0;
	[tilespmem:v19+s3+$0x0] =	vst.idx.add.f32.msk $0xffff, v10  }
0x129: {  	[tilespmem:s8], [sflag:$0x1] =	stream.linear.gather [hbm4b:s11+s8], $0x2800, $0x38;
	[tilespmem:$0x13280] =	vst v63  }
0x12a: {  	s9 =	simm.s32 $0x5000  }
0x12b: {  	[tilespmem:s9], [sflag:$0x1] =	stream.linear.gather [hbm4b:s12+s8], $0x2800, $0x38;
	[tilespmem:$0x13280] =	vst v63  }
0x12c: {  	s17 =	simm.s32 $0xA000  }
0x12d: {  	[tilespmem:s17], [sflag:$0x1] =	stream.linear.gather [hbm4b:s13+s8], $0x2800, $0x38;
	[tilespmem:$0x13280] =	vst v63  }
0x12e: {  	s17 =	simm.s32 $0xF000  }
0x12f: {  	[tilespmem:s17], [sflag:$0x1] =	stream.linear.gather [hbm4b:s20+s8], $0x50, $0x38;
	[tilespmem:$0x13280] =	vst v63  }
0x130: {  	_ = 	snop  }
0x131: {  	[tilespmem:s0], [sflag:$0x1] =	stream.linear.gather [hbm4b:s21+s8], $0x50, $0x38;
	[tilespmem:$0x13280] =	vst v63  }
0x132: {  	_ =	swait.ge [sflag:s4], $0x2800  }
0x133: {  	[sflag:s4] =	ssyncset.done $0x0  }
0x134: {  	[sflag:s4] =	ssyncadd.s32 $0xFFFFD800  }
0x135: {  	_ =	swait.ge [sflag:s4], $0x2800  }
0x136: {  	[sflag:s4] =	ssyncset.done $0x0  }
0x137: {  	[sflag:s4] =	ssyncadd.s32 $0xFFFFD800  }
0x138: {  	_ =	swait.ge [sflag:s4], $0x2800  }
0x139: {  	[sflag:s4] =	ssyncset.done $0x0  }
0x13a: {  	[sflag:s4] =	ssyncadd.s32 $0xFFFFD800  }
0x13b: {  	_ =	swait.ge [sflag:s4], $0x50  }
0x13c: {  	[sflag:s4] =	ssyncset.done $0x0  }
0x13d: {  	[sflag:s4] =	ssyncadd.s32 $0xFFFFFFB0  }
0x13e: {  	_ =	swait.ge [sflag:s4], $0x50  }
0x13f: {  	[sflag:s4] =	ssyncset.done $0x0  }
0x140: {  	s8 =	simm.s32 $0xF180;
	[sflag:s4] =	ssyncadd.s32 $0xFFFFFFB0  }
0x141: {  	v10 =	vld [tilespmem:s8+$0x0];
	_ =	sdelay $0x4  }
0x142: {  	(v2sf) =	vpush v10, $0x0;
	_ =	sdelay $0xa  }
0x143: {  	s9 =	simm.s32 $0x0  }
0x144: {  	v11 =	vld [tilespmem:s9+$0x2800]  }
0x145: {  	v10 =	vld [tilespmem:s9+$0x7800];
	_ =	sdelay $0x1  }
0x146: {  	v12 =	vld [tilespmem:s9+$0xC800];
	s17 =	spop (v2sf)  }
0x147: {  	s30 =	simm.s32 $0xF080;
	s17 =	sshll.u32 s17, $0x7  }
0x148: {  	v18 =	vld.msk [tilespmem:s30+$0x0 ss:$0x0], $0xffff;
	v19 =	vor.u32 s17, v0  }
0x149: {  	v13 =	vadd.f32 v10, v11  }
0x14a: {  	v10 =	vld [tilespmem:$0xF200]  }
0x14b: {  	v13 =	vadd.f32 v12, v13  }
0x14c: {  	v14 =	vld [tilespmem:$0xF240]  }
0x14d: {  	v15 =	vmul.f32 v13, v18;
	v20 =	vld.idx.msk [tilespmem:v19+s1+$0x0], $0xffff  }
0x14e: {  	v17 =	vld [tilespmem:$0xF260]  }
0x14f: {  	v11 =	vld [tilespmem:$0xF210];
	v16 =	vadd.f32 v15, v10  }
0x150: {  	v12 =	vld [tilespmem:$0xF220]  }
0x151: {  	v13 =	vld [tilespmem:$0xF230];
	v21 =	vmax.f32 v16, $0.0e+00  }
0x152: {  	v15 =	vld [tilespmem:$0xF250];
	v20 =	vmax.f32 v20, v21  }
0x153: {  	v16 =	vld [tilespmem:$0xF270];
	[tilespmem:v19+s1+$0x0] =	vst.idx.msk $0xffff, v20  }
0x154: {  	[tilespmem:v19+s3+$0x0] =	vst.idx.add.f32.msk $0xffff, v21  }
0x155: {  	v19 =	vld [tilespmem:s9+$0x2810]  }
0x156: {  	v20 =	vld [tilespmem:s9+$0x7810];
	_ =	sdelay $0x1  }
0x157: {  	v21 =	vld [tilespmem:s9+$0xC810];
	_ =	sdelay $0x1  }
0x158: {  	v22 =	vor.u32 s17, v3  }
0x159: {  	v19 =	vadd.f32 v20, v19;
	_ =	sdelay $0x1  }
0x15a: {  	v19 =	vadd.f32 v21, v19;
	_ =	sdelay $0x1  }
0x15b: {  	v20 =	vld.idx.msk [tilespmem:v22+s1+$0x0], $0xffff;
	v19 =	vmul.f32 v19, v18;
	_ =	sdelay $0x1  }
0x15c: {  	v19 =	vadd.f32 v19, v11;
	_ =	sdelay $0x1  }
0x15d: {  	v19 =	vmax.f32 v19, $0.0e+00  }
0x15e: {  	v20 =	vmax.f32 v20, v19  }
0x15f: {  	[tilespmem:v22+s1+$0x0] =	vst.idx.msk $0xffff, v20  }
0x160: {  	[tilespmem:v22+s3+$0x0] =	vst.idx.add.f32.msk $0xffff, v19  }
0x161: {  	v19 =	vld [tilespmem:s9+$0x2820]  }
0x162: {  	v20 =	vld [tilespmem:s9+$0x7820];
	_ =	sdelay $0x1  }
0x163: {  	v21 =	vld [tilespmem:s9+$0xC820];
	_ =	sdelay $0x1  }
0x164: {  	v22 =	vor.u32 s17, v4  }
0x165: {  	v19 =	vadd.f32 v20, v19;
	_ =	sdelay $0x1  }
0x166: {  	v19 =	vadd.f32 v21, v19;
	_ =	sdelay $0x1  }
0x167: {  	v20 =	vld.idx.msk [tilespmem:v22+s1+$0x0], $0xffff;
	v19 =	vmul.f32 v19, v18;
	_ =	sdelay $0x1  }
0x168: {  	v19 =	vadd.f32 v19, v12;
	_ =	sdelay $0x1  }
0x169: {  	v19 =	vmax.f32 v19, $0.0e+00  }
0x16a: {  	v20 =	vmax.f32 v20, v19  }
0x16b: {  	[tilespmem:v22+s1+$0x0] =	vst.idx.msk $0xffff, v20  }
0x16c: {  	[tilespmem:v22+s3+$0x0] =	vst.idx.add.f32.msk $0xffff, v19  }
0x16d: {  	v19 =	vld [tilespmem:s9+$0x2830]  }
0x16e: {  	v20 =	vld [tilespmem:s9+$0x7830];
	_ =	sdelay $0x1  }
0x16f: {  	v21 =	vld [tilespmem:s9+$0xC830];
	_ =	sdelay $0x1  }
0x170: {  	v22 =	vor.u32 s17, v5  }
0x171: {  	v19 =	vadd.f32 v20, v19;
	_ =	sdelay $0x1  }
0x172: {  	v19 =	vadd.f32 v21, v19;
	_ =	sdelay $0x1  }
0x173: {  	v20 =	vld.idx.msk [tilespmem:v22+s1+$0x0], $0xffff;
	v19 =	vmul.f32 v19, v18;
	_ =	sdelay $0x1  }
0x174: {  	v19 =	vadd.f32 v19, v13;
	_ =	sdelay $0x1  }
0x175: {  	v19 =	vmax.f32 v19, $0.0e+00  }
0x176: {  	v20 =	vmax.f32 v20, v19  }
0x177: {  	[tilespmem:v22+s1+$0x0] =	vst.idx.msk $0xffff, v20  }
0x178: {  	[tilespmem:v22+s3+$0x0] =	vst.idx.add.f32.msk $0xffff, v19  }
0x179: {  	v19 =	vld [tilespmem:s9+$0x2840]  }
0x17a: {  	v20 =	vld [tilespmem:s9+$0x7840];
	_ =	sdelay $0x1  }
0x17b: {  	v21 =	vld [tilespmem:s9+$0xC840];
	_ =	sdelay $0x1  }
0x17c: {  	v22 =	vor.u32 s17, v6  }
0x17d: {  	v19 =	vadd.f32 v20, v19;
	_ =	sdelay $0x1  }
0x17e: {  	v19 =	vadd.f32 v21, v19;
	_ =	sdelay $0x1  }
0x17f: {  	v20 =	vld.idx.msk [tilespmem:v22+s1+$0x0], $0xffff;
	v19 =	vmul.f32 v19, v18;
	_ =	sdelay $0x1  }
0x180: {  	v19 =	vadd.f32 v19, v14;
	_ =	sdelay $0x1  }
0x181: {  	v19 =	vmax.f32 v19, $0.0e+00  }
0x182: {  	v20 =	vmax.f32 v20, v19  }
0x183: {  	[tilespmem:v22+s1+$0x0] =	vst.idx.msk $0xffff, v20  }
0x184: {  	[tilespmem:v22+s3+$0x0] =	vst.idx.add.f32.msk $0xffff, v19  }
0x185: {  	v19 =	vld [tilespmem:s9+$0x2850]  }
0x186: {  	v20 =	vld [tilespmem:s9+$0x7850];
	_ =	sdelay $0x1  }
0x187: {  	v21 =	vld [tilespmem:s9+$0xC850];
	_ =	sdelay $0x1  }
0x188: {  	v22 =	vor.u32 s17, v7  }
0x189: {  	v19 =	vadd.f32 v20, v19;
	_ =	sdelay $0x1  }
0x18a: {  	v19 =	vadd.f32 v21, v19;
	_ =	sdelay $0x1  }
0x18b: {  	v20 =	vld.idx.msk [tilespmem:v22+s1+$0x0], $0xffff;
	v19 =	vmul.f32 v19, v18;
	_ =	sdelay $0x1  }
0x18c: {  	v19 =	vadd.f32 v19, v15;
	_ =	sdelay $0x1  }
0x18d: {  	v19 =	vmax.f32 v19, $0.0e+00  }
0x18e: {  	v20 =	vmax.f32 v20, v19  }
0x18f: {  	[tilespmem:v22+s1+$0x0] =	vst.idx.msk $0xffff, v20  }
0x190: {  	[tilespmem:v22+s3+$0x0] =	vst.idx.add.f32.msk $0xffff, v19  }
0x191: {  	v19 =	vld [tilespmem:s9+$0x2860]  }
0x192: {  	v20 =	vld [tilespmem:s9+$0x7860];
	_ =	sdelay $0x1  }
0x193: {  	v21 =	vld [tilespmem:s9+$0xC860];
	_ =	sdelay $0x1  }
0x194: {  	v22 =	vor.u32 s17, v8  }
0x195: {  	v19 =	vadd.f32 v20, v19;
	_ =	sdelay $0x1  }
0x196: {  	v19 =	vadd.f32 v21, v19;
	_ =	sdelay $0x1  }
0x197: {  	v20 =	vld.idx.msk [tilespmem:v22+s1+$0x0], $0xffff;
	v19 =	vmul.f32 v19, v18;
	_ =	sdelay $0x1  }
0x198: {  	v19 =	vadd.f32 v19, v17;
	_ =	sdelay $0x1  }
0x199: {  	v19 =	vmax.f32 v19, $0.0e+00  }
0x19a: {  	v20 =	vmax.f32 v20, v19  }
0x19b: {  	[tilespmem:v22+s1+$0x0] =	vst.idx.msk $0xffff, v20  }
0x19c: {  	[tilespmem:v22+s3+$0x0] =	vst.idx.add.f32.msk $0xffff, v19  }
0x19d: {  	v20 =	vld [tilespmem:s9+$0x2870]  }
0x19e: {  	v21 =	vld [tilespmem:s9+$0x7870];
	_ =	sdelay $0x1  }
0x19f: {  	v19 =	vor.u32 s17, v9;
	v22 =	vld [tilespmem:s9+$0xC870];
	_ =	sdelay $0x2  }
0x1a0: {  	v21 =	vadd.f32 v21, v20;
	_ =	sdelay $0x1  }
0x1a1: {  	s31 =	simm.s32 $0x200;
	v20 =	vld.idx.msk [tilespmem:v19+s1+$0x0], $0xffff;
	v21 =	vadd.f32 v22, v21  }
.LBB2_6:
0x1a2: {  	p1 =	sne.s32 s31, $0x9E00;
	s30 =	sadd.s32 $0x1, s30;
	s8 =	sadd.s32 $0x1, s8  }
0x1a3: {  	s9 =	smov.u32 s31;
	s31 =	sadd.s32 $0x200, s31;
	v18 =	vmul.f32 v21, v18;
	_ =	sdelay $0x1  }
0x1a4: {  	v18 =	vadd.f32 v18, v16;
	_ =	sdelay $0x1  }
0x1a5: {  	v18 =	vmax.f32 v18, $0.0e+00  }
0x1a6: {  	v20 =	vmax.f32 v20, v18  }
0x1a7: {  	[tilespmem:v19+s1+$0x0] =	vst.idx.msk $0xffff, v20  }
0x1a8: {  	[tilespmem:v19+s3+$0x0] =	vst.idx.add.f32.msk $0xffff, v18  }
0x1a9: {  	v18 =	vld [tilespmem:s8+$0x0];
	_ =	sdelay $0x4  }
0x1aa: {  	(v2sf) =	vpush v18, $0x0;
	_ =	sdelay $0xb  }
0x1ab: {  	s9 =	sshra.s32 s9, $0x2  }
0x1ac: {  	v19 =	vld [tilespmem:s9+$0x7800]  }
0x1ad: {  	v20 =	vld [tilespmem:s9+$0x2800]  }
0x1ae: {  	s17 =	spop (v2sf)  }
0x1af: {  	s17 =	sshll.u32 s17, $0x7;
	v21 =	vld [tilespmem:s9+$0xC800]  }
0x1b0: {  	v18 =	vld.msk [tilespmem:s30+$0x0 ss:$0x0], $0xffff;
	v22 =	vor.u32 s17, v0;
	_ =	sdelay $0x1  }
0x1b1: {  	v19 =	vadd.f32 v19, v20;
	_ =	sdelay $0x1  }
0x1b2: {  	v19 =	vadd.f32 v21, v19  }
0x1b3: {  	v20 =	vld.idx.msk [tilespmem:v22+s1+$0x0], $0xffff  }
0x1b4: {  	v19 =	vmul.f32 v19, v18;
	_ =	sdelay $0x1  }
0x1b5: {  	v19 =	vadd.f32 v19, v10;
	_ =	sdelay $0x1  }
0x1b6: {  	v19 =	vmax.f32 v19, $0.0e+00  }
0x1b7: {  	v20 =	vmax.f32 v20, v19  }
0x1b8: {  	[tilespmem:v22+s1+$0x0] =	vst.idx.msk $0xffff, v20  }
0x1b9: {  	[tilespmem:v22+s3+$0x0] =	vst.idx.add.f32.msk $0xffff, v19  }
0x1ba: {  	v19 =	vld [tilespmem:s9+$0x2810]  }
0x1bb: {  	v20 =	vld [tilespmem:s9+$0x7810]  }
0x1bc: {  	v21 =	vld [tilespmem:s9+$0xC810];
	_ =	sdelay $0x1  }
0x1bd: {  	v22 =	vor.u32 s17, v3;
	_ =	sdelay $0x1  }
0x1be: {  	v19 =	vadd.f32 v20, v19;
	_ =	sdelay $0x1  }
0x1bf: {  	v19 =	vadd.f32 v21, v19  }
0x1c0: {  	v20 =	vld.idx.msk [tilespmem:v22+s1+$0x0], $0xffff  }
0x1c1: {  	v19 =	vmul.f32 v19, v18;
	_ =	sdelay $0x1  }
0x1c2: {  	v19 =	vadd.f32 v19, v11;
	_ =	sdelay $0x1  }
0x1c3: {  	v19 =	vmax.f32 v19, $0.0e+00  }
0x1c4: {  	v20 =	vmax.f32 v20, v19  }
0x1c5: {  	[tilespmem:v22+s1+$0x0] =	vst.idx.msk $0xffff, v20  }
0x1c6: {  	[tilespmem:v22+s3+$0x0] =	vst.idx.add.f32.msk $0xffff, v19  }
0x1c7: {  	v19 =	vld [tilespmem:s9+$0x2820]  }
0x1c8: {  	v20 =	vld [tilespmem:s9+$0x7820];
	_ =	sdelay $0x1  }
0x1c9: {  	v21 =	vld [tilespmem:s9+$0xC820]  }
0x1ca: {  	v22 =	vor.u32 s17, v4;
	_ =	sdelay $0x1  }
0x1cb: {  	v19 =	vadd.f32 v20, v19;
	_ =	sdelay $0x1  }
0x1cc: {  	v19 =	vadd.f32 v21, v19  }
0x1cd: {  	v20 =	vld.idx.msk [tilespmem:v22+s1+$0x0], $0xffff  }
0x1ce: {  	v19 =	vmul.f32 v19, v18;
	_ =	sdelay $0x1  }
0x1cf: {  	v19 =	vadd.f32 v19, v12;
	_ =	sdelay $0x1  }
0x1d0: {  	v19 =	vmax.f32 v19, $0.0e+00  }
0x1d1: {  	v20 =	vmax.f32 v20, v19  }
0x1d2: {  	[tilespmem:v22+s1+$0x0] =	vst.idx.msk $0xffff, v20  }
0x1d3: {  	[tilespmem:v22+s3+$0x0] =	vst.idx.add.f32.msk $0xffff, v19  }
0x1d4: {  	v19 =	vld [tilespmem:s9+$0x2830]  }
0x1d5: {  	v20 =	vld [tilespmem:s9+$0x7830]  }
0x1d6: {  	v21 =	vld [tilespmem:s9+$0xC830];
	_ =	sdelay $0x1  }
0x1d7: {  	v22 =	vor.u32 s17, v5;
	_ =	sdelay $0x1  }
0x1d8: {  	v19 =	vadd.f32 v20, v19;
	_ =	sdelay $0x1  }
0x1d9: {  	v19 =	vadd.f32 v21, v19  }
0x1da: {  	v20 =	vld.idx.msk [tilespmem:v22+s1+$0x0], $0xffff  }
0x1db: {  	v19 =	vmul.f32 v19, v18;
	_ =	sdelay $0x1  }
0x1dc: {  	v19 =	vadd.f32 v19, v13;
	_ =	sdelay $0x1  }
0x1dd: {  	v19 =	vmax.f32 v19, $0.0e+00  }
0x1de: {  	v20 =	vmax.f32 v20, v19  }
0x1df: {  	[tilespmem:v22+s1+$0x0] =	vst.idx.msk $0xffff, v20  }
0x1e0: {  	[tilespmem:v22+s3+$0x0] =	vst.idx.add.f32.msk $0xffff, v19  }
0x1e1: {  	v19 =	vld [tilespmem:s9+$0x2840]  }
0x1e2: {  	v20 =	vld [tilespmem:s9+$0x7840];
	_ =	sdelay $0x1  }
0x1e3: {  	v21 =	vld [tilespmem:s9+$0xC840]  }
0x1e4: {  	v22 =	vor.u32 s17, v6;
	_ =	sdelay $0x1  }
0x1e5: {  	v19 =	vadd.f32 v20, v19;
	_ =	sdelay $0x1  }
0x1e6: {  	v19 =	vadd.f32 v21, v19  }
0x1e7: {  	v20 =	vld.idx.msk [tilespmem:v22+s1+$0x0], $0xffff  }
0x1e8: {  	v19 =	vmul.f32 v19, v18;
	_ =	sdelay $0x1  }
0x1e9: {  	v19 =	vadd.f32 v19, v14;
	_ =	sdelay $0x1  }
0x1ea: {  	v19 =	vmax.f32 v19, $0.0e+00  }
0x1eb: {  	v20 =	vmax.f32 v20, v19  }
0x1ec: {  	[tilespmem:v22+s1+$0x0] =	vst.idx.msk $0xffff, v20;
	v20 =	vor.u32 s17, v7  }
0x1ed: {  	[tilespmem:v22+s3+$0x0] =	vst.idx.add.f32.msk $0xffff, v19  }
0x1ee: {  	v19 =	vld [tilespmem:s9+$0x2850]  }
0x1ef: {  	v21 =	vld [tilespmem:s9+$0x7850]  }
0x1f0: {  	v22 =	vld [tilespmem:s9+$0xC850]  }
0x1f1: {  	v23 =	vld.idx.msk [tilespmem:v20+s1+$0x0], $0xffff;
	_ =	sdelay $0x2  }
0x1f2: {  	v19 =	vadd.f32 v21, v19;
	_ =	sdelay $0x1  }
0x1f3: {  	v19 =	vadd.f32 v22, v19;
	_ =	sdelay $0x1  }
0x1f4: {  	v19 =	vmul.f32 v19, v18;
	_ =	sdelay $0x1  }
0x1f5: {  	v19 =	vadd.f32 v19, v15;
	_ =	sdelay $0x1  }
0x1f6: {  	v19 =	vmax.f32 v19, $0.0e+00  }
0x1f7: {  	v21 =	vmax.f32 v23, v19  }
0x1f8: {  	[tilespmem:v20+s1+$0x0] =	vst.idx.msk $0xffff, v21;
	v21 =	vor.u32 s17, v8  }
0x1f9: {  	[tilespmem:v20+s3+$0x0] =	vst.idx.add.f32.msk $0xffff, v19  }
0x1fa: {  	v19 =	vld [tilespmem:s9+$0x2860]  }
0x1fb: {  	v20 =	vld [tilespmem:s9+$0x7860]  }
0x1fc: {  	v22 =	vld [tilespmem:s9+$0xC860]  }
0x1fd: {  	v23 =	vld.idx.msk [tilespmem:v21+s1+$0x0], $0xffff;
	_ =	sdelay $0x2  }
0x1fe: {  	v19 =	vadd.f32 v20, v19;
	_ =	sdelay $0x1  }
0x1ff: {  	v19 =	vadd.f32 v22, v19;
	_ =	sdelay $0x1  }
0x200: {  	v19 =	vmul.f32 v19, v18;
	_ =	sdelay $0x1  }
0x201: {  	v19 =	vadd.f32 v19, v17;
	_ =	sdelay $0x1  }
0x202: {  	v20 =	vmax.f32 v19, $0.0e+00  }
0x203: {  	v19 =	vmax.f32 v23, v20  }
0x204: {  	[tilespmem:v21+s1+$0x0] =	vst.idx.msk $0xffff, v19;
	v19 =	vor.u32 s17, v9  }
0x205: {  	[tilespmem:v21+s3+$0x0] =	vst.idx.add.f32.msk $0xffff, v20  }
0x206: {  	v21 =	vld [tilespmem:s9+$0x2870]  }
0x207: {  	v22 =	vld [tilespmem:s9+$0x7870]  }
0x208: {  	v23 =	vld [tilespmem:s9+$0xC870]  }
0x209: {  	v20 =	vld.idx.msk [tilespmem:v19+s1+$0x0], $0xffff  }
.Ltmp4:
0x20a: {  	(pc) =	sbr.rel @p1 .LBB2_6-.Ltmp4, $3  }
0x20b: {  	_ = 	snop  }
0x20c: {  	v21 =	vadd.f32 v22, v21;
	_ =	sdelay $0x1  }
0x20d: {  	v21 =	vadd.f32 v23, v21  }
0x20e: {  	_ = 	snop  }
0x20f: {  	v10 =	vmul.f32 v21, v18;
	_ =	sdelay $0x1  }
0x210: {  	v10 =	vadd.f32 v10, v16;
	_ =	sdelay $0x1  }
0x211: {  	v10 =	vmax.f32 v10, $0.0e+00  }
0x212: {  	v11 =	vmax.f32 v20, v10  }
0x213: {  	[tilespmem:v19+s1+$0x0] =	vst.idx.msk $0xffff, v11  }
0x214: {  	s8 =	simm.s32 @!p0 $0x0;
	s9 =	simm.s32 @!p0 $0x2800;
	[tilespmem:v19+s3+$0x0] =	vst.idx.add.f32.msk $0xffff, v10  }
0x215: {  	[tilespmem:s9], [sflag:$0x2] =	stream.linear.gather @!p0 [hbm4b:s14+s8], $0x2800, $0x38;
	[tilespmem:$0x13280] =	vst v63  }
0x216: {  	s9 =	simm.s32 @!p0 $0x7800  }
0x217: {  	[tilespmem:s9], [sflag:$0x2] =	stream.linear.gather @!p0 [hbm4b:s15+s8], $0x2800, $0x38;
	[tilespmem:$0x13280] =	vst v63  }
0x218: {  	s9 =	simm.s32 @!p0 $0xC800  }
0x219: {  	[tilespmem:s9], [sflag:$0x2] =	stream.linear.gather @!p0 [hbm4b:s16+s8], $0x2800, $0x38;
	[tilespmem:$0x13280] =	vst v63  }
0x21a: {  	s9 =	simm.s32 @!p0 $0xF080  }
0x21b: {  	[tilespmem:s9], [sflag:$0x2] =	stream.linear.gather @!p0 [hbm4b:s22+s8], $0x50, $0x38;
	[tilespmem:$0x13280] =	vst v63  }
0x21c: {  	s9 =	simm.s32 @!p0 $0xF180  }
0x21d: {  	[tilespmem:s9], [sflag:$0x2] =	stream.linear.gather @!p0 [hbm4b:s23+s8], $0x50, $0x38;
	[tilespmem:$0x13280] =	vst v63  }
0x21e: {  	_ =	swait.ge [sflag:s28], $0x2800  }
0x21f: {  	[sflag:s28] =	ssyncset.done $0x0  }
0x220: {  	[sflag:s28] =	ssyncadd.s32 $0xFFFFD800  }
0x221: {  	_ =	swait.ge [sflag:s28], $0x2800  }
0x222: {  	[sflag:s28] =	ssyncset.done $0x0  }
0x223: {  	[sflag:s28] =	ssyncadd.s32 $0xFFFFD800  }
0x224: {  	_ =	swait.ge [sflag:s28], $0x2800  }
0x225: {  	[sflag:s28] =	ssyncset.done $0x0  }
0x226: {  	[sflag:s28] =	ssyncadd.s32 $0xFFFFD800  }
0x227: {  	_ =	swait.ge [sflag:s28], $0x50  }
0x228: {  	[sflag:s28] =	ssyncset.done $0x0  }
0x229: {  	[sflag:s28] =	ssyncadd.s32 $0xFFFFFFB0  }
0x22a: {  	_ =	swait.ge [sflag:s28], $0x50  }
0x22b: {  	[sflag:s28] =	ssyncset.done $0x0  }
0x22c: {  	s8 =	simm.s32 $0xF100;
	[sflag:s28] =	ssyncadd.s32 $0xFFFFFFB0  }
0x22d: {  	v10 =	vld [tilespmem:s8+$0x0];
	_ =	sdelay $0x4  }
0x22e: {  	(v2sf) =	vpush v10, $0x0;
	_ =	sdelay $0xa  }
0x22f: {  	s9 =	simm.s32 $0x0  }
0x230: {  	v11 =	vld [tilespmem:s9+$0x0]  }
0x231: {  	v10 =	vld [tilespmem:s9+$0x5000];
	_ =	sdelay $0x1  }
0x232: {  	v12 =	vld [tilespmem:s9+$0xA000];
	s17 =	spop (v2sf)  }
0x233: {  	s30 =	simm.s32 $0xF000;
	s17 =	sshll.u32 s17, $0x7  }
0x234: {  	v18 =	vld.msk [tilespmem:s30+$0x0 ss:$0x0], $0xffff;
	v19 =	vor.u32 s17, v0  }
0x235: {  	v13 =	vadd.f32 v10, v11  }
0x236: {  	v10 =	vld [tilespmem:$0xF200]  }
0x237: {  	v13 =	vadd.f32 v12, v13  }
0x238: {  	v14 =	vld [tilespmem:$0xF240]  }
0x239: {  	v15 =	vmul.f32 v13, v18;
	v20 =	vld.idx.msk [tilespmem:v19+s1+$0x0], $0xffff  }
0x23a: {  	v17 =	vld [tilespmem:$0xF260]  }
0x23b: {  	v11 =	vld [tilespmem:$0xF210];
	v16 =	vadd.f32 v15, v10  }
0x23c: {  	v12 =	vld [tilespmem:$0xF220]  }
0x23d: {  	v13 =	vld [tilespmem:$0xF230];
	v21 =	vmax.f32 v16, $0.0e+00  }
0x23e: {  	v15 =	vld [tilespmem:$0xF250];
	v20 =	vmax.f32 v20, v21  }
0x23f: {  	v16 =	vld [tilespmem:$0xF270];
	[tilespmem:v19+s1+$0x0] =	vst.idx.msk $0xffff, v20  }
0x240: {  	[tilespmem:v19+s3+$0x0] =	vst.idx.add.f32.msk $0xffff, v21  }
0x241: {  	v19 =	vld [tilespmem:s9+$0x10]  }
0x242: {  	v20 =	vld [tilespmem:s9+$0x5010];
	_ =	sdelay $0x1  }
0x243: {  	v21 =	vld [tilespmem:s9+$0xA010];
	_ =	sdelay $0x1  }
0x244: {  	v22 =	vor.u32 s17, v3  }
0x245: {  	v19 =	vadd.f32 v20, v19;
	_ =	sdelay $0x1  }
0x246: {  	v19 =	vadd.f32 v21, v19;
	_ =	sdelay $0x1  }
0x247: {  	v20 =	vld.idx.msk [tilespmem:v22+s1+$0x0], $0xffff;
	v19 =	vmul.f32 v19, v18;
	_ =	sdelay $0x1  }
0x248: {  	v19 =	vadd.f32 v19, v11;
	_ =	sdelay $0x1  }
0x249: {  	v19 =	vmax.f32 v19, $0.0e+00  }
0x24a: {  	v20 =	vmax.f32 v20, v19  }
0x24b: {  	[tilespmem:v22+s1+$0x0] =	vst.idx.msk $0xffff, v20  }
0x24c: {  	[tilespmem:v22+s3+$0x0] =	vst.idx.add.f32.msk $0xffff, v19  }
0x24d: {  	v19 =	vld [tilespmem:s9+$0x20]  }
0x24e: {  	v20 =	vld [tilespmem:s9+$0x5020];
	_ =	sdelay $0x1  }
0x24f: {  	v21 =	vld [tilespmem:s9+$0xA020];
	_ =	sdelay $0x1  }
0x250: {  	v22 =	vor.u32 s17, v4  }
0x251: {  	v19 =	vadd.f32 v20, v19;
	_ =	sdelay $0x1  }
0x252: {  	v19 =	vadd.f32 v21, v19;
	_ =	sdelay $0x1  }
0x253: {  	v20 =	vld.idx.msk [tilespmem:v22+s1+$0x0], $0xffff;
	v19 =	vmul.f32 v19, v18;
	_ =	sdelay $0x1  }
0x254: {  	v19 =	vadd.f32 v19, v12;
	_ =	sdelay $0x1  }
0x255: {  	v19 =	vmax.f32 v19, $0.0e+00  }
0x256: {  	v20 =	vmax.f32 v20, v19  }
0x257: {  	[tilespmem:v22+s1+$0x0] =	vst.idx.msk $0xffff, v20  }
0x258: {  	[tilespmem:v22+s3+$0x0] =	vst.idx.add.f32.msk $0xffff, v19  }
0x259: {  	v19 =	vld [tilespmem:s9+$0x30]  }
0x25a: {  	v20 =	vld [tilespmem:s9+$0x5030];
	_ =	sdelay $0x1  }
0x25b: {  	v21 =	vld [tilespmem:s9+$0xA030];
	_ =	sdelay $0x1  }
0x25c: {  	v22 =	vor.u32 s17, v5  }
0x25d: {  	v19 =	vadd.f32 v20, v19;
	_ =	sdelay $0x1  }
0x25e: {  	v19 =	vadd.f32 v21, v19;
	_ =	sdelay $0x1  }
0x25f: {  	v20 =	vld.idx.msk [tilespmem:v22+s1+$0x0], $0xffff;
	v19 =	vmul.f32 v19, v18;
	_ =	sdelay $0x1  }
0x260: {  	v19 =	vadd.f32 v19, v13;
	_ =	sdelay $0x1  }
0x261: {  	v19 =	vmax.f32 v19, $0.0e+00  }
0x262: {  	v20 =	vmax.f32 v20, v19  }
0x263: {  	[tilespmem:v22+s1+$0x0] =	vst.idx.msk $0xffff, v20  }
0x264: {  	[tilespmem:v22+s3+$0x0] =	vst.idx.add.f32.msk $0xffff, v19  }
0x265: {  	v19 =	vld [tilespmem:s9+$0x40]  }
0x266: {  	v20 =	vld [tilespmem:s9+$0x5040];
	_ =	sdelay $0x1  }
0x267: {  	v21 =	vld [tilespmem:s9+$0xA040];
	_ =	sdelay $0x1  }
0x268: {  	v22 =	vor.u32 s17, v6  }
0x269: {  	v19 =	vadd.f32 v20, v19;
	_ =	sdelay $0x1  }
0x26a: {  	v19 =	vadd.f32 v21, v19;
	_ =	sdelay $0x1  }
0x26b: {  	v20 =	vld.idx.msk [tilespmem:v22+s1+$0x0], $0xffff;
	v19 =	vmul.f32 v19, v18;
	_ =	sdelay $0x1  }
0x26c: {  	v19 =	vadd.f32 v19, v14;
	_ =	sdelay $0x1  }
0x26d: {  	v19 =	vmax.f32 v19, $0.0e+00  }
0x26e: {  	v20 =	vmax.f32 v20, v19  }
0x26f: {  	[tilespmem:v22+s1+$0x0] =	vst.idx.msk $0xffff, v20  }
0x270: {  	[tilespmem:v22+s3+$0x0] =	vst.idx.add.f32.msk $0xffff, v19  }
0x271: {  	v19 =	vld [tilespmem:s9+$0x50]  }
0x272: {  	v20 =	vld [tilespmem:s9+$0x5050];
	_ =	sdelay $0x1  }
0x273: {  	v21 =	vld [tilespmem:s9+$0xA050];
	_ =	sdelay $0x1  }
0x274: {  	v22 =	vor.u32 s17, v7  }
0x275: {  	v19 =	vadd.f32 v20, v19;
	_ =	sdelay $0x1  }
0x276: {  	v19 =	vadd.f32 v21, v19;
	_ =	sdelay $0x1  }
0x277: {  	v20 =	vld.idx.msk [tilespmem:v22+s1+$0x0], $0xffff;
	v19 =	vmul.f32 v19, v18;
	_ =	sdelay $0x1  }
0x278: {  	v19 =	vadd.f32 v19, v15;
	_ =	sdelay $0x1  }
0x279: {  	v19 =	vmax.f32 v19, $0.0e+00  }
0x27a: {  	v20 =	vmax.f32 v20, v19  }
0x27b: {  	[tilespmem:v22+s1+$0x0] =	vst.idx.msk $0xffff, v20  }
0x27c: {  	[tilespmem:v22+s3+$0x0] =	vst.idx.add.f32.msk $0xffff, v19  }
0x27d: {  	v19 =	vld [tilespmem:s9+$0x60]  }
0x27e: {  	v20 =	vld [tilespmem:s9+$0x5060];
	_ =	sdelay $0x1  }
0x27f: {  	v21 =	vld [tilespmem:s9+$0xA060];
	_ =	sdelay $0x1  }
0x280: {  	v22 =	vor.u32 s17, v8  }
0x281: {  	v19 =	vadd.f32 v20, v19;
	_ =	sdelay $0x1  }
0x282: {  	v19 =	vadd.f32 v21, v19;
	_ =	sdelay $0x1  }
0x283: {  	v20 =	vld.idx.msk [tilespmem:v22+s1+$0x0], $0xffff;
	v19 =	vmul.f32 v19, v18;
	_ =	sdelay $0x1  }
0x284: {  	v19 =	vadd.f32 v19, v17;
	_ =	sdelay $0x1  }
0x285: {  	v19 =	vmax.f32 v19, $0.0e+00  }
0x286: {  	v20 =	vmax.f32 v20, v19  }
0x287: {  	[tilespmem:v22+s1+$0x0] =	vst.idx.msk $0xffff, v20  }
0x288: {  	[tilespmem:v22+s3+$0x0] =	vst.idx.add.f32.msk $0xffff, v19  }
0x289: {  	v20 =	vld [tilespmem:s9+$0x70]  }
0x28a: {  	v21 =	vld [tilespmem:s9+$0x5070];
	_ =	sdelay $0x1  }
0x28b: {  	v19 =	vor.u32 s17, v9;
	v22 =	vld [tilespmem:s9+$0xA070];
	_ =	sdelay $0x2  }
0x28c: {  	v21 =	vadd.f32 v21, v20;
	_ =	sdelay $0x1  }
0x28d: {  	s31 =	simm.s32 $0x200;
	v20 =	vld.idx.msk [tilespmem:v19+s1+$0x0], $0xffff;
	v21 =	vadd.f32 v22, v21  }
.LBB2_8:
0x28e: {  	p1 =	sne.s32 s31, $0x9E00;
	s30 =	sadd.s32 $0x1, s30;
	s8 =	sadd.s32 $0x1, s8  }
0x28f: {  	s9 =	smov.u32 s31;
	s31 =	sadd.s32 $0x200, s31;
	v18 =	vmul.f32 v21, v18;
	_ =	sdelay $0x1  }
0x290: {  	v18 =	vadd.f32 v18, v16;
	_ =	sdelay $0x1  }
0x291: {  	v18 =	vmax.f32 v18, $0.0e+00  }
0x292: {  	v20 =	vmax.f32 v20, v18  }
0x293: {  	[tilespmem:v19+s1+$0x0] =	vst.idx.msk $0xffff, v20  }
0x294: {  	[tilespmem:v19+s3+$0x0] =	vst.idx.add.f32.msk $0xffff, v18  }
0x295: {  	v18 =	vld [tilespmem:s8+$0x0];
	_ =	sdelay $0x4  }
0x296: {  	(v2sf) =	vpush v18, $0x0;
	_ =	sdelay $0xb  }
0x297: {  	s9 =	sshra.s32 s9, $0x2  }
0x298: {  	v19 =	vld [tilespmem:s9+$0x5000]  }
0x299: {  	v20 =	vld [tilespmem:s9+$0x0]  }
0x29a: {  	s17 =	spop (v2sf)  }
0x29b: {  	s17 =	sshll.u32 s17, $0x7;
	v21 =	vld [tilespmem:s9+$0xA000]  }
0x29c: {  	v18 =	vld.msk [tilespmem:s30+$0x0 ss:$0x0], $0xffff;
	v22 =	vor.u32 s17, v0;
	_ =	sdelay $0x1  }
0x29d: {  	v19 =	vadd.f32 v19, v20;
	_ =	sdelay $0x1  }
0x29e: {  	v19 =	vadd.f32 v21, v19  }
0x29f: {  	v20 =	vld.idx.msk [tilespmem:v22+s1+$0x0], $0xffff  }
0x2a0: {  	v19 =	vmul.f32 v19, v18;
	_ =	sdelay $0x1  }
0x2a1: {  	v19 =	vadd.f32 v19, v10;
	_ =	sdelay $0x1  }
0x2a2: {  	v19 =	vmax.f32 v19, $0.0e+00  }
0x2a3: {  	v20 =	vmax.f32 v20, v19  }
0x2a4: {  	[tilespmem:v22+s1+$0x0] =	vst.idx.msk $0xffff, v20  }
0x2a5: {  	[tilespmem:v22+s3+$0x0] =	vst.idx.add.f32.msk $0xffff, v19  }
0x2a6: {  	v19 =	vld [tilespmem:s9+$0x10]  }
0x2a7: {  	v20 =	vld [tilespmem:s9+$0x5010]  }
0x2a8: {  	v21 =	vld [tilespmem:s9+$0xA010];
	_ =	sdelay $0x1  }
0x2a9: {  	v22 =	vor.u32 s17, v3;
	_ =	sdelay $0x1  }
0x2aa: {  	v19 =	vadd.f32 v20, v19;
	_ =	sdelay $0x1  }
0x2ab: {  	v19 =	vadd.f32 v21, v19  }
0x2ac: {  	v20 =	vld.idx.msk [tilespmem:v22+s1+$0x0], $0xffff  }
0x2ad: {  	v19 =	vmul.f32 v19, v18;
	_ =	sdelay $0x1  }
0x2ae: {  	v19 =	vadd.f32 v19, v11;
	_ =	sdelay $0x1  }
0x2af: {  	v19 =	vmax.f32 v19, $0.0e+00  }
0x2b0: {  	v20 =	vmax.f32 v20, v19  }
0x2b1: {  	[tilespmem:v22+s1+$0x0] =	vst.idx.msk $0xffff, v20  }
0x2b2: {  	[tilespmem:v22+s3+$0x0] =	vst.idx.add.f32.msk $0xffff, v19  }
0x2b3: {  	v19 =	vld [tilespmem:s9+$0x20]  }
0x2b4: {  	v20 =	vld [tilespmem:s9+$0x5020];
	_ =	sdelay $0x1  }
0x2b5: {  	v21 =	vld [tilespmem:s9+$0xA020]  }
0x2b6: {  	v22 =	vor.u32 s17, v4;
	_ =	sdelay $0x1  }
0x2b7: {  	v19 =	vadd.f32 v20, v19;
	_ =	sdelay $0x1  }
0x2b8: {  	v19 =	vadd.f32 v21, v19  }
0x2b9: {  	v20 =	vld.idx.msk [tilespmem:v22+s1+$0x0], $0xffff  }
0x2ba: {  	v19 =	vmul.f32 v19, v18;
	_ =	sdelay $0x1  }
0x2bb: {  	v19 =	vadd.f32 v19, v12;
	_ =	sdelay $0x1  }
0x2bc: {  	v19 =	vmax.f32 v19, $0.0e+00  }
0x2bd: {  	v20 =	vmax.f32 v20, v19  }
0x2be: {  	[tilespmem:v22+s1+$0x0] =	vst.idx.msk $0xffff, v20  }
0x2bf: {  	[tilespmem:v22+s3+$0x0] =	vst.idx.add.f32.msk $0xffff, v19  }
0x2c0: {  	v19 =	vld [tilespmem:s9+$0x30]  }
0x2c1: {  	v20 =	vld [tilespmem:s9+$0x5030]  }
0x2c2: {  	v21 =	vld [tilespmem:s9+$0xA030];
	_ =	sdelay $0x1  }
0x2c3: {  	v22 =	vor.u32 s17, v5;
	_ =	sdelay $0x1  }
0x2c4: {  	v19 =	vadd.f32 v20, v19;
	_ =	sdelay $0x1  }
0x2c5: {  	v19 =	vadd.f32 v21, v19  }
0x2c6: {  	v20 =	vld.idx.msk [tilespmem:v22+s1+$0x0], $0xffff  }
0x2c7: {  	v19 =	vmul.f32 v19, v18;
	_ =	sdelay $0x1  }
0x2c8: {  	v19 =	vadd.f32 v19, v13;
	_ =	sdelay $0x1  }
0x2c9: {  	v19 =	vmax.f32 v19, $0.0e+00  }
0x2ca: {  	v20 =	vmax.f32 v20, v19  }
0x2cb: {  	[tilespmem:v22+s1+$0x0] =	vst.idx.msk $0xffff, v20  }
0x2cc: {  	[tilespmem:v22+s3+$0x0] =	vst.idx.add.f32.msk $0xffff, v19  }
0x2cd: {  	v19 =	vld [tilespmem:s9+$0x40]  }
0x2ce: {  	v20 =	vld [tilespmem:s9+$0x5040];
	_ =	sdelay $0x1  }
0x2cf: {  	v21 =	vld [tilespmem:s9+$0xA040]  }
0x2d0: {  	v22 =	vor.u32 s17, v6;
	_ =	sdelay $0x1  }
0x2d1: {  	v19 =	vadd.f32 v20, v19;
	_ =	sdelay $0x1  }
0x2d2: {  	v19 =	vadd.f32 v21, v19  }
0x2d3: {  	v20 =	vld.idx.msk [tilespmem:v22+s1+$0x0], $0xffff  }
0x2d4: {  	v19 =	vmul.f32 v19, v18;
	_ =	sdelay $0x1  }
0x2d5: {  	v19 =	vadd.f32 v19, v14;
	_ =	sdelay $0x1  }
0x2d6: {  	v19 =	vmax.f32 v19, $0.0e+00  }
0x2d7: {  	v20 =	vmax.f32 v20, v19  }
0x2d8: {  	[tilespmem:v22+s1+$0x0] =	vst.idx.msk $0xffff, v20;
	v20 =	vor.u32 s17, v7  }
0x2d9: {  	[tilespmem:v22+s3+$0x0] =	vst.idx.add.f32.msk $0xffff, v19  }
0x2da: {  	v19 =	vld [tilespmem:s9+$0x50]  }
0x2db: {  	v21 =	vld [tilespmem:s9+$0x5050]  }
0x2dc: {  	v22 =	vld [tilespmem:s9+$0xA050]  }
0x2dd: {  	v23 =	vld.idx.msk [tilespmem:v20+s1+$0x0], $0xffff;
	_ =	sdelay $0x2  }
0x2de: {  	v19 =	vadd.f32 v21, v19;
	_ =	sdelay $0x1  }
0x2df: {  	v19 =	vadd.f32 v22, v19;
	_ =	sdelay $0x1  }
0x2e0: {  	v19 =	vmul.f32 v19, v18;
	_ =	sdelay $0x1  }
0x2e1: {  	v19 =	vadd.f32 v19, v15;
	_ =	sdelay $0x1  }
0x2e2: {  	v19 =	vmax.f32 v19, $0.0e+00  }
0x2e3: {  	v21 =	vmax.f32 v23, v19  }
0x2e4: {  	[tilespmem:v20+s1+$0x0] =	vst.idx.msk $0xffff, v21;
	v21 =	vor.u32 s17, v8  }
0x2e5: {  	[tilespmem:v20+s3+$0x0] =	vst.idx.add.f32.msk $0xffff, v19  }
0x2e6: {  	v19 =	vld [tilespmem:s9+$0x60]  }
0x2e7: {  	v20 =	vld [tilespmem:s9+$0x5060]  }
0x2e8: {  	v22 =	vld [tilespmem:s9+$0xA060]  }
0x2e9: {  	v23 =	vld.idx.msk [tilespmem:v21+s1+$0x0], $0xffff;
	_ =	sdelay $0x2  }
0x2ea: {  	v19 =	vadd.f32 v20, v19;
	_ =	sdelay $0x1  }
0x2eb: {  	v19 =	vadd.f32 v22, v19;
	_ =	sdelay $0x1  }
0x2ec: {  	v19 =	vmul.f32 v19, v18;
	_ =	sdelay $0x1  }
0x2ed: {  	v19 =	vadd.f32 v19, v17;
	_ =	sdelay $0x1  }
0x2ee: {  	v20 =	vmax.f32 v19, $0.0e+00  }
0x2ef: {  	v19 =	vmax.f32 v23, v20  }
0x2f0: {  	[tilespmem:v21+s1+$0x0] =	vst.idx.msk $0xffff, v19;
	v19 =	vor.u32 s17, v9  }
0x2f1: {  	[tilespmem:v21+s3+$0x0] =	vst.idx.add.f32.msk $0xffff, v20  }
0x2f2: {  	v21 =	vld [tilespmem:s9+$0x70]  }
0x2f3: {  	v22 =	vld [tilespmem:s9+$0x5070]  }
0x2f4: {  	v23 =	vld [tilespmem:s9+$0xA070]  }
0x2f5: {  	v20 =	vld.idx.msk [tilespmem:v19+s1+$0x0], $0xffff  }
.Ltmp5:
0x2f6: {  	(pc) =	sbr.rel @p1 .LBB2_8-.Ltmp5, $3  }
0x2f7: {  	_ = 	snop  }
0x2f8: {  	v21 =	vadd.f32 v22, v21;
	_ =	sdelay $0x1  }
0x2f9: {  	v21 =	vadd.f32 v23, v21  }
0x2fa: {  	_ = 	snop  }
0x2fb: {  	v10 =	vmul.f32 v21, v18;
	_ =	sdelay $0x1  }
0x2fc: {  	v10 =	vadd.f32 v10, v16  }
.Ltmp6:
0x2fd: {  	_ = 	snop;
	(pc) =	sbr.rel @p0 .LBB2_13-.Ltmp6, $4  }
0x2fe: {  	v10 =	vmax.f32 v10, $0.0e+00  }
0x2ff: {  	v11 =	vmax.f32 v20, v10  }
0x300: {  	[tilespmem:v19+s1+$0x0] =	vst.idx.msk $0xffff, v11  }
0x301: {  	[tilespmem:v19+s3+$0x0] =	vst.idx.add.f32.msk $0xffff, v10  }
0x302: {  	_ =	swait.ge [sflag:s4], $0x2800  }
0x303: {  	[sflag:s4] =	ssyncset.done $0x0  }
0x304: {  	[sflag:s4] =	ssyncadd.s32 $0xFFFFD800  }
0x305: {  	_ =	swait.ge [sflag:s4], $0x2800  }
0x306: {  	[sflag:s4] =	ssyncset.done $0x0  }
0x307: {  	[sflag:s4] =	ssyncadd.s32 $0xFFFFD800  }
0x308: {  	_ =	swait.ge [sflag:s4], $0x2800  }
0x309: {  	[sflag:s4] =	ssyncset.done $0x0  }
0x30a: {  	[sflag:s4] =	ssyncadd.s32 $0xFFFFD800  }
0x30b: {  	_ =	swait.ge [sflag:s4], $0x50  }
0x30c: {  	[sflag:s4] =	ssyncset.done $0x0  }
0x30d: {  	[sflag:s4] =	ssyncadd.s32 $0xFFFFFFB0  }
0x30e: {  	_ =	swait.ge [sflag:s4], $0x50  }
0x30f: {  	[sflag:s4] =	ssyncset.done $0x0  }
0x310: {  	s8 =	simm.s32 $0xF180;
	[sflag:s4] =	ssyncadd.s32 $0xFFFFFFB0  }
0x311: {  	v10 =	vld [tilespmem:s8+$0x0];
	_ =	sdelay $0x4  }
0x312: {  	(v2sf) =	vpush v10, $0x0;
	_ =	sdelay $0xa  }
0x313: {  	s9 =	simm.s32 $0x0  }
0x314: {  	v11 =	vld [tilespmem:s9+$0x2800]  }
0x315: {  	v10 =	vld [tilespmem:s9+$0x7800];
	_ =	sdelay $0x1  }
0x316: {  	v12 =	vld [tilespmem:s9+$0xC800];
	s17 =	spop (v2sf)  }
0x317: {  	s30 =	simm.s32 $0xF080;
	s17 =	sshll.u32 s17, $0x7  }
0x318: {  	v18 =	vld.msk [tilespmem:s30+$0x0 ss:$0x0], $0xffff;
	v19 =	vor.u32 s17, v0  }
0x319: {  	v13 =	vadd.f32 v10, v11  }
0x31a: {  	v10 =	vld [tilespmem:$0xF200]  }
0x31b: {  	v13 =	vadd.f32 v12, v13  }
0x31c: {  	v14 =	vld [tilespmem:$0xF240]  }
0x31d: {  	v15 =	vmul.f32 v13, v18;
	v20 =	vld.idx.msk [tilespmem:v19+s1+$0x0], $0xffff  }
0x31e: {  	v17 =	vld [tilespmem:$0xF260]  }
0x31f: {  	v11 =	vld [tilespmem:$0xF210];
	v16 =	vadd.f32 v15, v10  }
0x320: {  	v12 =	vld [tilespmem:$0xF220]  }
0x321: {  	v13 =	vld [tilespmem:$0xF230];
	v21 =	vmax.f32 v16, $0.0e+00  }
0x322: {  	v15 =	vld [tilespmem:$0xF250];
	v20 =	vmax.f32 v20, v21  }
0x323: {  	v16 =	vld [tilespmem:$0xF270];
	[tilespmem:v19+s1+$0x0] =	vst.idx.msk $0xffff, v20  }
0x324: {  	[tilespmem:v19+s3+$0x0] =	vst.idx.add.f32.msk $0xffff, v21  }
0x325: {  	v19 =	vld [tilespmem:s9+$0x2810]  }
0x326: {  	v20 =	vld [tilespmem:s9+$0x7810];
	_ =	sdelay $0x1  }
0x327: {  	v21 =	vld [tilespmem:s9+$0xC810];
	_ =	sdelay $0x1  }
0x328: {  	v22 =	vor.u32 s17, v3  }
0x329: {  	v19 =	vadd.f32 v20, v19;
	_ =	sdelay $0x1  }
0x32a: {  	v19 =	vadd.f32 v21, v19;
	_ =	sdelay $0x1  }
0x32b: {  	v20 =	vld.idx.msk [tilespmem:v22+s1+$0x0], $0xffff;
	v19 =	vmul.f32 v19, v18;
	_ =	sdelay $0x1  }
0x32c: {  	v19 =	vadd.f32 v19, v11;
	_ =	sdelay $0x1  }
0x32d: {  	v19 =	vmax.f32 v19, $0.0e+00  }
0x32e: {  	v20 =	vmax.f32 v20, v19  }
0x32f: {  	[tilespmem:v22+s1+$0x0] =	vst.idx.msk $0xffff, v20  }
0x330: {  	[tilespmem:v22+s3+$0x0] =	vst.idx.add.f32.msk $0xffff, v19  }
0x331: {  	v19 =	vld [tilespmem:s9+$0x2820]  }
0x332: {  	v20 =	vld [tilespmem:s9+$0x7820];
	_ =	sdelay $0x1  }
0x333: {  	v21 =	vld [tilespmem:s9+$0xC820];
	_ =	sdelay $0x1  }
0x334: {  	v22 =	vor.u32 s17, v4  }
0x335: {  	v19 =	vadd.f32 v20, v19;
	_ =	sdelay $0x1  }
0x336: {  	v19 =	vadd.f32 v21, v19;
	_ =	sdelay $0x1  }
0x337: {  	v20 =	vld.idx.msk [tilespmem:v22+s1+$0x0], $0xffff;
	v19 =	vmul.f32 v19, v18;
	_ =	sdelay $0x1  }
0x338: {  	v19 =	vadd.f32 v19, v12;
	_ =	sdelay $0x1  }
0x339: {  	v19 =	vmax.f32 v19, $0.0e+00  }
0x33a: {  	v20 =	vmax.f32 v20, v19  }
0x33b: {  	[tilespmem:v22+s1+$0x0] =	vst.idx.msk $0xffff, v20  }
0x33c: {  	[tilespmem:v22+s3+$0x0] =	vst.idx.add.f32.msk $0xffff, v19  }
0x33d: {  	v19 =	vld [tilespmem:s9+$0x2830]  }
0x33e: {  	v20 =	vld [tilespmem:s9+$0x7830];
	_ =	sdelay $0x1  }
0x33f: {  	v21 =	vld [tilespmem:s9+$0xC830];
	_ =	sdelay $0x1  }
0x340: {  	v22 =	vor.u32 s17, v5  }
0x341: {  	v19 =	vadd.f32 v20, v19;
	_ =	sdelay $0x1  }
0x342: {  	v19 =	vadd.f32 v21, v19;
	_ =	sdelay $0x1  }
0x343: {  	v20 =	vld.idx.msk [tilespmem:v22+s1+$0x0], $0xffff;
	v19 =	vmul.f32 v19, v18;
	_ =	sdelay $0x1  }
0x344: {  	v19 =	vadd.f32 v19, v13;
	_ =	sdelay $0x1  }
0x345: {  	v19 =	vmax.f32 v19, $0.0e+00  }
0x346: {  	v20 =	vmax.f32 v20, v19  }
0x347: {  	[tilespmem:v22+s1+$0x0] =	vst.idx.msk $0xffff, v20  }
0x348: {  	[tilespmem:v22+s3+$0x0] =	vst.idx.add.f32.msk $0xffff, v19  }
0x349: {  	v19 =	vld [tilespmem:s9+$0x2840]  }
0x34a: {  	v20 =	vld [tilespmem:s9+$0x7840];
	_ =	sdelay $0x1  }
0x34b: {  	v21 =	vld [tilespmem:s9+$0xC840];
	_ =	sdelay $0x1  }
0x34c: {  	v22 =	vor.u32 s17, v6  }
0x34d: {  	v19 =	vadd.f32 v20, v19;
	_ =	sdelay $0x1  }
0x34e: {  	v19 =	vadd.f32 v21, v19;
	_ =	sdelay $0x1  }
0x34f: {  	v20 =	vld.idx.msk [tilespmem:v22+s1+$0x0], $0xffff;
	v19 =	vmul.f32 v19, v18;
	_ =	sdelay $0x1  }
0x350: {  	v19 =	vadd.f32 v19, v14;
	_ =	sdelay $0x1  }
0x351: {  	v19 =	vmax.f32 v19, $0.0e+00  }
0x352: {  	v20 =	vmax.f32 v20, v19  }
0x353: {  	[tilespmem:v22+s1+$0x0] =	vst.idx.msk $0xffff, v20  }
0x354: {  	[tilespmem:v22+s3+$0x0] =	vst.idx.add.f32.msk $0xffff, v19  }
0x355: {  	v19 =	vld [tilespmem:s9+$0x2850]  }
0x356: {  	v20 =	vld [tilespmem:s9+$0x7850];
	_ =	sdelay $0x1  }
0x357: {  	v21 =	vld [tilespmem:s9+$0xC850];
	_ =	sdelay $0x1  }
0x358: {  	v22 =	vor.u32 s17, v7  }
0x359: {  	v19 =	vadd.f32 v20, v19;
	_ =	sdelay $0x1  }
0x35a: {  	v19 =	vadd.f32 v21, v19;
	_ =	sdelay $0x1  }
0x35b: {  	v20 =	vld.idx.msk [tilespmem:v22+s1+$0x0], $0xffff;
	v19 =	vmul.f32 v19, v18;
	_ =	sdelay $0x1  }
0x35c: {  	v19 =	vadd.f32 v19, v15;
	_ =	sdelay $0x1  }
0x35d: {  	v19 =	vmax.f32 v19, $0.0e+00  }
0x35e: {  	v20 =	vmax.f32 v20, v19  }
0x35f: {  	[tilespmem:v22+s1+$0x0] =	vst.idx.msk $0xffff, v20  }
0x360: {  	[tilespmem:v22+s3+$0x0] =	vst.idx.add.f32.msk $0xffff, v19  }
0x361: {  	v19 =	vld [tilespmem:s9+$0x2860]  }
0x362: {  	v20 =	vld [tilespmem:s9+$0x7860];
	_ =	sdelay $0x1  }
0x363: {  	v21 =	vld [tilespmem:s9+$0xC860];
	_ =	sdelay $0x1  }
0x364: {  	v22 =	vor.u32 s17, v8  }
0x365: {  	v19 =	vadd.f32 v20, v19;
	_ =	sdelay $0x1  }
0x366: {  	v19 =	vadd.f32 v21, v19;
	_ =	sdelay $0x1  }
0x367: {  	v20 =	vld.idx.msk [tilespmem:v22+s1+$0x0], $0xffff;
	v19 =	vmul.f32 v19, v18;
	_ =	sdelay $0x1  }
0x368: {  	v19 =	vadd.f32 v19, v17;
	_ =	sdelay $0x1  }
0x369: {  	v19 =	vmax.f32 v19, $0.0e+00  }
0x36a: {  	v20 =	vmax.f32 v20, v19  }
0x36b: {  	[tilespmem:v22+s1+$0x0] =	vst.idx.msk $0xffff, v20  }
0x36c: {  	[tilespmem:v22+s3+$0x0] =	vst.idx.add.f32.msk $0xffff, v19  }
0x36d: {  	v20 =	vld [tilespmem:s9+$0x2870]  }
0x36e: {  	v21 =	vld [tilespmem:s9+$0x7870];
	_ =	sdelay $0x1  }
0x36f: {  	v19 =	vor.u32 s17, v9;
	v22 =	vld [tilespmem:s9+$0xC870];
	_ =	sdelay $0x2  }
0x370: {  	v21 =	vadd.f32 v21, v20;
	_ =	sdelay $0x1  }
0x371: {  	s31 =	simm.s32 $0x200;
	v20 =	vld.idx.msk [tilespmem:v19+s1+$0x0], $0xffff;
	v21 =	vadd.f32 v22, v21  }
.LBB2_11:
0x372: {  	p1 =	sne.s32 s31, $0x9E00;
	s30 =	sadd.s32 $0x1, s30;
	s8 =	sadd.s32 $0x1, s8  }
0x373: {  	v18 =	vmul.f32 v21, v18;
	s9 =	smov.u32 s31;
	s31 =	sadd.s32 $0x200, s31;
	_ =	sdelay $0x1  }
0x374: {  	v18 =	vadd.f32 v18, v16;
	_ =	sdelay $0x1  }
0x375: {  	v18 =	vmax.f32 v18, $0.0e+00  }
0x376: {  	v20 =	vmax.f32 v20, v18  }
0x377: {  	[tilespmem:v19+s1+$0x0] =	vst.idx.msk $0xffff, v20  }
0x378: {  	[tilespmem:v19+s3+$0x0] =	vst.idx.add.f32.msk $0xffff, v18  }
0x379: {  	v18 =	vld [tilespmem:s8+$0x0];
	_ =	sdelay $0x4  }
0x37a: {  	(v2sf) =	vpush v18, $0x0;
	_ =	sdelay $0xb  }
0x37b: {  	s9 =	sshra.s32 s9, $0x2  }
0x37c: {  	v19 =	vld [tilespmem:s9+$0x7800]  }
0x37d: {  	v20 =	vld [tilespmem:s9+$0x2800]  }
0x37e: {  	s17 =	spop (v2sf)  }
0x37f: {  	s17 =	sshll.u32 s17, $0x7;
	v21 =	vld [tilespmem:s9+$0xC800]  }
0x380: {  	v18 =	vld.msk [tilespmem:s30+$0x0 ss:$0x0], $0xffff;
	v22 =	vor.u32 s17, v0;
	_ =	sdelay $0x1  }
0x381: {  	v19 =	vadd.f32 v19, v20;
	_ =	sdelay $0x1  }
0x382: {  	v19 =	vadd.f32 v21, v19  }
0x383: {  	v20 =	vld.idx.msk [tilespmem:v22+s1+$0x0], $0xffff  }
0x384: {  	v19 =	vmul.f32 v19, v18;
	_ =	sdelay $0x1  }
0x385: {  	v19 =	vadd.f32 v19, v10;
	_ =	sdelay $0x1  }
0x386: {  	v19 =	vmax.f32 v19, $0.0e+00  }
0x387: {  	v20 =	vmax.f32 v20, v19  }
0x388: {  	[tilespmem:v22+s1+$0x0] =	vst.idx.msk $0xffff, v20  }
0x389: {  	[tilespmem:v22+s3+$0x0] =	vst.idx.add.f32.msk $0xffff, v19  }
0x38a: {  	v19 =	vld [tilespmem:s9+$0x2810]  }
0x38b: {  	v20 =	vld [tilespmem:s9+$0x7810]  }
0x38c: {  	v21 =	vld [tilespmem:s9+$0xC810];
	_ =	sdelay $0x1  }
0x38d: {  	v22 =	vor.u32 s17, v3;
	_ =	sdelay $0x1  }
0x38e: {  	v19 =	vadd.f32 v20, v19;
	_ =	sdelay $0x1  }
0x38f: {  	v19 =	vadd.f32 v21, v19  }
0x390: {  	v20 =	vld.idx.msk [tilespmem:v22+s1+$0x0], $0xffff  }
0x391: {  	v19 =	vmul.f32 v19, v18;
	_ =	sdelay $0x1  }
0x392: {  	v19 =	vadd.f32 v19, v11;
	_ =	sdelay $0x1  }
0x393: {  	v19 =	vmax.f32 v19, $0.0e+00  }
0x394: {  	v20 =	vmax.f32 v20, v19  }
0x395: {  	[tilespmem:v22+s1+$0x0] =	vst.idx.msk $0xffff, v20  }
0x396: {  	[tilespmem:v22+s3+$0x0] =	vst.idx.add.f32.msk $0xffff, v19  }
0x397: {  	v19 =	vld [tilespmem:s9+$0x2820]  }
0x398: {  	v20 =	vld [tilespmem:s9+$0x7820];
	_ =	sdelay $0x1  }
0x399: {  	v21 =	vld [tilespmem:s9+$0xC820]  }
0x39a: {  	v22 =	vor.u32 s17, v4;
	_ =	sdelay $0x1  }
0x39b: {  	v19 =	vadd.f32 v20, v19;
	_ =	sdelay $0x1  }
0x39c: {  	v19 =	vadd.f32 v21, v19  }
0x39d: {  	v20 =	vld.idx.msk [tilespmem:v22+s1+$0x0], $0xffff  }
0x39e: {  	v19 =	vmul.f32 v19, v18;
	_ =	sdelay $0x1  }
0x39f: {  	v19 =	vadd.f32 v19, v12;
	_ =	sdelay $0x1  }
0x3a0: {  	v19 =	vmax.f32 v19, $0.0e+00  }
0x3a1: {  	v20 =	vmax.f32 v20, v19  }
0x3a2: {  	[tilespmem:v22+s1+$0x0] =	vst.idx.msk $0xffff, v20  }
0x3a3: {  	[tilespmem:v22+s3+$0x0] =	vst.idx.add.f32.msk $0xffff, v19  }
0x3a4: {  	v19 =	vld [tilespmem:s9+$0x2830]  }
0x3a5: {  	v20 =	vld [tilespmem:s9+$0x7830]  }
0x3a6: {  	v21 =	vld [tilespmem:s9+$0xC830];
	_ =	sdelay $0x1  }
0x3a7: {  	v22 =	vor.u32 s17, v5;
	_ =	sdelay $0x1  }
0x3a8: {  	v19 =	vadd.f32 v20, v19;
	_ =	sdelay $0x1  }
0x3a9: {  	v19 =	vadd.f32 v21, v19  }
0x3aa: {  	v20 =	vld.idx.msk [tilespmem:v22+s1+$0x0], $0xffff  }
0x3ab: {  	v19 =	vmul.f32 v19, v18;
	_ =	sdelay $0x1  }
0x3ac: {  	v19 =	vadd.f32 v19, v13;
	_ =	sdelay $0x1  }
0x3ad: {  	v19 =	vmax.f32 v19, $0.0e+00  }
0x3ae: {  	v20 =	vmax.f32 v20, v19  }
0x3af: {  	[tilespmem:v22+s1+$0x0] =	vst.idx.msk $0xffff, v20  }
0x3b0: {  	[tilespmem:v22+s3+$0x0] =	vst.idx.add.f32.msk $0xffff, v19  }
0x3b1: {  	v19 =	vld [tilespmem:s9+$0x2840]  }
0x3b2: {  	v20 =	vld [tilespmem:s9+$0x7840];
	_ =	sdelay $0x1  }
0x3b3: {  	v21 =	vld [tilespmem:s9+$0xC840]  }
0x3b4: {  	v22 =	vor.u32 s17, v6;
	_ =	sdelay $0x1  }
0x3b5: {  	v19 =	vadd.f32 v20, v19;
	_ =	sdelay $0x1  }
0x3b6: {  	v19 =	vadd.f32 v21, v19  }
0x3b7: {  	v20 =	vld.idx.msk [tilespmem:v22+s1+$0x0], $0xffff  }
0x3b8: {  	v19 =	vmul.f32 v19, v18;
	_ =	sdelay $0x1  }
0x3b9: {  	v19 =	vadd.f32 v19, v14;
	_ =	sdelay $0x1  }
0x3ba: {  	v19 =	vmax.f32 v19, $0.0e+00  }
0x3bb: {  	v20 =	vmax.f32 v20, v19  }
0x3bc: {  	[tilespmem:v22+s1+$0x0] =	vst.idx.msk $0xffff, v20;
	v20 =	vor.u32 s17, v7  }
0x3bd: {  	[tilespmem:v22+s3+$0x0] =	vst.idx.add.f32.msk $0xffff, v19  }
0x3be: {  	v19 =	vld [tilespmem:s9+$0x2850]  }
0x3bf: {  	v21 =	vld [tilespmem:s9+$0x7850]  }
0x3c0: {  	v22 =	vld [tilespmem:s9+$0xC850]  }
0x3c1: {  	v23 =	vld.idx.msk [tilespmem:v20+s1+$0x0], $0xffff;
	_ =	sdelay $0x2  }
0x3c2: {  	v19 =	vadd.f32 v21, v19;
	_ =	sdelay $0x1  }
0x3c3: {  	v19 =	vadd.f32 v22, v19;
	_ =	sdelay $0x1  }
0x3c4: {  	v19 =	vmul.f32 v19, v18;
	_ =	sdelay $0x1  }
0x3c5: {  	v19 =	vadd.f32 v19, v15;
	_ =	sdelay $0x1  }
0x3c6: {  	v19 =	vmax.f32 v19, $0.0e+00  }
0x3c7: {  	v21 =	vmax.f32 v23, v19  }
0x3c8: {  	[tilespmem:v20+s1+$0x0] =	vst.idx.msk $0xffff, v21;
	v21 =	vor.u32 s17, v8  }
0x3c9: {  	[tilespmem:v20+s3+$0x0] =	vst.idx.add.f32.msk $0xffff, v19  }
0x3ca: {  	v19 =	vld [tilespmem:s9+$0x2860]  }
0x3cb: {  	v20 =	vld [tilespmem:s9+$0x7860]  }
0x3cc: {  	v22 =	vld [tilespmem:s9+$0xC860]  }
0x3cd: {  	v23 =	vld.idx.msk [tilespmem:v21+s1+$0x0], $0xffff;
	_ =	sdelay $0x2  }
0x3ce: {  	v19 =	vadd.f32 v20, v19;
	_ =	sdelay $0x1  }
0x3cf: {  	v19 =	vadd.f32 v22, v19;
	_ =	sdelay $0x1  }
0x3d0: {  	v19 =	vmul.f32 v19, v18;
	_ =	sdelay $0x1  }
0x3d1: {  	v19 =	vadd.f32 v19, v17;
	_ =	sdelay $0x1  }
0x3d2: {  	v20 =	vmax.f32 v19, $0.0e+00  }
0x3d3: {  	v19 =	vmax.f32 v23, v20  }
0x3d4: {  	[tilespmem:v21+s1+$0x0] =	vst.idx.msk $0xffff, v19;
	v19 =	vor.u32 s17, v9  }
0x3d5: {  	[tilespmem:v21+s3+$0x0] =	vst.idx.add.f32.msk $0xffff, v20  }
0x3d6: {  	v21 =	vld [tilespmem:s9+$0x2870]  }
0x3d7: {  	v22 =	vld [tilespmem:s9+$0x7870]  }
0x3d8: {  	v23 =	vld [tilespmem:s9+$0xC870]  }
0x3d9: {  	v20 =	vld.idx.msk [tilespmem:v19+s1+$0x0], $0xffff  }
.Ltmp7:
0x3da: {  	(pc) =	sbr.rel @p1 .LBB2_11-.Ltmp7, $3  }
0x3db: {  	_ = 	snop  }
0x3dc: {  	v21 =	vadd.f32 v22, v21;
	_ =	sdelay $0x1  }
0x3dd: {  	v21 =	vadd.f32 v23, v21  }
.Ltmp8:
0x3de: {  	_ = 	snop;
	(pc) =	sbr.rel .LBB2_12-.Ltmp8, $1  }
0x3df: {  	_ =	sdelay $0x3  }
.LBB2_14:
0x3e0: {  	_ =	sfence.sel $0x180000  }
0x3e1: {  	[bflag:$0x0] =	sbarrier.arrive $0xFFFF  }
0x3e2: {  	_ =	strace $0x9000004D  }
0x3e3: {  	s0 =	stileid.u32;
	[bflag:$0x2] =	sbarrier.arrive $0xFFFF  }
0x3e4: {  	p0 =	sne.s32 s0, $0x0;
	s0 =	rddreg [dreg:$0x3]  }
0x3e5: {  	s0 =	sadd.s32 @!p0 $0x100000, s0  }
0x3e6: {  	[sflag:s0] =	ssyncadd.tile.s32 @!p0 $0x1;
	_ =	shalt  }
.Lfunc_end2:
_tile_overlayer_lowered:
.L_overlay_start_2:
0x3e7: {  	(tag) =	ssettag $0x2  }
0x3e8: {  	s0 =	rddreg [dreg:$0x0];
	s2 =	stileid.u32  }
0x3e9: {  	s1 =	rddreg [dreg:$0x1];
	p0 =	sne.s32 s2, $0x0  }
0x3ea: {  	s3 =	rddreg [dreg:$0x2];
	[bflag:$0x3] =	sbarrier.arrive $0xFFFF;
	s2 =	simm.s32 @!p0 $0x1C03  }
0x3eb: {  	[timem:s3], [sflag:s2] =	dma.local @!p0 [hbm:s0], s1  }
0x3ec: {  	s0 =	simm.s32 @!p0 $0x3  }
0x3ed: {  	_ =	swait.ge @!p0 [sflag:s0], s1  }
0x3ee: {  	s1 =	ssub.s32 @!p0 $0x0, s1;
	[sflag:s0] =	ssyncset.done @!p0 $0x0  }
0x3ef: {  	[sflag:s0] =	ssyncadd.s32 @!p0 s1  }
0x3f0: {  	[bflag:$0x3] =	sbarrier.arrive $0xFFFF  }
0x3f1: {  	_ =	shalt  }

// kernel: kernel.7.cloned.1.call-start
scs
__scs_entry_jumppad:
0x0: {  	(pc) =	sbr.rel $0x88, $3  }
0x1: {  	(tag) =	ssettag $0x0;
	lr =	simm.s32 $0x1  }
0x2: {  	[smem:$0x3F96] =	sst lr;
	_ =	strace $0xD0000000  }
0x3: {  	_ = 	snop  }
0x4: {  	_ = 	snop  }
0x5: {  	_ = 	snop  }
0x6: {  	_ = 	snop  }
0x7: {  	_ = 	snop  }
__scs_overlays_trampoline_lowered:
0x8: {  	[smem:$0x3FA5] =	sst s0  }
0x9: {  	[smem:$0x3FA6] =	sst s1  }
0xa: {  	[smem:$0x3FA7] =	sst s2  }
0xb: {  	[smem:$0x3FA8] =	sst s3  }
0xc: {  	[smem:$0x3FA9] =	sst s4  }
0xd: {  	[smem:$0x3FAA] =	sst s5  }
0xe: {  	[smem:$0x3FAB] =	sst s6  }
0xf: {  	[smem:$0x3FAC] =	sst s7  }
0x10: {  	[smem:$0x3FAD] =	sst s8  }
0x11: {  	[smem:$0x3FAE] =	sst s9;
	s0 =	simm.s32 @!p0 $0x0  }
0x12: {  	s1 =	sld [smem:$0x3F94];
	s0 =	simm.s32 @p0 $0x1  }
0x13: {  	[smem:$0x3FAF] =	sst s0;
	s0 =	simm.s32 @!p1 $0x0  }
0x14: {  	s2 =	sld [smem:$0x3F93];
	s0 =	simm.s32 @p1 $0x1  }
0x15: {  	[smem:$0x3FB0] =	sst s0;
	s0 =	simm.s32 @!p2 $0x0  }
0x16: {  	s3 =	sld [smem:$0x3FDB];
	s0 =	simm.s32 @p2 $0x1  }
0x17: {  	s4 =	simm.s32 $0x1BF5;
	[smem:$0x3FB2] =	sst s0  }
0x18: {  	s0 =	sld [smem:$0x3F95];
	_ =	swait.ge [sflag:s4], $0x0  }
0x19: {  	s7 =	sld [smem:$0x3F96]  }
0x1a: {  	s8 =	sadd.s32 $0xFFFFE003, lr  }
0x1b: {  	s9 =	sadd.s32 $0xFFFFFEF7, lr;
	s5 =	simm.s32 $0xFFFFFFFF;
	p2 =	slt.u32 s8, $0xFFFFF086  }
0x1c: {  	p1 =	slt.u32 s9, $0xF7A;
	s5 =	simm.s32 @!p2 $0x0  }
0x1d: {  	s5 =	simm.s32 @p1 $0x1;
	p0 =	seq.s32 s7, s2  }
0x1e: {  	s7 =	smul.u32 @!p0 $0xF7A, s2;
	p2 =	seq.s32 @!p0 s5, $0x0  }
0x1f: {  	s9 =	smul.u32 $0xF7A, s1;
	s8 =	simm.s32 @!p0 $0x1BF5;
	p2 =	por !p2, p0  }
0x20: {  	[sflag:s8] =	ssyncset.s32 @!p0 $0xFFFFF086;
	s6 =	sadd.s32 @!p0 s3, s7;
	s7 =	simm.s32 @!p0 $0x108  }
0x21: {  	s3 =	sadd.s32 s3, s9;
	s6 =	sadd.s32 @!p0 $0x88, s6;
	s7 =	simm.s32 @p2 $0x1082  }
0x22: {  	[simem:s7], [sflag:s8] =	dma.local @!p0 [hbm:s6], $0xF7A  }
0x23: {  	s9 =	sor.u32 $0xD0000000, s2;
	s6 =	simm.s32 $0x108;
	_ =	swait.ge @!p0 [sflag:s8], $0x0  }
0x24: {  	s3 =	sadd.s32 $0x88, s3;
	s6 =	simm.s32 @!p1 $0x1082;
	[sflag:s4] =	ssyncset.s32 $0xFFFFF086  }
0x25: {  	[simem:s6], [sflag:s4] =	dma.local [hbm:s3], $0xF7A  }
0x26: {  	[smem:$0x3F96] =	sst s1;
	(tag) =	ssettag s2;
	_ =	strace s9  }
0x27: {  	s1 =	sld [smem:$0x3FA6]  }
0x28: {  	s2 =	sld [smem:$0x3FA7]  }
0x29: {  	s4 =	sld [smem:$0x3FA9]  }
0x2a: {  	p0 =	seq.s32 s5, $0x0;
	s5 =	sld [smem:$0x3FAA]  }
0x2b: {  	s6 =	sld [smem:$0x3FAB]  }
0x2c: {  	s7 =	sld [smem:$0x3FAC]  }
0x2d: {  	s3 =	simm.s32 $0x108;
	s8 =	sld [smem:$0x3FAD]  }
0x2e: {  	s3 =	simm.s32 @!p0 $0x1082;
	s9 =	sld [smem:$0x3FAE]  }
0x2f: {  	lr =	sadd.s32 s0, s3;
	s0 =	sld [smem:$0x3FA5]  }
0x30: {  	s3 =	sld [smem:$0x3FA8]  }
0x31: {  	[smem:$0x3FB1] =	sst s10  }
0x32: {  	s10 =	sld [smem:$0x3FAF];
	_ =	sdelay $0x3  }
0x33: {  	p0 =	seq.s32 s10, $0x1;
	s10 =	sld [smem:$0x3FB1];
	_ =	sdelay $0x3  }
0x34: {  	[smem:$0x3FB1] =	sst s10  }
0x35: {  	s10 =	sld [smem:$0x3FB0];
	_ =	sdelay $0x3  }
0x36: {  	p1 =	seq.s32 s10, $0x1;
	s10 =	sld [smem:$0x3FB1];
	_ =	sdelay $0x3  }
0x37: {  	[smem:$0x3FB1] =	sst s10  }
0x38: {  	s10 =	sld [smem:$0x3FB2]  }
0x39: {  	_ = 	snop;
	(pc) =	sbr.ind lr, $3  }
0x3a: {  	_ = 	snop  }
0x3b: {  	_ = 	snop  }
0x3c: {  	p2 =	seq.s32 s10, $0x1;
	s10 =	sld [smem:$0x3FB1]  }
0x3d: {  	_ =	shalt  }
0x3e: {  	_ =	shalt  }
0x3f: {  	_ =	shalt  }
0x40: {  	_ =	shalt  }
0x41: {  	_ =	shalt  }
0x42: {  	_ =	shalt  }
0x43: {  	_ =	shalt  }
0x44: {  	_ =	shalt  }
0x45: {  	_ =	shalt  }
0x46: {  	_ =	shalt  }
0x47: {  	_ =	shalt  }
0x48: {  	_ =	shalt  }
0x49: {  	_ =	shalt  }
0x4a: {  	_ =	shalt  }
0x4b: {  	_ =	shalt  }
0x4c: {  	_ =	shalt  }
0x4d: {  	_ =	shalt  }
0x4e: {  	_ =	shalt  }
0x4f: {  	_ =	shalt  }
0x50: {  	_ =	shalt  }
0x51: {  	_ =	shalt  }
0x52: {  	_ =	shalt  }
0x53: {  	_ =	shalt  }
0x54: {  	_ =	shalt  }
0x55: {  	_ =	shalt  }
0x56: {  	_ =	shalt  }
0x57: {  	_ =	shalt  }
0x58: {  	_ =	shalt  }
0x59: {  	_ =	shalt  }
0x5a: {  	_ =	shalt  }
0x5b: {  	_ =	shalt  }
0x5c: {  	_ =	shalt  }
0x5d: {  	_ =	shalt  }
0x5e: {  	_ =	shalt  }
0x5f: {  	_ =	shalt  }
0x60: {  	_ =	shalt  }
0x61: {  	_ =	shalt  }
0x62: {  	_ =	shalt  }
0x63: {  	_ =	shalt  }
0x64: {  	_ =	shalt  }
0x65: {  	_ =	shalt  }
0x66: {  	_ =	shalt  }
0x67: {  	_ =	shalt  }
0x68: {  	_ =	shalt  }
0x69: {  	_ =	shalt  }
0x6a: {  	_ =	shalt  }
0x6b: {  	_ =	shalt  }
0x6c: {  	_ =	shalt  }
0x6d: {  	_ =	shalt  }
0x6e: {  	_ =	shalt  }
0x6f: {  	_ =	shalt  }
0x70: {  	_ =	shalt  }
0x71: {  	_ =	shalt  }
0x72: {  	_ =	shalt  }
0x73: {  	_ =	shalt  }
0x74: {  	_ =	shalt  }
0x75: {  	_ =	shalt  }
0x76: {  	_ =	shalt  }
0x77: {  	_ =	shalt  }
0x78: {  	_ =	shalt  }
0x79: {  	_ =	shalt  }
0x7a: {  	_ =	shalt  }
0x7b: {  	_ =	shalt  }
0x7c: {  	_ =	shalt  }
0x7d: {  	_ =	shalt  }
0x7e: {  	_ =	shalt  }
0x7f: {  	_ =	shalt  }
0x80: {  	_ =	shalt  }
0x81: {  	_ =	shalt  }
0x82: {  	_ =	shalt  }
0x83: {  	_ =	shalt  }
0x84: {  	_ =	shalt  }
0x85: {  	_ =	shalt  }
0x86: {  	_ =	shalt  }
0x87: {  	_ =	shalt  }
.Lfunc_end0:
.L_simem_size_0:
called_computation_lowered:
.L_overlay_start_0:
0x88: {  	s2 =	sld [smem:$0x3FD9]  }
0x89: {  	s3 =	sld [smem:$0x3FFE];
	_ =	sdelay $0x1  }
0x8a: {  	s1 =	srdreg.scid  }
0x8b: {  	s0 =	sand.u32 $0x1, s1  }
0x8c: {  	s16 =	sshll.u32 s0, $0xA;
	s2 =	sadd.s32 s3, s2  }
0x8d: {  	s2 =	sadd.s32 s2, s16  }
0x8e: {  	[smem:$0x3FBD] =	sst s2  }
0x8f: {  	_ = 	snop  }
0x90: {  	(tm) =	ssettm $0x1  }
0x91: {  	s17 =	sld [smem:$0x3FFB];
	_ =	sdelay $0x3  }
0x92: {  	_ =	strace s17  }
0x93: {  	s2 =	sld [smem:$0x3FFC];
	_ =	sdelay $0x3  }
0x94: {  	_ =	strace s2  }
0x95: {  	s2 =	sld [smem:$0x3FFD];
	_ =	sdelay $0x3  }
0x96: {  	_ =	strace s2  }
0x97: {  	_ =	strace $0x8FFFFFFF  }
0x98: {  	s18 =	sld [smem:$0x3FDB];
	_ =	sdelay $0x1  }
0x99: {  	s19 =	simm.s32 $_scs_section_size  }
0x9a: {  	s4 =	simm.s32 $_size__tile_overlayer_lowered;
	s5 =	simm.s32 $_tile_overlayer_lowered  }
0x9b: {  	s22 =	simm.s32 $0x1BFF;
	s21 =	sshll.u32 s5, $0x1;
	s2 =	sadd.s32 s19, s18  }
0x9c: {  	s6 =	simm.s32 $0x0;
	s20 =	sshll.u32 s4, $0x1;
	s4 =	sadd.s32 s21, s2  }
0x9d: {  	[timem:s6], [sflag:s22] =	dma.local [hbm:s4], s20  }
0x9e: {  	_ =	swait.ge [sflag:s22], s20  }
0x9f: {  	s3 =	ssub.s32 $0x0, s20;
	[sflag:s22] =	ssyncset.done $0x0  }
0xa0: {  	[sflag:s22] =	ssyncadd.s32 s3;
	_ =	sdelay $0x1  }
0xa1: {  	s23 =	simm.s32 $0x1B8B  }
0xa2: {  	_ =	swait.ge [sflag:s23], $0x1  }
0xa3: {  	[sflag:s23] =	ssyncset.done $0x0  }
0xa4: {  	s25 =	simm.s32 $0x1B8E;
	s24 =	sld [smem:$0x3FFE];
	[sflag:s23] =	ssyncadd.s32 $0xFFFFFFFF  }
0xa5: {  	s26 =	simm.s32 $execute0_lowered;
	[smem:$0x3FD2] =	sst s25  }
0xa6: {  	s4 =	sshll.u32 s26, $0x1;
	_ =	strace $0x80000046;
	[dreg:$0x1] =	wrdreg $0xFFFFFFFF  }
0xa7: {  	s28 =	simm.s32 $_size_execute0_lowered;
	s2 =	sadd.s32 s2, s4;
	[dreg:$0x0] =	wrdreg $0x0  }
0xa8: {  	s4 =	sshll.u32 s28, $0x1;
	[dreg:$0x2] =	wrdreg s2  }
0xa9: {  	[dreg:$0x3] =	wrdreg s4  }
0xaa: {  	[dreg:$0x4] =	wrdreg $0xC0  }
0xab: {  	_ =	task [dreg:s6], $0x5FFFF  }
0xac: {  	[dreg:$0x1] =	wrdreg $0xFFFFFFFF  }
0xad: {  	[dreg:$0x0] =	wrdreg $0x60  }
0xae: {  	[dreg:$0x2] =	wrdreg s24  }
0xaf: {  	[dreg:$0x3] =	wrdreg $0x76800  }
0xb0: {  	[dreg:$0x4] =	wrdreg $0x9  }
0xb1: {  	_ =	task.clear_ibuf [dreg:s6], $0x5FFFF;
	_ =	strace $0x90000046  }
0xb2: {  	s29 =	simm.s32 $0x9;
	_ =	strace $0x80000048  }
0xb3: {  	_ =	swait.ge [sflag:s29], $0x1  }
0xb4: {  	[sflag:s29] =	ssyncadd.s32 $0xFFFFFFFF  }
0xb5: {  	_ =	strace $0x90000048  }
0xb6: {  	_ =	sfence  }
0xb7: {  	s30 =	sld [smem:$0x0];
	_ =	sdelay $0x2  }
0xb8: {  	s31 =	sshll.u32 s1, $0xD;
	s1 =	sshrl.u32 s1, $0x2  }
0xb9: {  	s3 =	sand.u32 $0x4000, s31;
	s1 =	sadd.s32 s1, s30  }
0xba: {  	s0 =	sor.u32 s3, s0;
	s1 =	sshll.u32 s1, $0x11  }
0xbb: {  	s0 =	sor.u32 s1, s0  }
0xbc: {  	s0 =	sadd.s32 $0x8F2B, s0  }
0xbd: {  	[sflag:s0] =	ssyncadd.remote.s32 $0x1  }
0xbe: {  	_ =	sfence.sel $0xFFFF  }
0xbf: {  	[dreg:$0x0] =	wrdreg $0xFFFFFFFF;
	(pc) =	sbr.abs _section_cstart, $3  }
0xc0: {  	[dreg:$0x1] =	wrdreg $0xFFFFFFFF  }
0xc1: {  	_ =	task.clear_ibuf [dreg:s6], $0x2FFFF;
	_ =	strace $0x9FFFFFFF  }
0xc2: {  	(tm) =	ssettm $0x7FFFFFFF  }
0xc3: {  	_ =	shalt  }
tec
execute0_lowered:
.L_overlay_start_1:
0x0: {  	(tag) =	ssettag $0x1  }
0x1: {  	s0 =	srdreg.scid;
	s4 =	rddreg [dreg:$0x0]  }
0x2: {  	s6 =	stileid.u32;
	s1 =	rddreg [dreg:$0x1]  }
0x3: {  	s2 =	simm.s32 $0x0;
	s3 =	sand.u32 $0x1, s0;
	s0 =	rddreg [dreg:$0x2]  }
0x4: {  	s9 =	simm.s32 $0x2780;
	s11 =	simm.s32 $0x0;
	[smem:$0x7FF] =	sst s2  }
0x5: {  	p0 =	sne.s32 s6, $0x0;
	s5 =	sshll.u32 s3, $0x4;
	s3 =	ssub.s32 $0x2, s3  }
.Ltmp0:
0x6: {  	_ =	strace $0x80000047;
	s7 =	sor.u32 s6, s5;
	(pc) =	sbr.rel .LBB2_1-.Ltmp0, $4  }
0x7: {  	s10 =	sshrl.u32 @!p0 s1, $0x3;
	s8 =	sshrl.u32 s3, $0x1;
	s7 =	smul.u32 $0x4E2, s7  }
0x8: {  	s6 =	simm.s32 $0x4F00;
	s31 =	ssub.s32 s3, s8;
	s8 =	simm.s32 $0x2710  }
0x9: {  	s7 =	sadd.s32 s7, s4;
	s4 =	sadd.s32 s5, s4;
	s5 =	smax.u32 s31, $0x1  }
0xa: {  	v0 =	vimm.f32 $1.000000000e+00;
	v1 =	vimm.f32 $0.0e+00;
	s3 =	sadd.s32 $0xC800, s7;
	s4 =	sadd.s32 $0x16600, s4;
	s7 =	simm.s32 $0x1  }
.LBB2_6:
0xb: {  	[tilespmem:s13+$0x4F00] =	vst v1  }
0xc: {  	[spmem:s1] =	stream.linear.scatter [tilespmem:s6], [sflag:$0x1], $0x2780, $0x38;
	[tilespmem:$0x78F8] =	vst v63  }
0xd: {  	_ =	swait.ge [sflag:s7], $0x2780  }
0xe: {  	[sflag:s7] =	ssyncset.done $0x0  }
0xf: {  	[sflag:s7] =	ssyncadd.s32 $0xFFFFD880  }
.LBB2_7:
0x10: {  	[bflag:$0x0] =	sbarrier.arrive $0xFFFF  }
0x11: {  	[tilespmem:s2], [sflag:$0x1] =	stream.linear.gather [hbm4b:s3+s2], $0x2710, $0x38;
	[tilespmem:$0x78F8] =	vst v63  }
0x12: {  	_ =	swait.ge [sflag:s7], $0x2710  }
0x13: {  	[sflag:s7] =	ssyncset.done $0x0  }
0x14: {  	[sflag:s7] =	ssyncadd.s32 $0xFFFFD8F0  }
0x15: {  	[spmem:s1] =	stream.indirect.scatter.add.f32 [tilespmem:s9], [sflag:$0x1], $0x1, s2, s8, $0xb8;
	[tilespmem:$0x78F8] =	vst v63  }
0x16: {  	s12 =	simm.s32 @!p0 $0x1;
	_ =	swait.ge [sflag:s7], $0x2710  }
0x17: {  	s13 =	simm.s32 @!p0 $0x20;
	s11 =	sadd.s32 $0x1, s11;
	[sflag:s7] =	ssyncset.done $0x0  }
0x18: {  	s14 =	simm.s32 @!p0 $0x10;
	p1 =	sne.s32 s11, s5;
	[sflag:s7] =	ssyncadd.s32 $0xFFFFD8F0  }
.Ltmp1:
0x19: {  	s15 =	simm.s32 @!p0 $0x1C01;
	[bflag:$0x0] =	sbarrier.arrive $0xFFFF;
	(pc) =	sbr.rel @!p1 .LBB2_8-.Ltmp1, $4  }
0x1a: {  	[hbm:s4@s13], [sflag:s15] =	dma.strided @!p0 [spmem:s10@s14], $0x4F0, s12, $0x10   }
0x1b: {  	_ =	swait.ge @!p0 [sflag:s12], $0x4F0  }
0x1c: {  	[sflag:s12] =	ssyncset.done @!p0 $0x0  }
0x1d: {  	[sflag:s12] =	ssyncadd.s32 @!p0 $0xFFFFFB10  }
.LBB2_1:
0x1e: {  	s12 =	simm.s32 $0x40;
	s13 =	simm.s32 $0x0  }
.LBB2_2:
0x1f: {  	p1 =	sne.s32 s12, $0x9C00;
	[tilespmem:s13+$0x2780] =	vst v0;
	s13 =	smov.u32 s12;
	s12 =	sadd.s32 $0x40, s12  }
.Ltmp2:
0x20: {  	(pc) =	sbr.rel @p1 .LBB2_2-.Ltmp2, $2  }
0x21: {  	_ =	sdelay $0x2  }
0x22: {  	s13 =	sshra.s32 s13, $0x2  }
.Ltmp3:
0x23: {  	(pc) =	sbr.rel @p0 .LBB2_7-.Ltmp3, $2  }
0x24: {  	_ =	sdelay $0x2  }
0x25: {  	[tilespmem:s13+$0x2780] =	vst v0  }
0x26: {  	s12 =	simm.s32 $0x40;
	s13 =	simm.s32 $0x0  }
.LBB2_5:
0x27: {  	p1 =	sne.s32 s12, $0x9C00;
	[tilespmem:s13+$0x4F00] =	vst v1;
	s13 =	smov.u32 s12;
	s12 =	sadd.s32 $0x40, s12  }
.Ltmp4:
0x28: {  	(pc) =	sbr.rel @p1 .LBB2_5-.Ltmp4, $2  }
0x29: {  	_ =	sdelay $0x2  }
0x2a: {  	s13 =	sshra.s32 s13, $0x2  }
.Ltmp5:
0x2b: {  	_ = 	snop;
	(pc) =	sbr.rel .LBB2_6-.Ltmp5, $1  }
0x2c: {  	_ =	sdelay $0x3  }
.LBB2_8:
0x2d: {  	_ =	sfence.sel $0x180000  }
0x2e: {  	[bflag:$0x0] =	sbarrier.arrive $0xFFFF  }
0x2f: {  	_ =	strace $0x90000047  }
0x30: {  	s0 =	sadd.s32 @!p0 $0x100000, s0;
	[bflag:$0x2] =	sbarrier.arrive $0xFFFF  }
0x31: {  	[sflag:s0] =	ssyncadd.tile.s32 @!p0 $0x1;
	_ =	shalt  }
.Lfunc_end2:
_tile_overlayer_lowered:
.L_overlay_start_2:
0x32: {  	(tag) =	ssettag $0x2  }
0x33: {  	s0 =	rddreg [dreg:$0x0];
	s2 =	stileid.u32  }
0x34: {  	s1 =	rddreg [dreg:$0x1];
	p0 =	sne.s32 s2, $0x0  }
0x35: {  	s3 =	rddreg [dreg:$0x2];
	[bflag:$0x3] =	sbarrier.arrive $0xFFFF;
	s2 =	simm.s32 @!p0 $0x1C01  }
0x36: {  	[timem:s3], [sflag:s2] =	dma.local @!p0 [hbm:s0], s1  }
0x37: {  	s0 =	simm.s32 @!p0 $0x1  }
0x38: {  	_ =	swait.ge @!p0 [sflag:s0], s1  }
0x39: {  	s1 =	ssub.s32 @!p0 $0x0, s1;
	[sflag:s0] =	ssyncset.done @!p0 $0x0  }
0x3a: {  	[sflag:s0] =	ssyncadd.s32 @!p0 s1  }
0x3b: {  	[bflag:$0x3] =	sbarrier.arrive $0xFFFF  }
0x3c: {  	_ =	shalt  }

</sc_bundles>
